<compile_context>
chip_gen: v7x
topology: tpu7x:2x2x1
jax: 0.10.2.dev20260603
libtpu: 0.0.44.dev20260713+nightly
codegen_flags: <defaults>
</compile_context>

<pallas_src>
import jax
import jax.numpy as jnp
from jax import lax
from jax.experimental import pallas as pl
from jax.experimental.pallas import tpu as pltpu
from jax.experimental.pallas import tpu_sc as plsc

B = 4096
S = 128
V = 100000
D = 128
C = 2
F = 768
K = 128
GAMMA = 0.1
ALPHA = 0.2
MIN_VW = 0.0

NW = 32
BPW = B // NW
NBUF = 4


def _pool_body(emb_hbm, ids_hbm, out_hbm, ids_v, rows_v, acc_v, *sems):
    wid = lax.axis_index("s") * 2 + lax.axis_index("c")
    base = wid * BPW
    pltpu.sync_copy(ids_hbm.at[pl.ds(base, BPW)], ids_v)
    for bf in range(NBUF):
        pltpu.async_copy(emb_hbm.at[ids_v.at[bf]], rows_v.at[bf], sems[bf])

    @pl.loop(0, BPW // NBUF)
    def _(g):
        for bf in range(NBUF):
            i = NBUF * g + bf
            pltpu.make_async_copy(emb_hbm.at[ids_v.at[i]],
                                  rows_v.at[bf], sems[bf]).wait()

            def _acc(t, p):
                out = []
                for j in range(8):
                    q = p[j]
                    for r in range(4):
                        q = q + rows_v[bf, 4 * t + r, pl.ds(16 * j, 16)]
                    out.append(q)
                return tuple(out)

            zero = jnp.zeros((16,), jnp.float32)
            p = lax.fori_loop(0, S // 4, _acc, (zero,) * 8)
            for j in range(8):
                acc_v[i, pl.ds(16 * j, 16)] = p[j]

            @pl.when(i + NBUF < BPW)
            def _():
                pltpu.async_copy(emb_hbm.at[ids_v.at[i + NBUF]],
                                 rows_v.at[bf], sems[bf])

    pltpu.sync_copy(acc_v, out_hbm.at[pl.ds(base, BPW)])


def _pool_call(emb, ids):
    return pl.kernel(
        _pool_body,
        out_type=jax.ShapeDtypeStruct((B, D), jnp.float32),
        mesh=plsc.VectorSubcoreMesh(core_axis_name="c", subcore_axis_name="s"),
        scratch_types=[
            pltpu.VMEM((BPW, S), jnp.int32),
            pltpu.VMEM((NBUF, S, D), jnp.float32),
            pltpu.VMEM((BPW, D), jnp.float32),
        ] + [pltpu.SemaphoreType.DMA] * NBUF,
    )(emb, ids)


def _final_body(gstats_ref, cc_ref, adj_ref, eal_ref, eai_ref, out_ref):
    gl_raw = gstats_ref[0:1, :]
    gc = gstats_ref[1:2, :]
    denom = gc + (gc == 0.0).astype(jnp.float32)
    gl = gl_raw / denom

    prev_w = ((1.0 - GAMMA * (gc > 0.0).astype(jnp.float32))
              * (eai_ref[...] > 0.0).astype(jnp.float32))
    eal_new = eal_ref[...] * prev_w + gl * (1.0 - prev_w)
    ccn = cc_ref[...] * 0.95 + 0.05 * gc
    adjusted = eal_new + adj_ref[...] / jnp.sqrt(ccn)
    frac = ccn / jnp.sum(ccn)

    a_row = adjusted
    ii = lax.broadcasted_iota(jnp.int32, (K, K), 0)
    jj = lax.broadcasted_iota(jnp.int32, (K, K), 1)
    av_j = jnp.broadcast_to(a_row, (K, K))
    av_i = jnp.transpose(av_j)
    h = jnp.where((av_j > av_i) | ((av_j == av_i) & (jj < ii)), 1.0, 0.0)
    rank_col = jnp.sum(h, axis=1, keepdims=True)
    hc = jnp.where((av_i > av_j) | ((av_i == av_j) & (ii < jj)), 1.0, 0.0)
    rank_row = jnp.sum(hc, axis=0, keepdims=True)

    le = (jnp.broadcast_to(rank_row, (K, K))
          <= jnp.broadcast_to(rank_col, (K, K))).astype(jnp.float32)
    frac_b = jnp.broadcast_to(frac, (K, K))
    cum = jnp.sum(frac_b * le, axis=1, keepdims=True)

    cutoff = jnp.sum((cum < ALPHA).astype(jnp.float32))
    cutoff = jnp.where(cutoff == float(K), float(K) - 1.0, cutoff)

    lt = (rank_row < cutoff).astype(jnp.float32)
    eq = (rank_row == cutoff).astype(jnp.float32)
    leftover = 1.0 - jnp.sum(frac * lt) / ALPHA
    fcut = jnp.sum(frac * eq)
    tiebreak = leftover / fcut
    adv = lt * (1.0 / ALPHA) + eq * tiebreak + (1.0 - lt - eq) * MIN_VW
    out_ref[...] = jnp.sum(gl * adv).reshape(1, 1)


def _final_call(gstats, cc, adj, eal, eai):
    return pl.pallas_call(
        _final_body,
        out_shape=jax.ShapeDtypeStruct((1, 1), jnp.float32),
    )(gstats, cc, adj, eal, eai)


def kernel(input_ids, attention_mask, group, group_features, labels,
           W1, b1, W2, b2, W3, b3, emb, Wc, bc,
           count_cat, adj, exp_avg_loss, exp_avg_initialized):
    pooled_sum = _pool_call(emb, input_ids.astype(jnp.int32))

    m = attention_mask.astype(jnp.float32)[..., None]
    pooled = pooled_sum / jnp.clip(m.sum(axis=1), 1.0, None)
    logits = pooled @ Wc + bc
    logz = jax.nn.logsumexp(logits, axis=-1)
    psl = logz - jnp.take_along_axis(logits, labels[:, None], axis=1)[:, 0]

    h = jax.nn.relu(group_features @ W1 + b1)
    h = jax.nn.relu(h @ W2 + b2)
    gd = jax.nn.softmax(h @ W3 + b3, axis=-1)
    gl_raw = (gd * psl[:, None]).sum(axis=0)
    gc = gd.sum(axis=0)
    gstats = jnp.stack([gl_raw, gc])

    loss = _final_call(gstats, count_cat.reshape(1, K), adj.reshape(1, K),
                       exp_avg_loss.reshape(1, K),
                       exp_avg_initialized.reshape(1, K))
    return loss[0, 0], logits

# --- scband reference (transcript-rebuilt; emitter-appended) ---
"""Pipeline reference for scband-domino-slicer-67662914781714 (READ-ONLY COPY).

The authoritative reference and input builder live on the scoring server;
editing this copy changes nothing except your own understanding.
"""

import jax, jax.numpy as jnp
import numpy as np

B = 4096; S = 128; V = 100000; D = 128; C = 2; F = 768; K = 128
GAMMA = 0.1; ALPHA = 0.2; MIN_VW = 0.0


def setup_inputs(seed: int = 0):
    key = jax.random.key(seed)
    ks = jax.random.split(key, 16)
    inp = {}
    inp["input_ids"] = jax.random.randint(ks[0], (B, S), 0, V)
    inp["attention_mask"] = jnp.ones((B, S), dtype=jnp.int32)
    inp["group"] = jax.random.randint(ks[1], (B,), 0, K)
    inp["group_features"] = jax.random.normal(ks[2], (B, F), dtype=jnp.float32)
    inp["labels"] = jax.random.randint(ks[3], (B,), 0, C)
    inp["W1"] = jax.random.normal(ks[4], (F, 64), dtype=jnp.float32) / np.sqrt(F)
    inp["b1"] = jnp.zeros((64,), dtype=jnp.float32)
    inp["W2"] = jax.random.normal(ks[5], (64, 32), dtype=jnp.float32) / np.sqrt(64.0)
    inp["b2"] = jnp.zeros((32,), dtype=jnp.float32)
    inp["W3"] = jax.random.normal(ks[6], (32, K), dtype=jnp.float32) / np.sqrt(32.0)
    inp["b3"] = jnp.zeros((K,), dtype=jnp.float32)
    inp["emb"] = jax.random.normal(ks[7], (V, D), dtype=jnp.float32) * 0.02
    inp["Wc"] = jax.random.normal(ks[8], (D, C), dtype=jnp.float32) / np.sqrt(D)
    inp["bc"] = jnp.zeros((C,), dtype=jnp.float32)
    inp["count_cat"] = jnp.ones((K,), dtype=jnp.float32)
    inp["adj"] = jnp.zeros((K,), dtype=jnp.float32)
    inp["exp_avg_loss"] = jnp.zeros((K,), dtype=jnp.float32)
    inp["exp_avg_initialized"] = jnp.zeros((K,), dtype=jnp.float32)
    return inp


def _domino_forward(group_features, W1, b1, W2, b2, W3, b3, emb, Wc, bc,
                    input_ids, attention_mask, labels,
                    count_cat, adj, exp_avg_loss, exp_avg_initialized):
    # grouper_model: Linear -> ReLU -> Linear -> ReLU -> Linear -> Softmax
    h = jax.nn.relu(group_features @ W1 + b1)
    h = jax.nn.relu(h @ W2 + b2)
    group_distribution = jax.nn.softmax(h @ W3 + b3, axis=-1)  # [B, K]

    # task model: embedding lookup (SparseCore gather) + masked mean pool + linear head
    tok = jnp.take(emb, input_ids, axis=0)  # [B, S, D]
    m = attention_mask.astype(jnp.float32)[..., None]
    pooled = (tok * m).sum(axis=1) / jnp.clip(m.sum(axis=1), 1.0, None)
    logits = pooled @ Wc + bc  # [B, C]
    logZ = jax.nn.logsumexp(logits, axis=-1)
    per_sample_losses = logZ - jnp.take_along_axis(logits, labels[:, None], axis=1)[:, 0]

    # compute_soft_group_loss
    group_losses = (group_distribution * per_sample_losses[:, None]).sum(axis=0)  # [K]
    group_count = group_distribution.sum(axis=0)
    group_denom = group_count + (group_count == 0).astype(jnp.float32)
    group_losses = group_losses / group_denom

    # update_exp_avg_loss (detached stats)
    gl_det = jax.lax.stop_gradient(group_losses)
    gc_det = jax.lax.stop_gradient(group_count)
    prev_w = (1.0 - GAMMA * (gc_det > 0).astype(jnp.float32)) * (exp_avg_initialized > 0).astype(jnp.float32)
    curr_w = 1.0 - prev_w
    exp_avg_loss_new = exp_avg_loss * prev_w + gl_det * curr_w
    count_cat_new = count_cat * 0.95 + 0.05 * gc_det

    adjusted = exp_avg_loss_new + adj / jnp.sqrt(count_cat_new)

    # compute_loss_greedy: sort descending, cumulative-mass cutoff, scatter weights
    sorted_idx = jnp.argsort(-adjusted)
    past_frac = count_cat_new / count_cat_new.sum()
    sorted_frac = jnp.take(past_frac, sorted_idx)
    cutoff = jnp.sum(jnp.cumsum(sorted_frac) < ALPHA)
    n = sorted_frac.shape[0]
    cutoff = jnp.where(cutoff == n, n - 1, cutoff)
    pos = jnp.arange(n)
    leftover = 1.0 - jnp.sum(jnp.where(pos < cutoff, sorted_frac, 0.0)) / ALPHA
    tiebreak = leftover / jnp.take(sorted_frac, cutoff)
    adv_sorted = jnp.where(pos < cutoff, 1.0 / ALPHA, jnp.where(pos == cutoff, tiebreak, MIN_VW))
    adv_probs = jnp.zeros((n,), dtype=jnp.float32).at[sorted_idx].set(adv_sorted)
    adv_probs = jax.lax.stop_gradient(adv_probs)

    robust_loss = group_losses @ adv_probs
    return robust_loss, logits


def reference(input_ids, attention_mask, group, group_features, labels,
              W1, b1, W2, b2, W3, b3, emb, Wc, bc,
              count_cat, adj, exp_avg_loss, exp_avg_initialized):
    loss, logits = _domino_forward(group_features, W1, b1, W2, b2, W3, b3, emb, Wc, bc,
                                   input_ids, attention_mask, labels,
                                   count_cat, adj, exp_avg_loss, exp_avg_initialized)
    return loss, logits

if __name__ == "__main__":
    import jax
    _d = setup_inputs()
    print(jax.jit(kernel)(*tuple(_d.values())))

</pallas_src>

<mosaic_0001>
#map = affine_map<(d0, d1) -> (0, 0)>
module attributes {stable_mosaic.version = 14 : i64} {
  func.func @_pool_body(%arg0: i32, %arg1: i32, %arg2: memref<100000x128xf32, #tpu.memory_space<hbm>>, %arg3: memref<4096x128xi32, #tpu.memory_space<hbm>>, %arg4: memref<4096x128xf32, #tpu.memory_space<hbm>>, %arg5: memref<128x128xi32, #tpu.memory_space<vmem>>, %arg6: memref<4x128x128xf32, #tpu.memory_space<vmem>>, %arg7: memref<128x128xf32, #tpu.memory_space<vmem>>, %arg8: memref<!tpu.dma_semaphore, #tpu.memory_space<semaphore_mem>>, %arg9: memref<!tpu.dma_semaphore, #tpu.memory_space<semaphore_mem>>, %arg10: memref<!tpu.dma_semaphore, #tpu.memory_space<semaphore_mem>>, %arg11: memref<!tpu.dma_semaphore, #tpu.memory_space<semaphore_mem>>) attributes {dimension_semantics = [#tpu.dimension_semantics<core_parallel>, #tpu.dimension_semantics<subcore_parallel>], iteration_bounds = array<i64: 2, 16>, scalar_prefetch = 0 : i64, scratch_operands = 7 : i64, tpu.core_type = #tpu.core_type<sc_vector_subcore>, window_params = [{transform_indices = #map}, {transform_indices = #map}, {transform_indices = #map}]} {
    %mul3A = arith.constant 2 : i32
    %mul3A_0 = arith.muli %arg1, %mul3A : i32
    %add3A = arith.addi %mul3A_0, %arg0 : i32
    %mul3A_1 = arith.constant 128 : i32
    %mul3A_2 = arith.muli %add3A, %mul3A_1 : i32
    "tpu.region"() ({
      %run_scoped3A = tpu.sem_alloc : memref<!tpu.dma_semaphore, #tpu.memory_space<semaphore_mem>>
      %dma_start3A_54 = arith.constant 0 : i32
      %dma_start3A_55 = tpu.memref_slice %arg3[%mul3A_2, %dma_start3A_54] : memref<4096x128xi32, #tpu.memory_space<hbm>> -> memref<128x128xi32, #tpu.memory_space<hbm>>
      %dma_start3A_56 = arith.constant 0 : i32
      %dma_start3A_57 = tpu.memref_slice %arg3[%mul3A_2, %dma_start3A_56] : memref<4096x128xi32, #tpu.memory_space<hbm>> -> memref<128x128xi32, #tpu.memory_space<hbm>>
      tpu.enqueue_dma source(%dma_start3A_57 : memref<128x128xi32, #tpu.memory_space<hbm>>) target(%arg5 : memref<128x128xi32, #tpu.memory_space<vmem>>) target_semaphore(%run_scoped3A : memref<!tpu.dma_semaphore, #tpu.memory_space<semaphore_mem>>)
      %dma_wait3A = arith.constant 0 : i32
      %dma_wait3A_58 = tpu.memref_slice %arg3[%mul3A_2, %dma_wait3A] : memref<4096x128xi32, #tpu.memory_space<hbm>> -> memref<128x128xi32, #tpu.memory_space<hbm>>
      %dma_wait3A_59 = arith.constant 0 : i32
      %dma_wait3A_60 = tpu.memref_slice %arg3[%mul3A_2, %dma_wait3A_59] : memref<4096x128xi32, #tpu.memory_space<hbm>> -> memref<128x128xi32, #tpu.memory_space<hbm>>
      tpu.wait_dma2 semaphore(%run_scoped3A : memref<!tpu.dma_semaphore, #tpu.memory_space<semaphore_mem>>) src(%dma_wait3A_60 : memref<128x128xi32, #tpu.memory_space<hbm>>) dst(%arg5 : memref<128x128xi32, #tpu.memory_space<vmem>>)
      tpu.yield
    }) : () -> ()
    %dma_start3A = arith.constant 0 : i32
    %dma_start3A_3 = arith.constant 0 : i32
    %dma_start3A_4 = arith.constant 0 : i32
    %dma_start3A_5 = arith.constant 0 : i32
    %dma_start3A_6 = tpu.memref_slice %arg6[%dma_start3A_3, %dma_start3A_4, %dma_start3A_5] : memref<4x128x128xf32, #tpu.memory_space<vmem>> -> memref<1x128x128xf32, #tpu.memory_space<vmem>>
    %dma_start3A_7 = tpu.memref_squeeze %dma_start3A_6 : memref<1x128x128xf32, #tpu.memory_space<vmem>> -> memref<128x128xf32, #tpu.memory_space<vmem>>
    %dma_start3A_8 = arith.constant 0 : i32
    %dma_start3A_9 = tpu.memref_slice %arg5[%dma_start3A, %dma_start3A_8] : memref<128x128xi32, #tpu.memory_space<vmem>> -> memref<1x128xi32, #tpu.memory_space<vmem>>
    %dma_start3A_10 = tpu.memref_squeeze %dma_start3A_9 : memref<1x128xi32, #tpu.memory_space<vmem>> -> memref<128xi32, #tpu.memory_space<vmem>>
    %dma_start3A_11 = arith.constant 0 : i32
    %dma_start3A_12 = arith.constant 0 : i32
    %dma_start3A_13 = tpu.memref_slice %arg2[%dma_start3A_11, %dma_start3A_12] : memref<100000x128xf32, #tpu.memory_space<hbm>> -> memref<100000x128xf32, #tpu.memory_space<hbm>>
    tpu.enqueue_indirect_dma source(%dma_start3A_13 : memref<100000x128xf32, #tpu.memory_space<hbm>>) target(%dma_start3A_7 : memref<128x128xf32, #tpu.memory_space<vmem>>) offsets(%dma_start3A_10 : memref<128xi32, #tpu.memory_space<vmem>>) semaphore(%arg8 : memref<!tpu.dma_semaphore, #tpu.memory_space<semaphore_mem>>)
    %dma_start3A_14 = arith.constant 1 : i32
    %dma_start3A_15 = arith.constant 1 : i32
    %dma_start3A_16 = arith.constant 0 : i32
    %dma_start3A_17 = arith.constant 0 : i32
    %dma_start3A_18 = tpu.memref_slice %arg6[%dma_start3A_15, %dma_start3A_16, %dma_start3A_17] : memref<4x128x128xf32, #tpu.memory_space<vmem>> -> memref<1x128x128xf32, #tpu.memory_space<vmem>>
    %dma_start3A_19 = tpu.memref_squeeze %dma_start3A_18 : memref<1x128x128xf32, #tpu.memory_space<vmem>> -> memref<128x128xf32, #tpu.memory_space<vmem>>
    %dma_start3A_20 = arith.constant 0 : i32
    %dma_start3A_21 = tpu.memref_slice %arg5[%dma_start3A_14, %dma_start3A_20] : memref<128x128xi32, #tpu.memory_space<vmem>> -> memref<1x128xi32, #tpu.memory_space<vmem>>
    %dma_start3A_22 = tpu.memref_squeeze %dma_start3A_21 : memref<1x128xi32, #tpu.memory_space<vmem>> -> memref<128xi32, #tpu.memory_space<vmem>>
    %dma_start3A_23 = arith.constant 0 : i32
    %dma_start3A_24 = arith.constant 0 : i32
    %dma_start3A_25 = tpu.memref_slice %arg2[%dma_start3A_23, %dma_start3A_24] : memref<100000x128xf32, #tpu.memory_space<hbm>> -> memref<100000x128xf32, #tpu.memory_space<hbm>>
    tpu.enqueue_indirect_dma source(%dma_start3A_25 : memref<100000x128xf32, #tpu.memory_space<hbm>>) target(%dma_start3A_19 : memref<128x128xf32, #tpu.memory_space<vmem>>) offsets(%dma_start3A_22 : memref<128xi32, #tpu.memory_space<vmem>>) semaphore(%arg9 : memref<!tpu.dma_semaphore, #tpu.memory_space<semaphore_mem>>)
    %dma_start3A_26 = arith.constant 2 : i32
    %dma_start3A_27 = arith.constant 2 : i32
    %dma_start3A_28 = arith.constant 0 : i32
    %dma_start3A_29 = arith.constant 0 : i32
    %dma_start3A_30 = tpu.memref_slice %arg6[%dma_start3A_27, %dma_start3A_28, %dma_start3A_29] : memref<4x128x128xf32, #tpu.memory_space<vmem>> -> memref<1x128x128xf32, #tpu.memory_space<vmem>>
    %dma_start3A_31 = tpu.memref_squeeze %dma_start3A_30 : memref<1x128x128xf32, #tpu.memory_space<vmem>> -> memref<128x128xf32, #tpu.memory_space<vmem>>
    %dma_start3A_32 = arith.constant 0 : i32
    %dma_start3A_33 = tpu.memref_slice %arg5[%dma_start3A_26, %dma_start3A_32] : memref<128x128xi32, #tpu.memory_space<vmem>> -> memref<1x128xi32, #tpu.memory_space<vmem>>
    %dma_start3A_34 = tpu.memref_squeeze %dma_start3A_33 : memref<1x128xi32, #tpu.memory_space<vmem>> -> memref<128xi32, #tpu.memory_space<vmem>>
    %dma_start3A_35 = arith.constant 0 : i32
    %dma_start3A_36 = arith.constant 0 : i32
    %dma_start3A_37 = tpu.memref_slice %arg2[%dma_start3A_35, %dma_start3A_36] : memref<100000x128xf32, #tpu.memory_space<hbm>> -> memref<100000x128xf32, #tpu.memory_space<hbm>>
    tpu.enqueue_indirect_dma source(%dma_start3A_37 : memref<100000x128xf32, #tpu.memory_space<hbm>>) target(%dma_start3A_31 : memref<128x128xf32, #tpu.memory_space<vmem>>) offsets(%dma_start3A_34 : memref<128xi32, #tpu.memory_space<vmem>>) semaphore(%arg10 : memref<!tpu.dma_semaphore, #tpu.memory_space<semaphore_mem>>)
    %dma_start3A_38 = arith.constant 3 : i32
    %dma_start3A_39 = arith.constant 3 : i32
    %dma_start3A_40 = arith.constant 0 : i32
    %dma_start3A_41 = arith.constant 0 : i32
    %dma_start3A_42 = tpu.memref_slice %arg6[%dma_start3A_39, %dma_start3A_40, %dma_start3A_41] : memref<4x128x128xf32, #tpu.memory_space<vmem>> -> memref<1x128x128xf32, #tpu.memory_space<vmem>>
    %dma_start3A_43 = tpu.memref_squeeze %dma_start3A_42 : memref<1x128x128xf32, #tpu.memory_space<vmem>> -> memref<128x128xf32, #tpu.memory_space<vmem>>
    %dma_start3A_44 = arith.constant 0 : i32
    %dma_start3A_45 = tpu.memref_slice %arg5[%dma_start3A_38, %dma_start3A_44] : memref<128x128xi32, #tpu.memory_space<vmem>> -> memref<1x128xi32, #tpu.memory_space<vmem>>
    %dma_start3A_46 = tpu.memref_squeeze %dma_start3A_45 : memref<1x128xi32, #tpu.memory_space<vmem>> -> memref<128xi32, #tpu.memory_space<vmem>>
    %dma_start3A_47 = arith.constant 0 : i32
    %dma_start3A_48 = arith.constant 0 : i32
    %dma_start3A_49 = tpu.memref_slice %arg2[%dma_start3A_47, %dma_start3A_48] : memref<100000x128xf32, #tpu.memory_space<hbm>> -> memref<100000x128xf32, #tpu.memory_space<hbm>>
    tpu.enqueue_indirect_dma source(%dma_start3A_49 : memref<100000x128xf32, #tpu.memory_space<hbm>>) target(%dma_start3A_43 : memref<128x128xf32, #tpu.memory_space<vmem>>) offsets(%dma_start3A_46 : memref<128xi32, #tpu.memory_space<vmem>>) semaphore(%arg11 : memref<!tpu.dma_semaphore, #tpu.memory_space<semaphore_mem>>)
    %scan3A = arith.constant 0 : i32
    %scan3A_50 = arith.constant 32 : i32
    %scan3A_51 = arith.addi %scan3A, %scan3A_50 : i32
    %scan3A_52 = arith.constant 1 : i32
    scf.for %scan3A_54 = %scan3A to %scan3A_51 step %scan3A_52  : i32 {
      %mul3A_55 = arith.constant 1 : i32
      %mul3A_56 = arith.muli %scan3A_54, %mul3A_55 : i32
      %add3A_57 = arith.constant 0 : i32
      %add3A_58 = arith.addi %add3A_57, %mul3A_56 : i32
      %mul3A_59 = arith.constant 4 : i32
      %mul3A_60 = arith.muli %mul3A_59, %add3A_58 : i32
      %add3A_61 = arith.constant 0 : i32
      %add3A_62 = arith.addi %mul3A_60, %add3A_61 : i32
      %dma_wait3A = arith.constant 0 : i32
      %dma_wait3A_63 = arith.constant 0 : i32
      %dma_wait3A_64 = arith.constant 0 : i32
      %dma_wait3A_65 = tpu.memref_slice %arg6[%dma_wait3A, %dma_wait3A_63, %dma_wait3A_64] : memref<4x128x128xf32, #tpu.memory_space<vmem>> -> memref<1x128x128xf32, #tpu.memory_space<vmem>>
      %dma_wait3A_66 = tpu.memref_squeeze %dma_wait3A_65 : memref<1x128x128xf32, #tpu.memory_space<vmem>> -> memref<128x128xf32, #tpu.memory_space<vmem>>
      %dma_wait3A_67 = arith.constant 0 : i32
      %dma_wait3A_68 = tpu.memref_slice %arg5[%add3A_62, %dma_wait3A_67] : memref<128x128xi32, #tpu.memory_space<vmem>> -> memref<1x128xi32, #tpu.memory_space<vmem>>
      %dma_wait3A_69 = tpu.memref_squeeze %dma_wait3A_68 : memref<1x128xi32, #tpu.memory_space<vmem>> -> memref<128xi32, #tpu.memory_space<vmem>>
      %dma_wait3A_70 = arith.constant 0 : i32
      %dma_wait3A_71 = arith.constant 0 : i32
      %dma_wait3A_72 = tpu.memref_slice %arg2[%dma_wait3A_70, %dma_wait3A_71] : memref<100000x128xf32, #tpu.memory_space<hbm>> -> memref<100000x128xf32, #tpu.memory_space<hbm>>
      tpu.wait_indirect_dma semaphore(%arg8 : memref<!tpu.dma_semaphore, #tpu.memory_space<semaphore_mem>>) src(%dma_wait3A_72 : memref<100000x128xf32, #tpu.memory_space<hbm>>) dst(%dma_wait3A_66 : memref<128x128xf32, #tpu.memory_space<vmem>>)
      %broadcast_in_dim3A = arith.constant 0.000000e+00 : f32
      %broadcast_in_dim3A_73 = vector.broadcast %broadcast_in_dim3A : f32 to vector<16xf32>
      %scan3A_74 = arith.constant 0 : i32
      %scan3A_75 = arith.constant 32 : i32
      %scan3A_76 = arith.addi %scan3A_74, %scan3A_75 : i32
      %scan3A_77 = arith.constant 1 : i32
      %scan3A_78:8 = scf.for %scan3A_333 = %scan3A_74 to %scan3A_76 step %scan3A_77 iter_args(%scan3A_334 = %broadcast_in_dim3A_73, %scan3A_335 = %broadcast_in_dim3A_73, %scan3A_336 = %broadcast_in_dim3A_73, %scan3A_337 = %broadcast_in_dim3A_73, %scan3A_338 = %broadcast_in_dim3A_73, %scan3A_339 = %broadcast_in_dim3A_73, %scan3A_340 = %broadcast_in_dim3A_73, %scan3A_341 = %broadcast_in_dim3A_73) -> (vector<16xf32>, vector<16xf32>, vector<16xf32>, vector<16xf32>, vector<16xf32>, vector<16xf32>, vector<16xf32>, vector<16xf32>)  : i32 {
        %mul3A_342 = arith.constant 4 : i32
        %mul3A_343 = arith.muli %mul3A_342, %scan3A_333 : i32
        %add3A_344 = arith.constant 0 : i32
        %add3A_345 = arith.addi %mul3A_343, %add3A_344 : i32
        %get3A = arith.constant 0 : i32
        %get3A_346 = arith.index_cast %get3A : i32 to index
        %get3A_347 = arith.index_cast %add3A_345 : i32 to index
        %get3A_348 = arith.constant 0 : index
        %get3A_349 = tpu.vector_load %arg6[%get3A_346, %get3A_347, %get3A_348] {strides = array<i32>} : memref<4x128x128xf32, #tpu.memory_space<vmem>>, vector<1x1x16xf32>,
        %get3A_350 = vector.shape_cast %get3A_349 : vector<1x1x16xf32> to vector<16xf32>
        %add3A_351 = arith.addf %scan3A_334, %get3A_350 : vector<16xf32>
        %mul3A_352 = arith.constant 4 : i32
        %mul3A_353 = arith.muli %mul3A_352, %scan3A_333 : i32
        %add3A_354 = arith.constant 1 : i32
        %add3A_355 = arith.addi %mul3A_353, %add3A_354 : i32
        %get3A_356 = arith.constant 0 : i32
        %get3A_357 = arith.index_cast %get3A_356 : i32 to index
        %get3A_358 = arith.index_cast %add3A_355 : i32 to index
        %get3A_359 = arith.constant 0 : index
        %get3A_360 = tpu.vector_load %arg6[%get3A_357, %get3A_358, %get3A_359] {strides = array<i32>} : memref<4x128x128xf32, #tpu.memory_space<vmem>>, vector<1x1x16xf32>,
        %get3A_361 = vector.shape_cast %get3A_360 : vector<1x1x16xf32> to vector<16xf32>
        %add3A_362 = arith.addf %add3A_351, %get3A_361 : vector<16xf32>
        %mul3A_363 = arith.constant 4 : i32
        %mul3A_364 = arith.muli %mul3A_363, %scan3A_333 : i32
        %add3A_365 = arith.constant 2 : i32
        %add3A_366 = arith.addi %mul3A_364, %add3A_365 : i32
        %get3A_367 = arith.constant 0 : i32
        %get3A_368 = arith.index_cast %get3A_367 : i32 to index
        %get3A_369 = arith.index_cast %add3A_366 : i32 to index
        %get3A_370 = arith.constant 0 : index
        %get3A_371 = tpu.vector_load %arg6[%get3A_368, %get3A_369, %get3A_370] {strides = array<i32>} : memref<4x128x128xf32, #tpu.memory_space<vmem>>, vector<1x1x16xf32>,
        %get3A_372 = vector.shape_cast %get3A_371 : vector<1x1x16xf32> to vector<16xf32>
        %add3A_373 = arith.addf %add3A_362, %get3A_372 : vector<16xf32>
        %mul3A_374 = arith.constant 4 : i32
        %mul3A_375 = arith.muli %mul3A_374, %scan3A_333 : i32
        %add3A_376 = arith.constant 3 : i32
        %add3A_377 = arith.addi %mul3A_375, %add3A_376 : i32
        %get3A_378 = arith.constant 0 : i32
        %get3A_379 = arith.index_cast %get3A_378 : i32 to index
        %get3A_380 = arith.index_cast %add3A_377 : i32 to index
        %get3A_381 = arith.constant 0 : index
        %get3A_382 = tpu.vector_load %arg6[%get3A_379, %get3A_380, %get3A_381] {strides = array<i32>} : memref<4x128x128xf32, #tpu.memory_space<vmem>>, vector<1x1x16xf32>,
        %get3A_383 = vector.shape_cast %get3A_382 : vector<1x1x16xf32> to vector<16xf32>
        %add3A_384 = arith.addf %add3A_373, %get3A_383 : vector<16xf32>
        %mul3A_385 = arith.constant 4 : i32
        %mul3A_386 = arith.muli %mul3A_385, %scan3A_333 : i32
        %add3A_387 = arith.constant 0 : i32
        %add3A_388 = arith.addi %mul3A_386, %add3A_387 : i32
        %get3A_389 = arith.constant 0 : i32
        %get3A_390 = arith.index_cast %get3A_389 : i32 to index
        %get3A_391 = arith.index_cast %add3A_388 : i32 to index
        %get3A_392 = arith.constant 16 : index
        %get3A_393 = tpu.vector_load %arg6[%get3A_390, %get3A_391, %get3A_392] {strides = array<i32>} : memref<4x128x128xf32, #tpu.memory_space<vmem>>, vector<1x1x16xf32>,
        %get3A_394 = vector.shape_cast %get3A_393 : vector<1x1x16xf32> to vector<16xf32>
        %add3A_395 = arith.addf %scan3A_335, %get3A_394 : vector<16xf32>
        %mul3A_396 = arith.constant 4 : i32
        %mul3A_397 = arith.muli %mul3A_396, %scan3A_333 : i32
        %add3A_398 = arith.constant 1 : i32
        %add3A_399 = arith.addi %mul3A_397, %add3A_398 : i32
        %get3A_400 = arith.constant 0 : i32
        %get3A_401 = arith.index_cast %get3A_400 : i32 to index
        %get3A_402 = arith.index_cast %add3A_399 : i32 to index
        %get3A_403 = arith.constant 16 : index
        %get3A_404 = tpu.vector_load %arg6[%get3A_401, %get3A_402, %get3A_403] {strides = array<i32>} : memref<4x128x128xf32, #tpu.memory_space<vmem>>, vector<1x1x16xf32>,
        %get3A_405 = vector.shape_cast %get3A_404 : vector<1x1x16xf32> to vector<16xf32>
        %add3A_406 = arith.addf %add3A_395, %get3A_405 : vector<16xf32>
        %mul3A_407 = arith.constant 4 : i32
        %mul3A_408 = arith.muli %mul3A_407, %scan3A_333 : i32
        %add3A_409 = arith.constant 2 : i32
        %add3A_410 = arith.addi %mul3A_408, %add3A_409 : i32
        %get3A_411 = arith.constant 0 : i32
        %get3A_412 = arith.index_cast %get3A_411 : i32 to index
        %get3A_413 = arith.index_cast %add3A_410 : i32 to index
        %get3A_414 = arith.constant 16 : index
        %get3A_415 = tpu.vector_load %arg6[%get3A_412, %get3A_413, %get3A_414] {strides = array<i32>} : memref<4x128x128xf32, #tpu.memory_space<vmem>>, vector<1x1x16xf32>,
        %get3A_416 = vector.shape_cast %get3A_415 : vector<1x1x16xf32> to vector<16xf32>
        %add3A_417 = arith.addf %add3A_406, %get3A_416 : vector<16xf32>
        %mul3A_418 = arith.constant 4 : i32
        %mul3A_419 = arith.muli %mul3A_418, %scan3A_333 : i32
        %add3A_420 = arith.constant 3 : i32
        %add3A_421 = arith.addi %mul3A_419, %add3A_420 : i32
        %get3A_422 = arith.constant 0 : i32
        %get3A_423 = arith.index_cast %get3A_422 : i32 to index
        %get3A_424 = arith.index_cast %add3A_421 : i32 to index
        %get3A_425 = arith.constant 16 : index
        %get3A_426 = tpu.vector_load %arg6[%get3A_423, %get3A_424, %get3A_425] {strides = array<i32>} : memref<4x128x128xf32, #tpu.memory_space<vmem>>, vector<1x1x16xf32>,
        %get3A_427 = vector.shape_cast %get3A_426 : vector<1x1x16xf32> to vector<16xf32>
        %add3A_428 = arith.addf %add3A_417, %get3A_427 : vector<16xf32>
        %mul3A_429 = arith.constant 4 : i32
        %mul3A_430 = arith.muli %mul3A_429, %scan3A_333 : i32
        %add3A_431 = arith.constant 0 : i32
        %add3A_432 = arith.addi %mul3A_430, %add3A_431 : i32
        %get3A_433 = arith.constant 0 : i32
        %get3A_434 = arith.index_cast %get3A_433 : i32 to index
        %get3A_435 = arith.index_cast %add3A_432 : i32 to index
        %get3A_436 = arith.constant 32 : index
        %get3A_437 = tpu.vector_load %arg6[%get3A_434, %get3A_435, %get3A_436] {strides = array<i32>} : memref<4x128x128xf32, #tpu.memory_space<vmem>>, vector<1x1x16xf32>,
        %get3A_438 = vector.shape_cast %get3A_437 : vector<1x1x16xf32> to vector<16xf32>
        %add3A_439 = arith.addf %scan3A_336, %get3A_438 : vector<16xf32>
        %mul3A_440 = arith.constant 4 : i32
        %mul3A_441 = arith.muli %mul3A_440, %scan3A_333 : i32
        %add3A_442 = arith.constant 1 : i32
        %add3A_443 = arith.addi %mul3A_441, %add3A_442 : i32
        %get3A_444 = arith.constant 0 : i32
        %get3A_445 = arith.index_cast %get3A_444 : i32 to index
        %get3A_446 = arith.index_cast %add3A_443 : i32 to index
        %get3A_447 = arith.constant 32 : index
        %get3A_448 = tpu.vector_load %arg6[%get3A_445, %get3A_446, %get3A_447] {strides = array<i32>} : memref<4x128x128xf32, #tpu.memory_space<vmem>>, vector<1x1x16xf32>,
        %get3A_449 = vector.shape_cast %get3A_448 : vector<1x1x16xf32> to vector<16xf32>
        %add3A_450 = arith.addf %add3A_439, %get3A_449 : vector<16xf32>
        %mul3A_451 = arith.constant 4 : i32
        %mul3A_452 = arith.muli %mul3A_451, %scan3A_333 : i32
        %add3A_453 = arith.constant 2 : i32
        %add3A_454 = arith.addi %mul3A_452, %add3A_453 : i32
        %get3A_455 = arith.constant 0 : i32
        %get3A_456 = arith.index_cast %get3A_455 : i32 to index
        %get3A_457 = arith.index_cast %add3A_454 : i32 to index
        %get3A_458 = arith.constant 32 : index
        %get3A_459 = tpu.vector_load %arg6[%get3A_456, %get3A_457, %get3A_458] {strides = array<i32>} : memref<4x128x128xf32, #tpu.memory_space<vmem>>, vector<1x1x16xf32>,
        %get3A_460 = vector.shape_cast %get3A_459 : vector<1x1x16xf32> to vector<16xf32>
        %add3A_461 = arith.addf %add3A_450, %get3A_460 : vector<16xf32>
        %mul3A_462 = arith.constant 4 : i32
        %mul3A_463 = arith.muli %mul3A_462, %scan3A_333 : i32
        %add3A_464 = arith.constant 3 : i32
        %add3A_465 = arith.addi %mul3A_463, %add3A_464 : i32
        %get3A_466 = arith.constant 0 : i32
        %get3A_467 = arith.index_cast %get3A_466 : i32 to index
        %get3A_468 = arith.index_cast %add3A_465 : i32 to index
        %get3A_469 = arith.constant 32 : index
        %get3A_470 = tpu.vector_load %arg6[%get3A_467, %get3A_468, %get3A_469] {strides = array<i32>} : memref<4x128x128xf32, #tpu.memory_space<vmem>>, vector<1x1x16xf32>,
        %get3A_471 = vector.shape_cast %get3A_470 : vector<1x1x16xf32> to vector<16xf32>
        %add3A_472 = arith.addf %add3A_461, %get3A_471 : vector<16xf32>
        %mul3A_473 = arith.constant 4 : i32
        %mul3A_474 = arith.muli %mul3A_473, %scan3A_333 : i32
        %add3A_475 = arith.constant 0 : i32
        %add3A_476 = arith.addi %mul3A_474, %add3A_475 : i32
        %get3A_477 = arith.constant 0 : i32
        %get3A_478 = arith.index_cast %get3A_477 : i32 to index
        %get3A_479 = arith.index_cast %add3A_476 : i32 to index
        %get3A_480 = arith.constant 48 : index
        %get3A_481 = tpu.vector_load %arg6[%get3A_478, %get3A_479, %get3A_480] {strides = array<i32>} : memref<4x128x128xf32, #tpu.memory_space<vmem>>, vector<1x1x16xf32>,
        %get3A_482 = vector.shape_cast %get3A_481 : vector<1x1x16xf32> to vector<16xf32>
        %add3A_483 = arith.addf %scan3A_337, %get3A_482 : vector<16xf32>
        %mul3A_484 = arith.constant 4 : i32
        %mul3A_485 = arith.muli %mul3A_484, %scan3A_333 : i32
        %add3A_486 = arith.constant 1 : i32
        %add3A_487 = arith.addi %mul3A_485, %add3A_486 : i32
        %get3A_488 = arith.constant 0 : i32
        %get3A_489 = arith.index_cast %get3A_488 : i32 to index
        %get3A_490 = arith.index_cast %add3A_487 : i32 to index
        %get3A_491 = arith.constant 48 : index
        %get3A_492 = tpu.vector_load %arg6[%get3A_489, %get3A_490, %get3A_491] {strides = array<i32>} : memref<4x128x128xf32, #tpu.memory_space<vmem>>, vector<1x1x16xf32>,
        %get3A_493 = vector.shape_cast %get3A_492 : vector<1x1x16xf32> to vector<16xf32>
        %add3A_494 = arith.addf %add3A_483, %get3A_493 : vector<16xf32>
        %mul3A_495 = arith.constant 4 : i32
        %mul3A_496 = arith.muli %mul3A_495, %scan3A_333 : i32
        %add3A_497 = arith.constant 2 : i32
        %add3A_498 = arith.addi %mul3A_496, %add3A_497 : i32
        %get3A_499 = arith.constant 0 : i32
        %get3A_500 = arith.index_cast %get3A_499 : i32 to index
        %get3A_501 = arith.index_cast %add3A_498 : i32 to index
        %get3A_502 = arith.constant 48 : index
        %get3A_503 = tpu.vector_load %arg6[%get3A_500, %get3A_501, %get3A_502] {strides = array<i32>} : memref<4x128x128xf32, #tpu.memory_space<vmem>>, vector<1x1x16xf32>,
        %get3A_504 = vector.shape_cast %get3A_503 : vector<1x1x16xf32> to vector<16xf32>
        %add3A_505 = arith.addf %add3A_494, %get3A_504 : vector<16xf32>
        %mul3A_506 = arith.constant 4 : i32
        %mul3A_507 = arith.muli %mul3A_506, %scan3A_333 : i32
        %add3A_508 = arith.constant 3 : i32
        %add3A_509 = arith.addi %mul3A_507, %add3A_508 : i32
        %get3A_510 = arith.constant 0 : i32
        %get3A_511 = arith.index_cast %get3A_510 : i32 to index
        %get3A_512 = arith.index_cast %add3A_509 : i32 to index
        %get3A_513 = arith.constant 48 : index
        %get3A_514 = tpu.vector_load %arg6[%get3A_511, %get3A_512, %get3A_513] {strides = array<i32>} : memref<4x128x128xf32, #tpu.memory_space<vmem>>, vector<1x1x16xf32>,
        %get3A_515 = vector.shape_cast %get3A_514 : vector<1x1x16xf32> to vector<16xf32>
        %add3A_516 = arith.addf %add3A_505, %get3A_515 : vector<16xf32>
        %mul3A_517 = arith.constant 4 : i32
        %mul3A_518 = arith.muli %mul3A_517, %scan3A_333 : i32
        %add3A_519 = arith.constant 0 : i32
        %add3A_520 = arith.addi %mul3A_518, %add3A_519 : i32
        %get3A_521 = arith.constant 0 : i32
        %get3A_522 = arith.index_cast %get3A_521 : i32 to index
        %get3A_523 = arith.index_cast %add3A_520 : i32 to index
        %get3A_524 = arith.constant 64 : index
        %get3A_525 = tpu.vector_load %arg6[%get3A_522, %get3A_523, %get3A_524] {strides = array<i32>} : memref<4x128x128xf32, #tpu.memory_space<vmem>>, vector<1x1x16xf32>,
        %get3A_526 = vector.shape_cast %get3A_525 : vector<1x1x16xf32> to vector<16xf32>
        %add3A_527 = arith.addf %scan3A_338, %get3A_526 : vector<16xf32>
        %mul3A_528 = arith.constant 4 : i32
        %mul3A_529 = arith.muli %mul3A_528, %scan3A_333 : i32
        %add3A_530 = arith.constant 1 : i32
        %add3A_531 = arith.addi %mul3A_529, %add3A_530 : i32
        %get3A_532 = arith.constant 0 : i32
        %get3A_533 = arith.index_cast %get3A_532 : i32 to index
        %get3A_534 = arith.index_cast %add3A_531 : i32 to index
        %get3A_535 = arith.constant 64 : index
        %get3A_536 = tpu.vector_load %arg6[%get3A_533, %get3A_534, %get3A_535] {strides = array<i32>} : memref<4x128x128xf32, #tpu.memory_space<vmem>>, vector<1x1x16xf32>,
        %get3A_537 = vector.shape_cast %get3A_536 : vector<1x1x16xf32> to vector<16xf32>
        %add3A_538 = arith.addf %add3A_527, %get3A_537 : vector<16xf32>
        %mul3A_539 = arith.constant 4 : i32
        %mul3A_540 = arith.muli %mul3A_539, %scan3A_333 : i32
        %add3A_541 = arith.constant 2 : i32
        %add3A_542 = arith.addi %mul3A_540, %add3A_541 : i32
        %get3A_543 = arith.constant 0 : i32
        %get3A_544 = arith.index_cast %get3A_543 : i32 to index
        %get3A_545 = arith.index_cast %add3A_542 : i32 to index
        %get3A_546 = arith.constant 64 : index
        %get3A_547 = tpu.vector_load %arg6[%get3A_544, %get3A_545, %get3A_546] {strides = array<i32>} : memref<4x128x128xf32, #tpu.memory_space<vmem>>, vector<1x1x16xf32>,
        %get3A_548 = vector.shape_cast %get3A_547 : vector<1x1x16xf32> to vector<16xf32>
        %add3A_549 = arith.addf %add3A_538, %get3A_548 : vector<16xf32>
        %mul3A_550 = arith.constant 4 : i32
        %mul3A_551 = arith.muli %mul3A_550, %scan3A_333 : i32
        %add3A_552 = arith.constant 3 : i32
        %add3A_553 = arith.addi %mul3A_551, %add3A_552 : i32
        %get3A_554 = arith.constant 0 : i32
        %get3A_555 = arith.index_cast %get3A_554 : i32 to index
        %get3A_556 = arith.index_cast %add3A_553 : i32 to index
        %get3A_557 = arith.constant 64 : index
        %get3A_558 = tpu.vector_load %arg6[%get3A_555, %get3A_556, %get3A_557] {strides = array<i32>} : memref<4x128x128xf32, #tpu.memory_space<vmem>>, vector<1x1x16xf32>,
        %get3A_559 = vector.shape_cast %get3A_558 : vector<1x1x16xf32> to vector<16xf32>
        %add3A_560 = arith.addf %add3A_549, %get3A_559 : vector<16xf32>
        %mul3A_561 = arith.constant 4 : i32
        %mul3A_562 = arith.muli %mul3A_561, %scan3A_333 : i32
        %add3A_563 = arith.constant 0 : i32
        %add3A_564 = arith.addi %mul3A_562, %add3A_563 : i32
        %get3A_565 = arith.constant 0 : i32
        %get3A_566 = arith.index_cast %get3A_565 : i32 to index
        %get3A_567 = arith.index_cast %add3A_564 : i32 to index
        %get3A_568 = arith.constant 80 : index
        %get3A_569 = tpu.vector_load %arg6[%get3A_566, %get3A_567, %get3A_568] {strides = array<i32>} : memref<4x128x128xf32, #tpu.memory_space<vmem>>, vector<1x1x16xf32>,
        %get3A_570 = vector.shape_cast %get3A_569 : vector<1x1x16xf32> to vector<16xf32>
        %add3A_571 = arith.addf %scan3A_339, %get3A_570 : vector<16xf32>
        %mul3A_572 = arith.constant 4 : i32
        %mul3A_573 = arith.muli %mul3A_572, %scan3A_333 : i32
        %add3A_574 = arith.constant 1 : i32
        %add3A_575 = arith.addi %mul3A_573, %add3A_574 : i32
        %get3A_576 = arith.constant 0 : i32
        %get3A_577 = arith.index_cast %get3A_576 : i32 to index
        %get3A_578 = arith.index_cast %add3A_575 : i32 to index
        %get3A_579 = arith.constant 80 : index
        %get3A_580 = tpu.vector_load %arg6[%get3A_577, %get3A_578, %get3A_579] {strides = array<i32>} : memref<4x128x128xf32, #tpu.memory_space<vmem>>, vector<1x1x16xf32>,
        %get3A_581 = vector.shape_cast %get3A_580 : vector<1x1x16xf32> to vector<16xf32>
        %add3A_582 = arith.addf %add3A_571, %get3A_581 : vector<16xf32>
        %mul3A_583 = arith.constant 4 : i32
        %mul3A_584 = arith.muli %mul3A_583, %scan3A_333 : i32
        %add3A_585 = arith.constant 2 : i32
        %add3A_586 = arith.addi %mul3A_584, %add3A_585 : i32
        %get3A_587 = arith.constant 0 : i32
        %get3A_588 = arith.index_cast %get3A_587 : i32 to index
        %get3A_589 = arith.index_cast %add3A_586 : i32 to index
        %get3A_590 = arith.constant 80 : index
        %get3A_591 = tpu.vector_load %arg6[%get3A_588, %get3A_589, %get3A_590] {strides = array<i32>} : memref<4x128x128xf32, #tpu.memory_space<vmem>>, vector<1x1x16xf32>,
        %get3A_592 = vector.shape_cast %get3A_591 : vector<1x1x16xf32> to vector<16xf32>
        %add3A_593 = arith.addf %add3A_582, %get3A_592 : vector<16xf32>
        %mul3A_594 = arith.constant 4 : i32
        %mul3A_595 = arith.muli %mul3A_594, %scan3A_333 : i32
        %add3A_596 = arith.constant 3 : i32
        %add3A_597 = arith.addi %mul3A_595, %add3A_596 : i32
        %get3A_598 = arith.constant 0 : i32
        %get3A_599 = arith.index_cast %get3A_598 : i32 to index
        %get3A_600 = arith.index_cast %add3A_597 : i32 to index
        %get3A_601 = arith.constant 80 : index
        %get3A_602 = tpu.vector_load %arg6[%get3A_599, %get3A_600, %get3A_601] {strides = array<i32>} : memref<4x128x128xf32, #tpu.memory_space<vmem>>, vector<1x1x16xf32>,
        %get3A_603 = vector.shape_cast %get3A_602 : vector<1x1x16xf32> to vector<16xf32>
        %add3A_604 = arith.addf %add3A_593, %get3A_603 : vector<16xf32>
        %mul3A_605 = arith.constant 4 : i32
        %mul3A_606 = arith.muli %mul3A_605, %scan3A_333 : i32
        %add3A_607 = arith.constant 0 : i32
        %add3A_608 = arith.addi %mul3A_606, %add3A_607 : i32
        %get3A_609 = arith.constant 0 : i32
        %get3A_610 = arith.index_cast %get3A_609 : i32 to index
        %get3A_611 = arith.index_cast %add3A_608 : i32 to index
        %get3A_612 = arith.constant 96 : index
        %get3A_613 = tpu.vector_load %arg6[%get3A_610, %get3A_611, %get3A_612] {strides = array<i32>} : memref<4x128x128xf32, #tpu.memory_space<vmem>>, vector<1x1x16xf32>,
        %get3A_614 = vector.shape_cast %get3A_613 : vector<1x1x16xf32> to vector<16xf32>
        %add3A_615 = arith.addf %scan3A_340, %get3A_614 : vector<16xf32>
        %mul3A_616 = arith.constant 4 : i32
        %mul3A_617 = arith.muli %mul3A_616, %scan3A_333 : i32
        %add3A_618 = arith.constant 1 : i32
        %add3A_619 = arith.addi %mul3A_617, %add3A_618 : i32
        %get3A_620 = arith.constant 0 : i32
        %get3A_621 = arith.index_cast %get3A_620 : i32 to index
        %get3A_622 = arith.index_cast %add3A_619 : i32 to index
        %get3A_623 = arith.constant 96 : index
        %get3A_624 = tpu.vector_load %arg6[%get3A_621, %get3A_622, %get3A_623] {strides = array<i32>} : memref<4x128x128xf32, #tpu.memory_space<vmem>>, vector<1x1x16xf32>,
        %get3A_625 = vector.shape_cast %get3A_624 : vector<1x1x16xf32> to vector<16xf32>
        %add3A_626 = arith.addf %add3A_615, %get3A_625 : vector<16xf32>
        %mul3A_627 = arith.constant 4 : i32
        %mul3A_628 = arith.muli %mul3A_627, %scan3A_333 : i32
        %add3A_629 = arith.constant 2 : i32
        %add3A_630 = arith.addi %mul3A_628, %add3A_629 : i32
        %get3A_631 = arith.constant 0 : i32
        %get3A_632 = arith.index_cast %get3A_631 : i32 to index
        %get3A_633 = arith.index_cast %add3A_630 : i32 to index
        %get3A_634 = arith.constant 96 : index
        %get3A_635 = tpu.vector_load %arg6[%get3A_632, %get3A_633, %get3A_634] {strides = array<i32>} : memref<4x128x128xf32, #tpu.memory_space<vmem>>, vector<1x1x16xf32>,
        %get3A_636 = vector.shape_cast %get3A_635 : vector<1x1x16xf32> to vector<16xf32>
        %add3A_637 = arith.addf %add3A_626, %get3A_636 : vector<16xf32>
        %mul3A_638 = arith.constant 4 : i32
        %mul3A_639 = arith.muli %mul3A_638, %scan3A_333 : i32
        %add3A_640 = arith.constant 3 : i32
        %add3A_641 = arith.addi %mul3A_639, %add3A_640 : i32
        %get3A_642 = arith.constant 0 : i32
        %get3A_643 = arith.index_cast %get3A_642 : i32 to index
        %get3A_644 = arith.index_cast %add3A_641 : i32 to index
        %get3A_645 = arith.constant 96 : index
        %get3A_646 = tpu.vector_load %arg6[%get3A_643, %get3A_644, %get3A_645] {strides = array<i32>} : memref<4x128x128xf32, #tpu.memory_space<vmem>>, vector<1x1x16xf32>,
        %get3A_647 = vector.shape_cast %get3A_646 : vector<1x1x16xf32> to vector<16xf32>
        %add3A_648 = arith.addf %add3A_637, %get3A_647 : vector<16xf32>
        %mul3A_649 = arith.constant 4 : i32
        %mul3A_650 = arith.muli %mul3A_649, %scan3A_333 : i32
        %add3A_651 = arith.constant 0 : i32
        %add3A_652 = arith.addi %mul3A_650, %add3A_651 : i32
        %get3A_653 = arith.constant 0 : i32
        %get3A_654 = arith.index_cast %get3A_653 : i32 to index
        %get3A_655 = arith.index_cast %add3A_652 : i32 to index
        %get3A_656 = arith.constant 112 : index
        %get3A_657 = tpu.vector_load %arg6[%get3A_654, %get3A_655, %get3A_656] {strides = array<i32>} : memref<4x128x128xf32, #tpu.memory_space<vmem>>, vector<1x1x16xf32>,
        %get3A_658 = vector.shape_cast %get3A_657 : vector<1x1x16xf32> to vector<16xf32>
        %add3A_659 = arith.addf %scan3A_341, %get3A_658 : vector<16xf32>
        %mul3A_660 = arith.constant 4 : i32
        %mul3A_661 = arith.muli %mul3A_660, %scan3A_333 : i32
        %add3A_662 = arith.constant 1 : i32
        %add3A_663 = arith.addi %mul3A_661, %add3A_662 : i32
        %get3A_664 = arith.constant 0 : i32
        %get3A_665 = arith.index_cast %get3A_664 : i32 to index
        %get3A_666 = arith.index_cast %add3A_663 : i32 to index
        %get3A_667 = arith.constant 112 : index
        %get3A_668 = tpu.vector_load %arg6[%get3A_665, %get3A_666, %get3A_667] {strides = array<i32>} : memref<4x128x128xf32, #tpu.memory_space<vmem>>, vector<1x1x16xf32>,
        %get3A_669 = vector.shape_cast %get3A_668 : vector<1x1x16xf32> to vector<16xf32>
        %add3A_670 = arith.addf %add3A_659, %get3A_669 : vector<16xf32>
        %mul3A_671 = arith.constant 4 : i32
        %mul3A_672 = arith.muli %mul3A_671, %scan3A_333 : i32
        %add3A_673 = arith.constant 2 : i32
        %add3A_674 = arith.addi %mul3A_672, %add3A_673 : i32
        %get3A_675 = arith.constant 0 : i32
        %get3A_676 = arith.index_cast %get3A_675 : i32 to index
        %get3A_677 = arith.index_cast %add3A_674 : i32 to index
        %get3A_678 = arith.constant 112 : index
        %get3A_679 = tpu.vector_load %arg6[%get3A_676, %get3A_677, %get3A_678] {strides = array<i32>} : memref<4x128x128xf32, #tpu.memory_space<vmem>>, vector<1x1x16xf32>,
        %get3A_680 = vector.shape_cast %get3A_679 : vector<1x1x16xf32> to vector<16xf32>
        %add3A_681 = arith.addf %add3A_670, %get3A_680 : vector<16xf32>
        %mul3A_682 = arith.constant 4 : i32
        %mul3A_683 = arith.muli %mul3A_682, %scan3A_333 : i32
        %add3A_684 = arith.constant 3 : i32
        %add3A_685 = arith.addi %mul3A_683, %add3A_684 : i32
        %get3A_686 = arith.constant 0 : i32
        %get3A_687 = arith.index_cast %get3A_686 : i32 to index
        %get3A_688 = arith.index_cast %add3A_685 : i32 to index
        %get3A_689 = arith.constant 112 : index
        %get3A_690 = tpu.vector_load %arg6[%get3A_687, %get3A_688, %get3A_689] {strides = array<i32>} : memref<4x128x128xf32, #tpu.memory_space<vmem>>, vector<1x1x16xf32>,
        %get3A_691 = vector.shape_cast %get3A_690 : vector<1x1x16xf32> to vector<16xf32>
        %add3A_692 = arith.addf %add3A_681, %get3A_691 : vector<16xf32>
        scf.yield %add3A_384, %add3A_428, %add3A_472, %add3A_516, %add3A_560, %add3A_604, %add3A_648, %add3A_692 : vector<16xf32>, vector<16xf32>, vector<16xf32>, vector<16xf32>, vector<16xf32>, vector<16xf32>, vector<16xf32>, vector<16xf32>
      }
      %scan3A_79 = arith.constant 32 : i32
      %swap3A = arith.index_cast %add3A_62 : i32 to index
      %swap3A_80 = arith.constant 0 : index
      %swap3A_81 = tpu.vector_load %arg7[%swap3A, %swap3A_80] {strides = array<i32>} : memref<128x128xf32, #tpu.memory_space<vmem>>, vector<1x16xf32>,
      %swap3A_82 = vector.shape_cast %swap3A_81 : vector<1x16xf32> to vector<16xf32>
      %swap3A_83 = vector.shape_cast %scan3A_78#0 : vector<16xf32> to vector<1x16xf32>
      tpu.vector_store %arg7[%swap3A, %swap3A_80], %swap3A_83 {strides = array<i32>} : memref<128x128xf32, #tpu.memory_space<vmem>>, vector<1x16xf32>,
      %swap3A_84 = arith.index_cast %add3A_62 : i32 to index
      %swap3A_85 = arith.constant 16 : index
      %swap3A_86 = tpu.vector_load %arg7[%swap3A_84, %swap3A_85] {strides = array<i32>} : memref<128x128xf32, #tpu.memory_space<vmem>>, vector<1x16xf32>,
      %swap3A_87 = vector.shape_cast %swap3A_86 : vector<1x16xf32> to vector<16xf32>
      %swap3A_88 = vector.shape_cast %scan3A_78#1 : vector<16xf32> to vector<1x16xf32>
      tpu.vector_store %arg7[%swap3A_84, %swap3A_85], %swap3A_88 {strides = array<i32>} : memref<128x128xf32, #tpu.memory_space<vmem>>, vector<1x16xf32>,
      %swap3A_89 = arith.index_cast %add3A_62 : i32 to index
      %swap3A_90 = arith.constant 32 : index
      %swap3A_91 = tpu.vector_load %arg7[%swap3A_89, %swap3A_90] {strides = array<i32>} : memref<128x128xf32, #tpu.memory_space<vmem>>, vector<1x16xf32>,
      %swap3A_92 = vector.shape_cast %swap3A_91 : vector<1x16xf32> to vector<16xf32>
      %swap3A_93 = vector.shape_cast %scan3A_78#2 : vector<16xf32> to vector<1x16xf32>
      tpu.vector_store %arg7[%swap3A_89, %swap3A_90], %swap3A_93 {strides = array<i32>} : memref<128x128xf32, #tpu.memory_space<vmem>>, vector<1x16xf32>,
      %swap3A_94 = arith.index_cast %add3A_62 : i32 to index
      %swap3A_95 = arith.constant 48 : index
      %swap3A_96 = tpu.vector_load %arg7[%swap3A_94, %swap3A_95] {strides = array<i32>} : memref<128x128xf32, #tpu.memory_space<vmem>>, vector<1x16xf32>,
      %swap3A_97 = vector.shape_cast %swap3A_96 : vector<1x16xf32> to vector<16xf32>
      %swap3A_98 = vector.shape_cast %scan3A_78#3 : vector<16xf32> to vector<1x16xf32>
      tpu.vector_store %arg7[%swap3A_94, %swap3A_95], %swap3A_98 {strides = array<i32>} : memref<128x128xf32, #tpu.memory_space<vmem>>, vector<1x16xf32>,
      %swap3A_99 = arith.index_cast %add3A_62 : i32 to index
      %swap3A_100 = arith.constant 64 : index
      %swap3A_101 = tpu.vector_load %arg7[%swap3A_99, %swap3A_100] {strides = array<i32>} : memref<128x128xf32, #tpu.memory_space<vmem>>, vector<1x16xf32>,
      %swap3A_102 = vector.shape_cast %swap3A_101 : vector<1x16xf32> to vector<16xf32>
      %swap3A_103 = vector.shape_cast %scan3A_78#4 : vector<16xf32> to vector<1x16xf32>
      tpu.vector_store %arg7[%swap3A_99, %swap3A_100], %swap3A_103 {strides = array<i32>} : memref<128x128xf32, #tpu.memory_space<vmem>>, vector<1x16xf32>,
      %swap3A_104 = arith.index_cast %add3A_62 : i32 to index
      %swap3A_105 = arith.constant 80 : index
      %swap3A_106 = tpu.vector_load %arg7[%swap3A_104, %swap3A_105] {strides = array<i32>} : memref<128x128xf32, #tpu.memory_space<vmem>>, vector<1x16xf32>,
      %swap3A_107 = vector.shape_cast %swap3A_106 : vector<1x16xf32> to vector<16xf32>
      %swap3A_108 = vector.shape_cast %scan3A_78#5 : vector<16xf32> to vector<1x16xf32>
      tpu.vector_store %arg7[%swap3A_104, %swap3A_105], %swap3A_108 {strides = array<i32>} : memref<128x128xf32, #tpu.memory_space<vmem>>, vector<1x16xf32>,
      %swap3A_109 = arith.index_cast %add3A_62 : i32 to index
      %swap3A_110 = arith.constant 96 : index
      %swap3A_111 = tpu.vector_load %arg7[%swap3A_109, %swap3A_110] {strides = array<i32>} : memref<128x128xf32, #tpu.memory_space<vmem>>, vector<1x16xf32>,
      %swap3A_112 = vector.shape_cast %swap3A_111 : vector<1x16xf32> to vector<16xf32>
      %swap3A_113 = vector.shape_cast %scan3A_78#6 : vector<16xf32> to vector<1x16xf32>
      tpu.vector_store %arg7[%swap3A_109, %swap3A_110], %swap3A_113 {strides = array<i32>} : memref<128x128xf32, #tpu.memory_space<vmem>>, vector<1x16xf32>,
      %swap3A_114 = arith.index_cast %add3A_62 : i32 to index
      %swap3A_115 = arith.constant 112 : index
      %swap3A_116 = tpu.vector_load %arg7[%swap3A_114, %swap3A_115] {strides = array<i32>} : memref<128x128xf32, #tpu.memory_space<vmem>>, vector<1x16xf32>,
      %swap3A_117 = vector.shape_cast %swap3A_116 : vector<1x16xf32> to vector<16xf32>
      %swap3A_118 = vector.shape_cast %scan3A_78#7 : vector<16xf32> to vector<1x16xf32>
      tpu.vector_store %arg7[%swap3A_114, %swap3A_115], %swap3A_118 {strides = array<i32>} : memref<128x128xf32, #tpu.memory_space<vmem>>, vector<1x16xf32>,
      %add3A_119 = arith.constant 4 : i32
      %add3A_120 = arith.addi %add3A_62, %add3A_119 : i32
      %lt3A = arith.constant 128 : i32
      %lt3A_121 = arith.cmpi slt, %add3A_120, %lt3A : i32
      %convert_element_type3A = arith.extui %lt3A_121 : i1 to i32
      %cond3A = arith.constant 0 : i32
      %cond3A_122 = arith.cmpi ne, %convert_element_type3A, %cond3A : i32
      scf.if %cond3A_122 {
        %add3A_333 = arith.constant 4 : i32
        %add3A_334 = arith.addi %add3A_62, %add3A_333 : i32
        %dma_start3A_335 = arith.constant 0 : i32
        %dma_start3A_336 = arith.constant 0 : i32
        %dma_start3A_337 = arith.constant 0 : i32
        %dma_start3A_338 = tpu.memref_slice %arg6[%dma_start3A_335, %dma_start3A_336, %dma_start3A_337] : memref<4x128x128xf32, #tpu.memory_space<vmem>> -> memref<1x128x128xf32, #tpu.memory_space<vmem>>
        %dma_start3A_339 = tpu.memref_squeeze %dma_start3A_338 : memref<1x128x128xf32, #tpu.memory_space<vmem>> -> memref<128x128xf32, #tpu.memory_space<vmem>>
        %dma_start3A_340 = arith.constant 0 : i32
        %dma_start3A_341 = tpu.memref_slice %arg5[%add3A_334, %dma_start3A_340] : memref<128x128xi32, #tpu.memory_space<vmem>> -> memref<1x128xi32, #tpu.memory_space<vmem>>
        %dma_start3A_342 = tpu.memref_squeeze %dma_start3A_341 : memref<1x128xi32, #tpu.memory_space<vmem>> -> memref<128xi32, #tpu.memory_space<vmem>>
        %dma_start3A_343 = arith.constant 0 : i32
        %dma_start3A_344 = arith.constant 0 : i32
        %dma_start3A_345 = tpu.memref_slice %arg2[%dma_start3A_343, %dma_start3A_344] : memref<100000x128xf32, #tpu.memory_space<hbm>> -> memref<100000x128xf32, #tpu.memory_space<hbm>>
        tpu.enqueue_indirect_dma source(%dma_start3A_345 : memref<100000x128xf32, #tpu.memory_space<hbm>>) target(%dma_start3A_339 : memref<128x128xf32, #tpu.memory_space<vmem>>) offsets(%dma_start3A_342 : memref<128xi32, #tpu.memory_space<vmem>>) semaphore(%arg8 : memref<!tpu.dma_semaphore, #tpu.memory_space<semaphore_mem>>)
      } else {
      }
      %mul3A_123 = arith.constant 4 : i32
      %mul3A_124 = arith.muli %mul3A_123, %add3A_58 : i32
      %add3A_125 = arith.constant 1 : i32
      %add3A_126 = arith.addi %mul3A_124, %add3A_125 : i32
      %dma_wait3A_127 = arith.constant 1 : i32
      %dma_wait3A_128 = arith.constant 0 : i32
      %dma_wait3A_129 = arith.constant 0 : i32
      %dma_wait3A_130 = tpu.memref_slice %arg6[%dma_wait3A_127, %dma_wait3A_128, %dma_wait3A_129] : memref<4x128x128xf32, #tpu.memory_space<vmem>> -> memref<1x128x128xf32, #tpu.memory_space<vmem>>
      %dma_wait3A_131 = tpu.memref_squeeze %dma_wait3A_130 : memref<1x128x128xf32, #tpu.memory_space<vmem>> -> memref<128x128xf32, #tpu.memory_space<vmem>>
      %dma_wait3A_132 = arith.constant 0 : i32
      %dma_wait3A_133 = tpu.memref_slice %arg5[%add3A_126, %dma_wait3A_132] : memref<128x128xi32, #tpu.memory_space<vmem>> -> memref<1x128xi32, #tpu.memory_space<vmem>>
      %dma_wait3A_134 = tpu.memref_squeeze %dma_wait3A_133 : memref<1x128xi32, #tpu.memory_space<vmem>> -> memref<128xi32, #tpu.memory_space<vmem>>
      %dma_wait3A_135 = arith.constant 0 : i32
      %dma_wait3A_136 = arith.constant 0 : i32
      %dma_wait3A_137 = tpu.memref_slice %arg2[%dma_wait3A_135, %dma_wait3A_136] : memref<100000x128xf32, #tpu.memory_space<hbm>> -> memref<100000x128xf32, #tpu.memory_space<hbm>>
      tpu.wait_indirect_dma semaphore(%arg9 : memref<!tpu.dma_semaphore, #tpu.memory_space<semaphore_mem>>) src(%dma_wait3A_137 : memref<100000x128xf32, #tpu.memory_space<hbm>>) dst(%dma_wait3A_131 : memref<128x128xf32, #tpu.memory_space<vmem>>)
      %broadcast_in_dim3A_138 = arith.constant 0.000000e+00 : f32
      %broadcast_in_dim3A_139 = vector.broadcast %broadcast_in_dim3A_138 : f32 to vector<16xf32>
      %scan3A_140 = arith.constant 0 : i32
      %scan3A_141 = arith.constant 32 : i32
      %scan3A_142 = arith.addi %scan3A_140, %scan3A_141 : i32
      %scan3A_143 = arith.constant 1 : i32
      %scan3A_144:8 = scf.for %scan3A_333 = %scan3A_140 to %scan3A_142 step %scan3A_143 iter_args(%scan3A_334 = %broadcast_in_dim3A_139, %scan3A_335 = %broadcast_in_dim3A_139, %scan3A_336 = %broadcast_in_dim3A_139, %scan3A_337 = %broadcast_in_dim3A_139, %scan3A_338 = %broadcast_in_dim3A_139, %scan3A_339 = %broadcast_in_dim3A_139, %scan3A_340 = %broadcast_in_dim3A_139, %scan3A_341 = %broadcast_in_dim3A_139) -> (vector<16xf32>, vector<16xf32>, vector<16xf32>, vector<16xf32>, vector<16xf32>, vector<16xf32>, vector<16xf32>, vector<16xf32>)  : i32 {
        %mul3A_342 = arith.constant 4 : i32
        %mul3A_343 = arith.muli %mul3A_342, %scan3A_333 : i32
        %add3A_344 = arith.constant 0 : i32
        %add3A_345 = arith.addi %mul3A_343, %add3A_344 : i32
        %get3A = arith.constant 1 : i32
        %get3A_346 = arith.index_cast %get3A : i32 to index
        %get3A_347 = arith.index_cast %add3A_345 : i32 to index
        %get3A_348 = arith.constant 0 : index
        %get3A_349 = tpu.vector_load %arg6[%get3A_346, %get3A_347, %get3A_348] {strides = array<i32>} : memref<4x128x128xf32, #tpu.memory_space<vmem>>, vector<1x1x16xf32>,
        %get3A_350 = vector.shape_cast %get3A_349 : vector<1x1x16xf32> to vector<16xf32>
        %add3A_351 = arith.addf %scan3A_334, %get3A_350 : vector<16xf32>
        %mul3A_352 = arith.constant 4 : i32
        %mul3A_353 = arith.muli %mul3A_352, %scan3A_333 : i32
        %add3A_354 = arith.constant 1 : i32
        %add3A_355 = arith.addi %mul3A_353, %add3A_354 : i32
        %get3A_356 = arith.constant 1 : i32
        %get3A_357 = arith.index_cast %get3A_356 : i32 to index
        %get3A_358 = arith.index_cast %add3A_355 : i32 to index
        %get3A_359 = arith.constant 0 : index
        %get3A_360 = tpu.vector_load %arg6[%get3A_357, %get3A_358, %get3A_359] {strides = array<i32>} : memref<4x128x128xf32, #tpu.memory_space<vmem>>, vector<1x1x16xf32>,
        %get3A_361 = vector.shape_cast %get3A_360 : vector<1x1x16xf32> to vector<16xf32>
        %add3A_362 = arith.addf %add3A_351, %get3A_361 : vector<16xf32>
        %mul3A_363 = arith.constant 4 : i32
        %mul3A_364 = arith.muli %mul3A_363, %scan3A_333 : i32
        %add3A_365 = arith.constant 2 : i32
        %add3A_366 = arith.addi %mul3A_364, %add3A_365 : i32
        %get3A_367 = arith.constant 1 : i32
        %get3A_368 = arith.index_cast %get3A_367 : i32 to index
        %get3A_369 = arith.index_cast %add3A_366 : i32 to index
        %get3A_370 = arith.constant 0 : index
        %get3A_371 = tpu.vector_load %arg6[%get3A_368, %get3A_369, %get3A_370] {strides = array<i32>} : memref<4x128x128xf32, #tpu.memory_space<vmem>>, vector<1x1x16xf32>,
        %get3A_372 = vector.shape_cast %get3A_371 : vector<1x1x16xf32> to vector<16xf32>
        %add3A_373 = arith.addf %add3A_362, %get3A_372 : vector<16xf32>
        %mul3A_374 = arith.constant 4 : i32
        %mul3A_375 = arith.muli %mul3A_374, %scan3A_333 : i32
        %add3A_376 = arith.constant 3 : i32
        %add3A_377 = arith.addi %mul3A_375, %add3A_376 : i32
        %get3A_378 = arith.constant 1 : i32
        %get3A_379 = arith.index_cast %get3A_378 : i32 to index
        %get3A_380 = arith.index_cast %add3A_377 : i32 to index
        %get3A_381 = arith.constant 0 : index
        %get3A_382 = tpu.vector_load %arg6[%get3A_379, %get3A_380, %get3A_381] {strides = array<i32>} : memref<4x128x128xf32, #tpu.memory_space<vmem>>, vector<1x1x16xf32>,
        %get3A_383 = vector.shape_cast %get3A_382 : vector<1x1x16xf32> to vector<16xf32>
        %add3A_384 = arith.addf %add3A_373, %get3A_383 : vector<16xf32>
        %mul3A_385 = arith.constant 4 : i32
        %mul3A_386 = arith.muli %mul3A_385, %scan3A_333 : i32
        %add3A_387 = arith.constant 0 : i32
        %add3A_388 = arith.addi %mul3A_386, %add3A_387 : i32
        %get3A_389 = arith.constant 1 : i32
        %get3A_390 = arith.index_cast %get3A_389 : i32 to index
        %get3A_391 = arith.index_cast %add3A_388 : i32 to index
        %get3A_392 = arith.constant 16 : index
        %get3A_393 = tpu.vector_load %arg6[%get3A_390, %get3A_391, %get3A_392] {strides = array<i32>} : memref<4x128x128xf32, #tpu.memory_space<vmem>>, vector<1x1x16xf32>,
        %get3A_394 = vector.shape_cast %get3A_393 : vector<1x1x16xf32> to vector<16xf32>
        %add3A_395 = arith.addf %scan3A_335, %get3A_394 : vector<16xf32>
        %mul3A_396 = arith.constant 4 : i32
        %mul3A_397 = arith.muli %mul3A_396, %scan3A_333 : i32
        %add3A_398 = arith.constant 1 : i32
        %add3A_399 = arith.addi %mul3A_397, %add3A_398 : i32
        %get3A_400 = arith.constant 1 : i32
        %get3A_401 = arith.index_cast %get3A_400 : i32 to index
        %get3A_402 = arith.index_cast %add3A_399 : i32 to index
        %get3A_403 = arith.constant 16 : index
        %get3A_404 = tpu.vector_load %arg6[%get3A_401, %get3A_402, %get3A_403] {strides = array<i32>} : memref<4x128x128xf32, #tpu.memory_space<vmem>>, vector<1x1x16xf32>,
        %get3A_405 = vector.shape_cast %get3A_404 : vector<1x1x16xf32> to vector<16xf32>
        %add3A_406 = arith.addf %add3A_395, %get3A_405 : vector<16xf32>
        %mul3A_407 = arith.constant 4 : i32
        %mul3A_408 = arith.muli %mul3A_407, %scan3A_333 : i32
        %add3A_409 = arith.constant 2 : i32
        %add3A_410 = arith.addi %mul3A_408, %add3A_409 : i32
        %get3A_411 = arith.constant 1 : i32
        %get3A_412 = arith.index_cast %get3A_411 : i32 to index
        %get3A_413 = arith.index_cast %add3A_410 : i32 to index
        %get3A_414 = arith.constant 16 : index
        %get3A_415 = tpu.vector_load %arg6[%get3A_412, %get3A_413, %get3A_414] {strides = array<i32>} : memref<4x128x128xf32, #tpu.memory_space<vmem>>, vector<1x1x16xf32>,
        %get3A_416 = vector.shape_cast %get3A_415 : vector<1x1x16xf32> to vector<16xf32>
        %add3A_417 = arith.addf %add3A_406, %get3A_416 : vector<16xf32>
        %mul3A_418 = arith.constant 4 : i32
        %mul3A_419 = arith.muli %mul3A_418, %scan3A_333 : i32
        %add3A_420 = arith.constant 3 : i32
        %add3A_421 = arith.addi %mul3A_419, %add3A_420 : i32
        %get3A_422 = arith.constant 1 : i32
        %get3A_423 = arith.index_cast %get3A_422 : i32 to index
        %get3A_424 = arith.index_cast %add3A_421 : i32 to index
        %get3A_425 = arith.constant 16 : index
        %get3A_426 = tpu.vector_load %arg6[%get3A_423, %get3A_424, %get3A_425] {strides = array<i32>} : memref<4x128x128xf32, #tpu.memory_space<vmem>>, vector<1x1x16xf32>,
        %get3A_427 = vector.shape_cast %get3A_426 : vector<1x1x16xf32> to vector<16xf32>
        %add3A_428 = arith.addf %add3A_417, %get3A_427 : vector<16xf32>
        %mul3A_429 = arith.constant 4 : i32
        %mul3A_430 = arith.muli %mul3A_429, %scan3A_333 : i32
        %add3A_431 = arith.constant 0 : i32
        %add3A_432 = arith.addi %mul3A_430, %add3A_431 : i32
        %get3A_433 = arith.constant 1 : i32
        %get3A_434 = arith.index_cast %get3A_433 : i32 to index
        %get3A_435 = arith.index_cast %add3A_432 : i32 to index
        %get3A_436 = arith.constant 32 : index
        %get3A_437 = tpu.vector_load %arg6[%get3A_434, %get3A_435, %get3A_436] {strides = array<i32>} : memref<4x128x128xf32, #tpu.memory_space<vmem>>, vector<1x1x16xf32>,
        %get3A_438 = vector.shape_cast %get3A_437 : vector<1x1x16xf32> to vector<16xf32>
        %add3A_439 = arith.addf %scan3A_336, %get3A_438 : vector<16xf32>
        %mul3A_440 = arith.constant 4 : i32
        %mul3A_441 = arith.muli %mul3A_440, %scan3A_333 : i32
        %add3A_442 = arith.constant 1 : i32
        %add3A_443 = arith.addi %mul3A_441, %add3A_442 : i32
        %get3A_444 = arith.constant 1 : i32
        %get3A_445 = arith.index_cast %get3A_444 : i32 to index
        %get3A_446 = arith.index_cast %add3A_443 : i32 to index
        %get3A_447 = arith.constant 32 : index
        %get3A_448 = tpu.vector_load %arg6[%get3A_445, %get3A_446, %get3A_447] {strides = array<i32>} : memref<4x128x128xf32, #tpu.memory_space<vmem>>, vector<1x1x16xf32>,
        %get3A_449 = vector.shape_cast %get3A_448 : vector<1x1x16xf32> to vector<16xf32>
        %add3A_450 = arith.addf %add3A_439, %get3A_449 : vector<16xf32>
        %mul3A_451 = arith.constant 4 : i32
        %mul3A_452 = arith.muli %mul3A_451, %scan3A_333 : i32
        %add3A_453 = arith.constant 2 : i32
        %add3A_454 = arith.addi %mul3A_452, %add3A_453 : i32
        %get3A_455 = arith.constant 1 : i32
        %get3A_456 = arith.index_cast %get3A_455 : i32 to index
        %get3A_457 = arith.index_cast %add3A_454 : i32 to index
        %get3A_458 = arith.constant 32 : index
        %get3A_459 = tpu.vector_load %arg6[%get3A_456, %get3A_457, %get3A_458] {strides = array<i32>} : memref<4x128x128xf32, #tpu.memory_space<vmem>>, vector<1x1x16xf32>,
        %get3A_460 = vector.shape_cast %get3A_459 : vector<1x1x16xf32> to vector<16xf32>
        %add3A_461 = arith.addf %add3A_450, %get3A_460 : vector<16xf32>
        %mul3A_462 = arith.constant 4 : i32
        %mul3A_463 = arith.muli %mul3A_462, %scan3A_333 : i32
        %add3A_464 = arith.constant 3 : i32
        %add3A_465 = arith.addi %mul3A_463, %add3A_464 : i32
        %get3A_466 = arith.constant 1 : i32
        %get3A_467 = arith.index_cast %get3A_466 : i32 to index
        %get3A_468 = arith.index_cast %add3A_465 : i32 to index
        %get3A_469 = arith.constant 32 : index
        %get3A_470 = tpu.vector_load %arg6[%get3A_467, %get3A_468, %get3A_469] {strides = array<i32>} : memref<4x128x128xf32, #tpu.memory_space<vmem>>, vector<1x1x16xf32>,
        %get3A_471 = vector.shape_cast %get3A_470 : vector<1x1x16xf32> to vector<16xf32>
        %add3A_472 = arith.addf %add3A_461, %get3A_471 : vector<16xf32>
        %mul3A_473 = arith.constant 4 : i32
        %mul3A_474 = arith.muli %mul3A_473, %scan3A_333 : i32
        %add3A_475 = arith.constant 0 : i32
        %add3A_476 = arith.addi %mul3A_474, %add3A_475 : i32
        %get3A_477 = arith.constant 1 : i32
        %get3A_478 = arith.index_cast %get3A_477 : i32 to index
        %get3A_479 = arith.index_cast %add3A_476 : i32 to index
        %get3A_480 = arith.constant 48 : index
        %get3A_481 = tpu.vector_load %arg6[%get3A_478, %get3A_479, %get3A_480] {strides = array<i32>} : memref<4x128x128xf32, #tpu.memory_space<vmem>>, vector<1x1x16xf32>,
        %get3A_482 = vector.shape_cast %get3A_481 : vector<1x1x16xf32> to vector<16xf32>
        %add3A_483 = arith.addf %scan3A_337, %get3A_482 : vector<16xf32>
        %mul3A_484 = arith.constant 4 : i32
        %mul3A_485 = arith.muli %mul3A_484, %scan3A_333 : i32
        %add3A_486 = arith.constant 1 : i32
        %add3A_487 = arith.addi %mul3A_485, %add3A_486 : i32
        %get3A_488 = arith.constant 1 : i32
        %get3A_489 = arith.index_cast %get3A_488 : i32 to index
        %get3A_490 = arith.index_cast %add3A_487 : i32 to index
        %get3A_491 = arith.constant 48 : index
        %get3A_492 = tpu.vector_load %arg6[%get3A_489, %get3A_490, %get3A_491] {strides = array<i32>} : memref<4x128x128xf32, #tpu.memory_space<vmem>>, vector<1x1x16xf32>,
        %get3A_493 = vector.shape_cast %get3A_492 : vector<1x1x16xf32> to vector<16xf32>
        %add3A_494 = arith.addf %add3A_483, %get3A_493 : vector<16xf32>
        %mul3A_495 = arith.constant 4 : i32
        %mul3A_496 = arith.muli %mul3A_495, %scan3A_333 : i32
        %add3A_497 = arith.constant 2 : i32
        %add3A_498 = arith.addi %mul3A_496, %add3A_497 : i32
        %get3A_499 = arith.constant 1 : i32
        %get3A_500 = arith.index_cast %get3A_499 : i32 to index
        %get3A_501 = arith.index_cast %add3A_498 : i32 to index
        %get3A_502 = arith.constant 48 : index
        %get3A_503 = tpu.vector_load %arg6[%get3A_500, %get3A_501, %get3A_502] {strides = array<i32>} : memref<4x128x128xf32, #tpu.memory_space<vmem>>, vector<1x1x16xf32>,
        %get3A_504 = vector.shape_cast %get3A_503 : vector<1x1x16xf32> to vector<16xf32>
        %add3A_505 = arith.addf %add3A_494, %get3A_504 : vector<16xf32>
        %mul3A_506 = arith.constant 4 : i32
        %mul3A_507 = arith.muli %mul3A_506, %scan3A_333 : i32
        %add3A_508 = arith.constant 3 : i32
        %add3A_509 = arith.addi %mul3A_507, %add3A_508 : i32
        %get3A_510 = arith.constant 1 : i32
        %get3A_511 = arith.index_cast %get3A_510 : i32 to index
        %get3A_512 = arith.index_cast %add3A_509 : i32 to index
        %get3A_513 = arith.constant 48 : index
        %get3A_514 = tpu.vector_load %arg6[%get3A_511, %get3A_512, %get3A_513] {strides = array<i32>} : memref<4x128x128xf32, #tpu.memory_space<vmem>>, vector<1x1x16xf32>,
        %get3A_515 = vector.shape_cast %get3A_514 : vector<1x1x16xf32> to vector<16xf32>
        %add3A_516 = arith.addf %add3A_505, %get3A_515 : vector<16xf32>
        %mul3A_517 = arith.constant 4 : i32
        %mul3A_518 = arith.muli %mul3A_517, %scan3A_333 : i32
        %add3A_519 = arith.constant 0 : i32
        %add3A_520 = arith.addi %mul3A_518, %add3A_519 : i32
        %get3A_521 = arith.constant 1 : i32
        %get3A_522 = arith.index_cast %get3A_521 : i32 to index
        %get3A_523 = arith.index_cast %add3A_520 : i32 to index
        %get3A_524 = arith.constant 64 : index
        %get3A_525 = tpu.vector_load %arg6[%get3A_522, %get3A_523, %get3A_524] {strides = array<i32>} : memref<4x128x128xf32, #tpu.memory_space<vmem>>, vector<1x1x16xf32>,
        %get3A_526 = vector.shape_cast %get3A_525 : vector<1x1x16xf32> to vector<16xf32>
        %add3A_527 = arith.addf %scan3A_338, %get3A_526 : vector<16xf32>
        %mul3A_528 = arith.constant 4 : i32
        %mul3A_529 = arith.muli %mul3A_528, %scan3A_333 : i32
        %add3A_530 = arith.constant 1 : i32
        %add3A_531 = arith.addi %mul3A_529, %add3A_530 : i32
        %get3A_532 = arith.constant 1 : i32
        %get3A_533 = arith.index_cast %get3A_532 : i32 to index
        %get3A_534 = arith.index_cast %add3A_531 : i32 to index
        %get3A_535 = arith.constant 64 : index
        %get3A_536 = tpu.vector_load %arg6[%get3A_533, %get3A_534, %get3A_535] {strides = array<i32>} : memref<4x128x128xf32, #tpu.memory_space<vmem>>, vector<1x1x16xf32>,
        %get3A_537 = vector.shape_cast %get3A_536 : vector<1x1x16xf32> to vector<16xf32>
        %add3A_538 = arith.addf %add3A_527, %get3A_537 : vector<16xf32>
        %mul3A_539 = arith.constant 4 : i32
        %mul3A_540 = arith.muli %mul3A_539, %scan3A_333 : i32
        %add3A_541 = arith.constant 2 : i32
        %add3A_542 = arith.addi %mul3A_540, %add3A_541 : i32
        %get3A_543 = arith.constant 1 : i32
        %get3A_544 = arith.index_cast %get3A_543 : i32 to index
        %get3A_545 = arith.index_cast %add3A_542 : i32 to index
        %get3A_546 = arith.constant 64 : index
        %get3A_547 = tpu.vector_load %arg6[%get3A_544, %get3A_545, %get3A_546] {strides = array<i32>} : memref<4x128x128xf32, #tpu.memory_space<vmem>>, vector<1x1x16xf32>,
        %get3A_548 = vector.shape_cast %get3A_547 : vector<1x1x16xf32> to vector<16xf32>
        %add3A_549 = arith.addf %add3A_538, %get3A_548 : vector<16xf32>
        %mul3A_550 = arith.constant 4 : i32
        %mul3A_551 = arith.muli %mul3A_550, %scan3A_333 : i32
        %add3A_552 = arith.constant 3 : i32
        %add3A_553 = arith.addi %mul3A_551, %add3A_552 : i32
        %get3A_554 = arith.constant 1 : i32
        %get3A_555 = arith.index_cast %get3A_554 : i32 to index
        %get3A_556 = arith.index_cast %add3A_553 : i32 to index
        %get3A_557 = arith.constant 64 : index
        %get3A_558 = tpu.vector_load %arg6[%get3A_555, %get3A_556, %get3A_557] {strides = array<i32>} : memref<4x128x128xf32, #tpu.memory_space<vmem>>, vector<1x1x16xf32>,
        %get3A_559 = vector.shape_cast %get3A_558 : vector<1x1x16xf32> to vector<16xf32>
        %add3A_560 = arith.addf %add3A_549, %get3A_559 : vector<16xf32>
        %mul3A_561 = arith.constant 4 : i32
        %mul3A_562 = arith.muli %mul3A_561, %scan3A_333 : i32
        %add3A_563 = arith.constant 0 : i32
        %add3A_564 = arith.addi %mul3A_562, %add3A_563 : i32
        %get3A_565 = arith.constant 1 : i32
        %get3A_566 = arith.index_cast %get3A_565 : i32 to index
        %get3A_567 = arith.index_cast %add3A_564 : i32 to index
        %get3A_568 = arith.constant 80 : index
        %get3A_569 = tpu.vector_load %arg6[%get3A_566, %get3A_567, %get3A_568] {strides = array<i32>} : memref<4x128x128xf32, #tpu.memory_space<vmem>>, vector<1x1x16xf32>,
        %get3A_570 = vector.shape_cast %get3A_569 : vector<1x1x16xf32> to vector<16xf32>
        %add3A_571 = arith.addf %scan3A_339, %get3A_570 : vector<16xf32>
        %mul3A_572 = arith.constant 4 : i32
        %mul3A_573 = arith.muli %mul3A_572, %scan3A_333 : i32
        %add3A_574 = arith.constant 1 : i32
        %add3A_575 = arith.addi %mul3A_573, %add3A_574 : i32
        %get3A_576 = arith.constant 1 : i32
        %get3A_577 = arith.index_cast %get3A_576 : i32 to index
        %get3A_578 = arith.index_cast %add3A_575 : i32 to index
        %get3A_579 = arith.constant 80 : index
        %get3A_580 = tpu.vector_load %arg6[%get3A_577, %get3A_578, %get3A_579] {strides = array<i32>} : memref<4x128x128xf32, #tpu.memory_space<vmem>>, vector<1x1x16xf32>,
        %get3A_581 = vector.shape_cast %get3A_580 : vector<1x1x16xf32> to vector<16xf32>
        %add3A_582 = arith.addf %add3A_571, %get3A_581 : vector<16xf32>
        %mul3A_583 = arith.constant 4 : i32
        %mul3A_584 = arith.muli %mul3A_583, %scan3A_333 : i32
        %add3A_585 = arith.constant 2 : i32
        %add3A_586 = arith.addi %mul3A_584, %add3A_585 : i32
        %get3A_587 = arith.constant 1 : i32
        %get3A_588 = arith.index_cast %get3A_587 : i32 to index
        %get3A_589 = arith.index_cast %add3A_586 : i32 to index
        %get3A_590 = arith.constant 80 : index
        %get3A_591 = tpu.vector_load %arg6[%get3A_588, %get3A_589, %get3A_590] {strides = array<i32>} : memref<4x128x128xf32, #tpu.memory_space<vmem>>, vector<1x1x16xf32>,
        %get3A_592 = vector.shape_cast %get3A_591 : vector<1x1x16xf32> to vector<16xf32>
        %add3A_593 = arith.addf %add3A_582, %get3A_592 : vector<16xf32>
        %mul3A_594 = arith.constant 4 : i32
        %mul3A_595 = arith.muli %mul3A_594, %scan3A_333 : i32
        %add3A_596 = arith.constant 3 : i32
        %add3A_597 = arith.addi %mul3A_595, %add3A_596 : i32
        %get3A_598 = arith.constant 1 : i32
        %get3A_599 = arith.index_cast %get3A_598 : i32 to index
        %get3A_600 = arith.index_cast %add3A_597 : i32 to index
        %get3A_601 = arith.constant 80 : index
        %get3A_602 = tpu.vector_load %arg6[%get3A_599, %get3A_600, %get3A_601] {strides = array<i32>} : memref<4x128x128xf32, #tpu.memory_space<vmem>>, vector<1x1x16xf32>,
        %get3A_603 = vector.shape_cast %get3A_602 : vector<1x1x16xf32> to vector<16xf32>
        %add3A_604 = arith.addf %add3A_593, %get3A_603 : vector<16xf32>
        %mul3A_605 = arith.constant 4 : i32
        %mul3A_606 = arith.muli %mul3A_605, %scan3A_333 : i32
        %add3A_607 = arith.constant 0 : i32
        %add3A_608 = arith.addi %mul3A_606, %add3A_607 : i32
        %get3A_609 = arith.constant 1 : i32
        %get3A_610 = arith.index_cast %get3A_609 : i32 to index
        %get3A_611 = arith.index_cast %add3A_608 : i32 to index
        %get3A_612 = arith.constant 96 : index
        %get3A_613 = tpu.vector_load %arg6[%get3A_610, %get3A_611, %get3A_612] {strides = array<i32>} : memref<4x128x128xf32, #tpu.memory_space<vmem>>, vector<1x1x16xf32>,
        %get3A_614 = vector.shape_cast %get3A_613 : vector<1x1x16xf32> to vector<16xf32>
        %add3A_615 = arith.addf %scan3A_340, %get3A_614 : vector<16xf32>
        %mul3A_616 = arith.constant 4 : i32
        %mul3A_617 = arith.muli %mul3A_616, %scan3A_333 : i32
        %add3A_618 = arith.constant 1 : i32
        %add3A_619 = arith.addi %mul3A_617, %add3A_618 : i32
        %get3A_620 = arith.constant 1 : i32
        %get3A_621 = arith.index_cast %get3A_620 : i32 to index
        %get3A_622 = arith.index_cast %add3A_619 : i32 to index
        %get3A_623 = arith.constant 96 : index
        %get3A_624 = tpu.vector_load %arg6[%get3A_621, %get3A_622, %get3A_623] {strides = array<i32>} : memref<4x128x128xf32, #tpu.memory_space<vmem>>, vector<1x1x16xf32>,
        %get3A_625 = vector.shape_cast %get3A_624 : vector<1x1x16xf32> to vector<16xf32>
        %add3A_626 = arith.addf %add3A_615, %get3A_625 : vector<16xf32>
        %mul3A_627 = arith.constant 4 : i32
        %mul3A_628 = arith.muli %mul3A_627, %scan3A_333 : i32
        %add3A_629 = arith.constant 2 : i32
        %add3A_630 = arith.addi %mul3A_628, %add3A_629 : i32
        %get3A_631 = arith.constant 1 : i32
        %get3A_632 = arith.index_cast %get3A_631 : i32 to index
        %get3A_633 = arith.index_cast %add3A_630 : i32 to index
        %get3A_634 = arith.constant 96 : index
        %get3A_635 = tpu.vector_load %arg6[%get3A_632, %get3A_633, %get3A_634] {strides = array<i32>} : memref<4x128x128xf32, #tpu.memory_space<vmem>>, vector<1x1x16xf32>,
        %get3A_636 = vector.shape_cast %get3A_635 : vector<1x1x16xf32> to vector<16xf32>
        %add3A_637 = arith.addf %add3A_626, %get3A_636 : vector<16xf32>
        %mul3A_638 = arith.constant 4 : i32
        %mul3A_639 = arith.muli %mul3A_638, %scan3A_333 : i32
        %add3A_640 = arith.constant 3 : i32
        %add3A_641 = arith.addi %mul3A_639, %add3A_640 : i32
        %get3A_642 = arith.constant 1 : i32
        %get3A_643 = arith.index_cast %get3A_642 : i32 to index
        %get3A_644 = arith.index_cast %add3A_641 : i32 to index
        %get3A_645 = arith.constant 96 : index
        %get3A_646 = tpu.vector_load %arg6[%get3A_643, %get3A_644, %get3A_645] {strides = array<i32>} : memref<4x128x128xf32, #tpu.memory_space<vmem>>, vector<1x1x16xf32>,
        %get3A_647 = vector.shape_cast %get3A_646 : vector<1x1x16xf32> to vector<16xf32>
        %add3A_648 = arith.addf %add3A_637, %get3A_647 : vector<16xf32>
        %mul3A_649 = arith.constant 4 : i32
        %mul3A_650 = arith.muli %mul3A_649, %scan3A_333 : i32
        %add3A_651 = arith.constant 0 : i32
        %add3A_652 = arith.addi %mul3A_650, %add3A_651 : i32
        %get3A_653 = arith.constant 1 : i32
        %get3A_654 = arith.index_cast %get3A_653 : i32 to index
        %get3A_655 = arith.index_cast %add3A_652 : i32 to index
        %get3A_656 = arith.constant 112 : index
        %get3A_657 = tpu.vector_load %arg6[%get3A_654, %get3A_655, %get3A_656] {strides = array<i32>} : memref<4x128x128xf32, #tpu.memory_space<vmem>>, vector<1x1x16xf32>,
        %get3A_658 = vector.shape_cast %get3A_657 : vector<1x1x16xf32> to vector<16xf32>
        %add3A_659 = arith.addf %scan3A_341, %get3A_658 : vector<16xf32>
        %mul3A_660 = arith.constant 4 : i32
        %mul3A_661 = arith.muli %mul3A_660, %scan3A_333 : i32
        %add3A_662 = arith.constant 1 : i32
        %add3A_663 = arith.addi %mul3A_661, %add3A_662 : i32
        %get3A_664 = arith.constant 1 : i32
        %get3A_665 = arith.index_cast %get3A_664 : i32 to index
        %get3A_666 = arith.index_cast %add3A_663 : i32 to index
        %get3A_667 = arith.constant 112 : index
        %get3A_668 = tpu.vector_load %arg6[%get3A_665, %get3A_666, %get3A_667] {strides = array<i32>} : memref<4x128x128xf32, #tpu.memory_space<vmem>>, vector<1x1x16xf32>,
        %get3A_669 = vector.shape_cast %get3A_668 : vector<1x1x16xf32> to vector<16xf32>
        %add3A_670 = arith.addf %add3A_659, %get3A_669 : vector<16xf32>
        %mul3A_671 = arith.constant 4 : i32
        %mul3A_672 = arith.muli %mul3A_671, %scan3A_333 : i32
        %add3A_673 = arith.constant 2 : i32
        %add3A_674 = arith.addi %mul3A_672, %add3A_673 : i32
        %get3A_675 = arith.constant 1 : i32
        %get3A_676 = arith.index_cast %get3A_675 : i32 to index
        %get3A_677 = arith.index_cast %add3A_674 : i32 to index
        %get3A_678 = arith.constant 112 : index
        %get3A_679 = tpu.vector_load %arg6[%get3A_676, %get3A_677, %get3A_678] {strides = array<i32>} : memref<4x128x128xf32, #tpu.memory_space<vmem>>, vector<1x1x16xf32>,
        %get3A_680 = vector.shape_cast %get3A_679 : vector<1x1x16xf32> to vector<16xf32>
        %add3A_681 = arith.addf %add3A_670, %get3A_680 : vector<16xf32>
        %mul3A_682 = arith.constant 4 : i32
        %mul3A_683 = arith.muli %mul3A_682, %scan3A_333 : i32
        %add3A_684 = arith.constant 3 : i32
        %add3A_685 = arith.addi %mul3A_683, %add3A_684 : i32
        %get3A_686 = arith.constant 1 : i32
        %get3A_687 = arith.index_cast %get3A_686 : i32 to index
        %get3A_688 = arith.index_cast %add3A_685 : i32 to index
        %get3A_689 = arith.constant 112 : index
        %get3A_690 = tpu.vector_load %arg6[%get3A_687, %get3A_688, %get3A_689] {strides = array<i32>} : memref<4x128x128xf32, #tpu.memory_space<vmem>>, vector<1x1x16xf32>,
        %get3A_691 = vector.shape_cast %get3A_690 : vector<1x1x16xf32> to vector<16xf32>
        %add3A_692 = arith.addf %add3A_681, %get3A_691 : vector<16xf32>
        scf.yield %add3A_384, %add3A_428, %add3A_472, %add3A_516, %add3A_560, %add3A_604, %add3A_648, %add3A_692 : vector<16xf32>, vector<16xf32>, vector<16xf32>, vector<16xf32>, vector<16xf32>, vector<16xf32>, vector<16xf32>, vector<16xf32>
      }
      %scan3A_145 = arith.constant 32 : i32
      %swap3A_146 = arith.index_cast %add3A_126 : i32 to index
      %swap3A_147 = arith.constant 0 : index
      %swap3A_148 = tpu.vector_load %arg7[%swap3A_146, %swap3A_147] {strides = array<i32>} : memref<128x128xf32, #tpu.memory_space<vmem>>, vector<1x16xf32>,
      %swap3A_149 = vector.shape_cast %swap3A_148 : vector<1x16xf32> to vector<16xf32>
      %swap3A_150 = vector.shape_cast %scan3A_144#0 : vector<16xf32> to vector<1x16xf32>
      tpu.vector_store %arg7[%swap3A_146, %swap3A_147], %swap3A_150 {strides = array<i32>} : memref<128x128xf32, #tpu.memory_space<vmem>>, vector<1x16xf32>,
      %swap3A_151 = arith.index_cast %add3A_126 : i32 to index
      %swap3A_152 = arith.constant 16 : index
      %swap3A_153 = tpu.vector_load %arg7[%swap3A_151, %swap3A_152] {strides = array<i32>} : memref<128x128xf32, #tpu.memory_space<vmem>>, vector<1x16xf32>,
      %swap3A_154 = vector.shape_cast %swap3A_153 : vector<1x16xf32> to vector<16xf32>
      %swap3A_155 = vector.shape_cast %scan3A_144#1 : vector<16xf32> to vector<1x16xf32>
      tpu.vector_store %arg7[%swap3A_151, %swap3A_152], %swap3A_155 {strides = array<i32>} : memref<128x128xf32, #tpu.memory_space<vmem>>, vector<1x16xf32>,
      %swap3A_156 = arith.index_cast %add3A_126 : i32 to index
      %swap3A_157 = arith.constant 32 : index
      %swap3A_158 = tpu.vector_load %arg7[%swap3A_156, %swap3A_157] {strides = array<i32>} : memref<128x128xf32, #tpu.memory_space<vmem>>, vector<1x16xf32>,
      %swap3A_159 = vector.shape_cast %swap3A_158 : vector<1x16xf32> to vector<16xf32>
      %swap3A_160 = vector.shape_cast %scan3A_144#2 : vector<16xf32> to vector<1x16xf32>
      tpu.vector_store %arg7[%swap3A_156, %swap3A_157], %swap3A_160 {strides = array<i32>} : memref<128x128xf32, #tpu.memory_space<vmem>>, vector<1x16xf32>,
      %swap3A_161 = arith.index_cast %add3A_126 : i32 to index
      %swap3A_162 = arith.constant 48 : index
      %swap3A_163 = tpu.vector_load %arg7[%swap3A_161, %swap3A_162] {strides = array<i32>} : memref<128x128xf32, #tpu.memory_space<vmem>>, vector<1x16xf32>,
      %swap3A_164 = vector.shape_cast %swap3A_163 : vector<1x16xf32> to vector<16xf32>
      %swap3A_165 = vector.shape_cast %scan3A_144#3 : vector<16xf32> to vector<1x16xf32>
      tpu.vector_store %arg7[%swap3A_161, %swap3A_162], %swap3A_165 {strides = array<i32>} : memref<128x128xf32, #tpu.memory_space<vmem>>, vector<1x16xf32>,
      %swap3A_166 = arith.index_cast %add3A_126 : i32 to index
      %swap3A_167 = arith.constant 64 : index
      %swap3A_168 = tpu.vector_load %arg7[%swap3A_166, %swap3A_167] {strides = array<i32>} : memref<128x128xf32, #tpu.memory_space<vmem>>, vector<1x16xf32>,
      %swap3A_169 = vector.shape_cast %swap3A_168 : vector<1x16xf32> to vector<16xf32>
      %swap3A_170 = vector.shape_cast %scan3A_144#4 : vector<16xf32> to vector<1x16xf32>
      tpu.vector_store %arg7[%swap3A_166, %swap3A_167], %swap3A_170 {strides = array<i32>} : memref<128x128xf32, #tpu.memory_space<vmem>>, vector<1x16xf32>,
      %swap3A_171 = arith.index_cast %add3A_126 : i32 to index
      %swap3A_172 = arith.constant 80 : index
      %swap3A_173 = tpu.vector_load %arg7[%swap3A_171, %swap3A_172] {strides = array<i32>} : memref<128x128xf32, #tpu.memory_space<vmem>>, vector<1x16xf32>,
      %swap3A_174 = vector.shape_cast %swap3A_173 : vector<1x16xf32> to vector<16xf32>
      %swap3A_175 = vector.shape_cast %scan3A_144#5 : vector<16xf32> to vector<1x16xf32>
      tpu.vector_store %arg7[%swap3A_171, %swap3A_172], %swap3A_175 {strides = array<i32>} : memref<128x128xf32, #tpu.memory_space<vmem>>, vector<1x16xf32>,
      %swap3A_176 = arith.index_cast %add3A_126 : i32 to index
      %swap3A_177 = arith.constant 96 : index
      %swap3A_178 = tpu.vector_load %arg7[%swap3A_176, %swap3A_177] {strides = array<i32>} : memref<128x128xf32, #tpu.memory_space<vmem>>, vector<1x16xf32>,
      %swap3A_179 = vector.shape_cast %swap3A_178 : vector<1x16xf32> to vector<16xf32>
      %swap3A_180 = vector.shape_cast %scan3A_144#6 : vector<16xf32> to vector<1x16xf32>
      tpu.vector_store %arg7[%swap3A_176, %swap3A_177], %swap3A_180 {strides = array<i32>} : memref<128x128xf32, #tpu.memory_space<vmem>>, vector<1x16xf32>,
      %swap3A_181 = arith.index_cast %add3A_126 : i32 to index
      %swap3A_182 = arith.constant 112 : index
      %swap3A_183 = tpu.vector_load %arg7[%swap3A_181, %swap3A_182] {strides = array<i32>} : memref<128x128xf32, #tpu.memory_space<vmem>>, vector<1x16xf32>,
      %swap3A_184 = vector.shape_cast %swap3A_183 : vector<1x16xf32> to vector<16xf32>
      %swap3A_185 = vector.shape_cast %scan3A_144#7 : vector<16xf32> to vector<1x16xf32>
      tpu.vector_store %arg7[%swap3A_181, %swap3A_182], %swap3A_185 {strides = array<i32>} : memref<128x128xf32, #tpu.memory_space<vmem>>, vector<1x16xf32>,
      %add3A_186 = arith.constant 4 : i32
      %add3A_187 = arith.addi %add3A_126, %add3A_186 : i32
      %lt3A_188 = arith.constant 128 : i32
      %lt3A_189 = arith.cmpi slt, %add3A_187, %lt3A_188 : i32
      %convert_element_type3A_190 = arith.extui %lt3A_189 : i1 to i32
      %cond3A_191 = arith.constant 0 : i32
      %cond3A_192 = arith.cmpi ne, %convert_element_type3A_190, %cond3A_191 : i32
      scf.if %cond3A_192 {
        %add3A_333 = arith.constant 4 : i32
        %add3A_334 = arith.addi %add3A_126, %add3A_333 : i32
        %dma_start3A_335 = arith.constant 1 : i32
        %dma_start3A_336 = arith.constant 0 : i32
        %dma_start3A_337 = arith.constant 0 : i32
        %dma_start3A_338 = tpu.memref_slice %arg6[%dma_start3A_335, %dma_start3A_336, %dma_start3A_337] : memref<4x128x128xf32, #tpu.memory_space<vmem>> -> memref<1x128x128xf32, #tpu.memory_space<vmem>>
        %dma_start3A_339 = tpu.memref_squeeze %dma_start3A_338 : memref<1x128x128xf32, #tpu.memory_space<vmem>> -> memref<128x128xf32, #tpu.memory_space<vmem>>
        %dma_start3A_340 = arith.constant 0 : i32
        %dma_start3A_341 = tpu.memref_slice %arg5[%add3A_334, %dma_start3A_340] : memref<128x128xi32, #tpu.memory_space<vmem>> -> memref<1x128xi32, #tpu.memory_space<vmem>>
        %dma_start3A_342 = tpu.memref_squeeze %dma_start3A_341 : memref<1x128xi32, #tpu.memory_space<vmem>> -> memref<128xi32, #tpu.memory_space<vmem>>
        %dma_start3A_343 = arith.constant 0 : i32
        %dma_start3A_344 = arith.constant 0 : i32
        %dma_start3A_345 = tpu.memref_slice %arg2[%dma_start3A_343, %dma_start3A_344] : memref<100000x128xf32, #tpu.memory_space<hbm>> -> memref<100000x128xf32, #tpu.memory_space<hbm>>
        tpu.enqueue_indirect_dma source(%dma_start3A_345 : memref<100000x128xf32, #tpu.memory_space<hbm>>) target(%dma_start3A_339 : memref<128x128xf32, #tpu.memory_space<vmem>>) offsets(%dma_start3A_342 : memref<128xi32, #tpu.memory_space<vmem>>) semaphore(%arg9 : memref<!tpu.dma_semaphore, #tpu.memory_space<semaphore_mem>>)
      } else {
      }
      %mul3A_193 = arith.constant 4 : i32
      %mul3A_194 = arith.muli %mul3A_193, %add3A_58 : i32
      %add3A_195 = arith.constant 2 : i32
      %add3A_196 = arith.addi %mul3A_194, %add3A_195 : i32
      %dma_wait3A_197 = arith.constant 2 : i32
      %dma_wait3A_198 = arith.constant 0 : i32
      %dma_wait3A_199 = arith.constant 0 : i32
      %dma_wait3A_200 = tpu.memref_slice %arg6[%dma_wait3A_197, %dma_wait3A_198, %dma_wait3A_199] : memref<4x128x128xf32, #tpu.memory_space<vmem>> -> memref<1x128x128xf32, #tpu.memory_space<vmem>>
      %dma_wait3A_201 = tpu.memref_squeeze %dma_wait3A_200 : memref<1x128x128xf32, #tpu.memory_space<vmem>> -> memref<128x128xf32, #tpu.memory_space<vmem>>
      %dma_wait3A_202 = arith.constant 0 : i32
      %dma_wait3A_203 = tpu.memref_slice %arg5[%add3A_196, %dma_wait3A_202] : memref<128x128xi32, #tpu.memory_space<vmem>> -> memref<1x128xi32, #tpu.memory_space<vmem>>
      %dma_wait3A_204 = tpu.memref_squeeze %dma_wait3A_203 : memref<1x128xi32, #tpu.memory_space<vmem>> -> memref<128xi32, #tpu.memory_space<vmem>>
      %dma_wait3A_205 = arith.constant 0 : i32
      %dma_wait3A_206 = arith.constant 0 : i32
      %dma_wait3A_207 = tpu.memref_slice %arg2[%dma_wait3A_205, %dma_wait3A_206] : memref<100000x128xf32, #tpu.memory_space<hbm>> -> memref<100000x128xf32, #tpu.memory_space<hbm>>
      tpu.wait_indirect_dma semaphore(%arg10 : memref<!tpu.dma_semaphore, #tpu.memory_space<semaphore_mem>>) src(%dma_wait3A_207 : memref<100000x128xf32, #tpu.memory_space<hbm>>) dst(%dma_wait3A_201 : memref<128x128xf32, #tpu.memory_space<vmem>>)
      %broadcast_in_dim3A_208 = arith.constant 0.000000e+00 : f32
      %broadcast_in_dim3A_209 = vector.broadcast %broadcast_in_dim3A_208 : f32 to vector<16xf32>
      %scan3A_210 = arith.constant 0 : i32
      %scan3A_211 = arith.constant 32 : i32
      %scan3A_212 = arith.addi %scan3A_210, %scan3A_211 : i32
      %scan3A_213 = arith.constant 1 : i32
      %scan3A_214:8 = scf.for %scan3A_333 = %scan3A_210 to %scan3A_212 step %scan3A_213 iter_args(%scan3A_334 = %broadcast_in_dim3A_209, %scan3A_335 = %broadcast_in_dim3A_209, %scan3A_336 = %broadcast_in_dim3A_209, %scan3A_337 = %broadcast_in_dim3A_209, %scan3A_338 = %broadcast_in_dim3A_209, %scan3A_339 = %broadcast_in_dim3A_209, %scan3A_340 = %broadcast_in_dim3A_209, %scan3A_341 = %broadcast_in_dim3A_209) -> (vector<16xf32>, vector<16xf32>, vector<16xf32>, vector<16xf32>, vector<16xf32>, vector<16xf32>, vector<16xf32>, vector<16xf32>)  : i32 {
        %mul3A_342 = arith.constant 4 : i32
        %mul3A_343 = arith.muli %mul3A_342, %scan3A_333 : i32
        %add3A_344 = arith.constant 0 : i32
        %add3A_345 = arith.addi %mul3A_343, %add3A_344 : i32
        %get3A = arith.constant 2 : i32
        %get3A_346 = arith.index_cast %get3A : i32 to index
        %get3A_347 = arith.index_cast %add3A_345 : i32 to index
        %get3A_348 = arith.constant 0 : index
        %get3A_349 = tpu.vector_load %arg6[%get3A_346, %get3A_347, %get3A_348] {strides = array<i32>} : memref<4x128x128xf32, #tpu.memory_space<vmem>>, vector<1x1x16xf32>,
        %get3A_350 = vector.shape_cast %get3A_349 : vector<1x1x16xf32> to vector<16xf32>
        %add3A_351 = arith.addf %scan3A_334, %get3A_350 : vector<16xf32>
        %mul3A_352 = arith.constant 4 : i32
        %mul3A_353 = arith.muli %mul3A_352, %scan3A_333 : i32
        %add3A_354 = arith.constant 1 : i32
        %add3A_355 = arith.addi %mul3A_353, %add3A_354 : i32
        %get3A_356 = arith.constant 2 : i32
        %get3A_357 = arith.index_cast %get3A_356 : i32 to index
        %get3A_358 = arith.index_cast %add3A_355 : i32 to index
        %get3A_359 = arith.constant 0 : index
        %get3A_360 = tpu.vector_load %arg6[%get3A_357, %get3A_358, %get3A_359] {strides = array<i32>} : memref<4x128x128xf32, #tpu.memory_space<vmem>>, vector<1x1x16xf32>,
        %get3A_361 = vector.shape_cast %get3A_360 : vector<1x1x16xf32> to vector<16xf32>
        %add3A_362 = arith.addf %add3A_351, %get3A_361 : vector<16xf32>
        %mul3A_363 = arith.constant 4 : i32
        %mul3A_364 = arith.muli %mul3A_363, %scan3A_333 : i32
        %add3A_365 = arith.constant 2 : i32
        %add3A_366 = arith.addi %mul3A_364, %add3A_365 : i32
        %get3A_367 = arith.constant 2 : i32
        %get3A_368 = arith.index_cast %get3A_367 : i32 to index
        %get3A_369 = arith.index_cast %add3A_366 : i32 to index
        %get3A_370 = arith.constant 0 : index
        %get3A_371 = tpu.vector_load %arg6[%get3A_368, %get3A_369, %get3A_370] {strides = array<i32>} : memref<4x128x128xf32, #tpu.memory_space<vmem>>, vector<1x1x16xf32>,
        %get3A_372 = vector.shape_cast %get3A_371 : vector<1x1x16xf32> to vector<16xf32>
        %add3A_373 = arith.addf %add3A_362, %get3A_372 : vector<16xf32>
        %mul3A_374 = arith.constant 4 : i32
        %mul3A_375 = arith.muli %mul3A_374, %scan3A_333 : i32
        %add3A_376 = arith.constant 3 : i32
        %add3A_377 = arith.addi %mul3A_375, %add3A_376 : i32
        %get3A_378 = arith.constant 2 : i32
        %get3A_379 = arith.index_cast %get3A_378 : i32 to index
        %get3A_380 = arith.index_cast %add3A_377 : i32 to index
        %get3A_381 = arith.constant 0 : index
        %get3A_382 = tpu.vector_load %arg6[%get3A_379, %get3A_380, %get3A_381] {strides = array<i32>} : memref<4x128x128xf32, #tpu.memory_space<vmem>>, vector<1x1x16xf32>,
        %get3A_383 = vector.shape_cast %get3A_382 : vector<1x1x16xf32> to vector<16xf32>
        %add3A_384 = arith.addf %add3A_373, %get3A_383 : vector<16xf32>
        %mul3A_385 = arith.constant 4 : i32
        %mul3A_386 = arith.muli %mul3A_385, %scan3A_333 : i32
        %add3A_387 = arith.constant 0 : i32
        %add3A_388 = arith.addi %mul3A_386, %add3A_387 : i32
        %get3A_389 = arith.constant 2 : i32
        %get3A_390 = arith.index_cast %get3A_389 : i32 to index
        %get3A_391 = arith.index_cast %add3A_388 : i32 to index
        %get3A_392 = arith.constant 16 : index
        %get3A_393 = tpu.vector_load %arg6[%get3A_390, %get3A_391, %get3A_392] {strides = array<i32>} : memref<4x128x128xf32, #tpu.memory_space<vmem>>, vector<1x1x16xf32>,
        %get3A_394 = vector.shape_cast %get3A_393 : vector<1x1x16xf32> to vector<16xf32>
        %add3A_395 = arith.addf %scan3A_335, %get3A_394 : vector<16xf32>
        %mul3A_396 = arith.constant 4 : i32
        %mul3A_397 = arith.muli %mul3A_396, %scan3A_333 : i32
        %add3A_398 = arith.constant 1 : i32
        %add3A_399 = arith.addi %mul3A_397, %add3A_398 : i32
        %get3A_400 = arith.constant 2 : i32
        %get3A_401 = arith.index_cast %get3A_400 : i32 to index
        %get3A_402 = arith.index_cast %add3A_399 : i32 to index
        %get3A_403 = arith.constant 16 : index
        %get3A_404 = tpu.vector_load %arg6[%get3A_401, %get3A_402, %get3A_403] {strides = array<i32>} : memref<4x128x128xf32, #tpu.memory_space<vmem>>, vector<1x1x16xf32>,
        %get3A_405 = vector.shape_cast %get3A_404 : vector<1x1x16xf32> to vector<16xf32>
        %add3A_406 = arith.addf %add3A_395, %get3A_405 : vector<16xf32>
        %mul3A_407 = arith.constant 4 : i32
        %mul3A_408 = arith.muli %mul3A_407, %scan3A_333 : i32
        %add3A_409 = arith.constant 2 : i32
        %add3A_410 = arith.addi %mul3A_408, %add3A_409 : i32
        %get3A_411 = arith.constant 2 : i32
        %get3A_412 = arith.index_cast %get3A_411 : i32 to index
        %get3A_413 = arith.index_cast %add3A_410 : i32 to index
        %get3A_414 = arith.constant 16 : index
        %get3A_415 = tpu.vector_load %arg6[%get3A_412, %get3A_413, %get3A_414] {strides = array<i32>} : memref<4x128x128xf32, #tpu.memory_space<vmem>>, vector<1x1x16xf32>,
        %get3A_416 = vector.shape_cast %get3A_415 : vector<1x1x16xf32> to vector<16xf32>
        %add3A_417 = arith.addf %add3A_406, %get3A_416 : vector<16xf32>
        %mul3A_418 = arith.constant 4 : i32
        %mul3A_419 = arith.muli %mul3A_418, %scan3A_333 : i32
        %add3A_420 = arith.constant 3 : i32
        %add3A_421 = arith.addi %mul3A_419, %add3A_420 : i32
        %get3A_422 = arith.constant 2 : i32
        %get3A_423 = arith.index_cast %get3A_422 : i32 to index
        %get3A_424 = arith.index_cast %add3A_421 : i32 to index
        %get3A_425 = arith.constant 16 : index
        %get3A_426 = tpu.vector_load %arg6[%get3A_423, %get3A_424, %get3A_425] {strides = array<i32>} : memref<4x128x128xf32, #tpu.memory_space<vmem>>, vector<1x1x16xf32>,
        %get3A_427 = vector.shape_cast %get3A_426 : vector<1x1x16xf32> to vector<16xf32>
        %add3A_428 = arith.addf %add3A_417, %get3A_427 : vector<16xf32>
        %mul3A_429 = arith.constant 4 : i32
        %mul3A_430 = arith.muli %mul3A_429, %scan3A_333 : i32
        %add3A_431 = arith.constant 0 : i32
        %add3A_432 = arith.addi %mul3A_430, %add3A_431 : i32
        %get3A_433 = arith.constant 2 : i32
        %get3A_434 = arith.index_cast %get3A_433 : i32 to index
        %get3A_435 = arith.index_cast %add3A_432 : i32 to index
        %get3A_436 = arith.constant 32 : index
        %get3A_437 = tpu.vector_load %arg6[%get3A_434, %get3A_435, %get3A_436] {strides = array<i32>} : memref<4x128x128xf32, #tpu.memory_space<vmem>>, vector<1x1x16xf32>,
        %get3A_438 = vector.shape_cast %get3A_437 : vector<1x1x16xf32> to vector<16xf32>
        %add3A_439 = arith.addf %scan3A_336, %get3A_438 : vector<16xf32>
        %mul3A_440 = arith.constant 4 : i32
        %mul3A_441 = arith.muli %mul3A_440, %scan3A_333 : i32
        %add3A_442 = arith.constant 1 : i32
        %add3A_443 = arith.addi %mul3A_441, %add3A_442 : i32
        %get3A_444 = arith.constant 2 : i32
        %get3A_445 = arith.index_cast %get3A_444 : i32 to index
        %get3A_446 = arith.index_cast %add3A_443 : i32 to index
        %get3A_447 = arith.constant 32 : index
        %get3A_448 = tpu.vector_load %arg6[%get3A_445, %get3A_446, %get3A_447] {strides = array<i32>} : memref<4x128x128xf32, #tpu.memory_space<vmem>>, vector<1x1x16xf32>,
        %get3A_449 = vector.shape_cast %get3A_448 : vector<1x1x16xf32> to vector<16xf32>
        %add3A_450 = arith.addf %add3A_439, %get3A_449 : vector<16xf32>
        %mul3A_451 = arith.constant 4 : i32
        %mul3A_452 = arith.muli %mul3A_451, %scan3A_333 : i32
        %add3A_453 = arith.constant 2 : i32
        %add3A_454 = arith.addi %mul3A_452, %add3A_453 : i32
        %get3A_455 = arith.constant 2 : i32
        %get3A_456 = arith.index_cast %get3A_455 : i32 to index
        %get3A_457 = arith.index_cast %add3A_454 : i32 to index
        %get3A_458 = arith.constant 32 : index
        %get3A_459 = tpu.vector_load %arg6[%get3A_456, %get3A_457, %get3A_458] {strides = array<i32>} : memref<4x128x128xf32, #tpu.memory_space<vmem>>, vector<1x1x16xf32>,
        %get3A_460 = vector.shape_cast %get3A_459 : vector<1x1x16xf32> to vector<16xf32>
        %add3A_461 = arith.addf %add3A_450, %get3A_460 : vector<16xf32>
        %mul3A_462 = arith.constant 4 : i32
        %mul3A_463 = arith.muli %mul3A_462, %scan3A_333 : i32
        %add3A_464 = arith.constant 3 : i32
        %add3A_465 = arith.addi %mul3A_463, %add3A_464 : i32
        %get3A_466 = arith.constant 2 : i32
        %get3A_467 = arith.index_cast %get3A_466 : i32 to index
        %get3A_468 = arith.index_cast %add3A_465 : i32 to index
        %get3A_469 = arith.constant 32 : index
        %get3A_470 = tpu.vector_load %arg6[%get3A_467, %get3A_468, %get3A_469] {strides = array<i32>} : memref<4x128x128xf32, #tpu.memory_space<vmem>>, vector<1x1x16xf32>,
        %get3A_471 = vector.shape_cast %get3A_470 : vector<1x1x16xf32> to vector<16xf32>
        %add3A_472 = arith.addf %add3A_461, %get3A_471 : vector<16xf32>
        %mul3A_473 = arith.constant 4 : i32
        %mul3A_474 = arith.muli %mul3A_473, %scan3A_333 : i32
        %add3A_475 = arith.constant 0 : i32
        %add3A_476 = arith.addi %mul3A_474, %add3A_475 : i32
        %get3A_477 = arith.constant 2 : i32
        %get3A_478 = arith.index_cast %get3A_477 : i32 to index
        %get3A_479 = arith.index_cast %add3A_476 : i32 to index
        %get3A_480 = arith.constant 48 : index
        %get3A_481 = tpu.vector_load %arg6[%get3A_478, %get3A_479, %get3A_480] {strides = array<i32>} : memref<4x128x128xf32, #tpu.memory_space<vmem>>, vector<1x1x16xf32>,
        %get3A_482 = vector.shape_cast %get3A_481 : vector<1x1x16xf32> to vector<16xf32>
        %add3A_483 = arith.addf %scan3A_337, %get3A_482 : vector<16xf32>
        %mul3A_484 = arith.constant 4 : i32
        %mul3A_485 = arith.muli %mul3A_484, %scan3A_333 : i32
        %add3A_486 = arith.constant 1 : i32
        %add3A_487 = arith.addi %mul3A_485, %add3A_486 : i32
        %get3A_488 = arith.constant 2 : i32
        %get3A_489 = arith.index_cast %get3A_488 : i32 to index
        %get3A_490 = arith.index_cast %add3A_487 : i32 to index
        %get3A_491 = arith.constant 48 : index
        %get3A_492 = tpu.vector_load %arg6[%get3A_489, %get3A_490, %get3A_491] {strides = array<i32>} : memref<4x128x128xf32, #tpu.memory_space<vmem>>, vector<1x1x16xf32>,
        %get3A_493 = vector.shape_cast %get3A_492 : vector<1x1x16xf32> to vector<16xf32>
        %add3A_494 = arith.addf %add3A_483, %get3A_493 : vector<16xf32>
        %mul3A_495 = arith.constant 4 : i32
        %mul3A_496 = arith.muli %mul3A_495, %scan3A_333 : i32
        %add3A_497 = arith.constant 2 : i32
        %add3A_498 = arith.addi %mul3A_496, %add3A_497 : i32
        %get3A_499 = arith.constant 2 : i32
        %get3A_500 = arith.index_cast %get3A_499 : i32 to index
        %get3A_501 = arith.index_cast %add3A_498 : i32 to index
        %get3A_502 = arith.constant 48 : index
        %get3A_503 = tpu.vector_load %arg6[%get3A_500, %get3A_501, %get3A_502] {strides = array<i32>} : memref<4x128x128xf32, #tpu.memory_space<vmem>>, vector<1x1x16xf32>,
        %get3A_504 = vector.shape_cast %get3A_503 : vector<1x1x16xf32> to vector<16xf32>
        %add3A_505 = arith.addf %add3A_494, %get3A_504 : vector<16xf32>
        %mul3A_506 = arith.constant 4 : i32
        %mul3A_507 = arith.muli %mul3A_506, %scan3A_333 : i32
        %add3A_508 = arith.constant 3 : i32
        %add3A_509 = arith.addi %mul3A_507, %add3A_508 : i32
        %get3A_510 = arith.constant 2 : i32
        %get3A_511 = arith.index_cast %get3A_510 : i32 to index
        %get3A_512 = arith.index_cast %add3A_509 : i32 to index
        %get3A_513 = arith.constant 48 : index
        %get3A_514 = tpu.vector_load %arg6[%get3A_511, %get3A_512, %get3A_513] {strides = array<i32>} : memref<4x128x128xf32, #tpu.memory_space<vmem>>, vector<1x1x16xf32>,
        %get3A_515 = vector.shape_cast %get3A_514 : vector<1x1x16xf32> to vector<16xf32>
        %add3A_516 = arith.addf %add3A_505, %get3A_515 : vector<16xf32>
        %mul3A_517 = arith.constant 4 : i32
        %mul3A_518 = arith.muli %mul3A_517, %scan3A_333 : i32
        %add3A_519 = arith.constant 0 : i32
        %add3A_520 = arith.addi %mul3A_518, %add3A_519 : i32
        %get3A_521 = arith.constant 2 : i32
        %get3A_522 = arith.index_cast %get3A_521 : i32 to index
        %get3A_523 = arith.index_cast %add3A_520 : i32 to index
        %get3A_524 = arith.constant 64 : index
        %get3A_525 = tpu.vector_load %arg6[%get3A_522, %get3A_523, %get3A_524] {strides = array<i32>} : memref<4x128x128xf32, #tpu.memory_space<vmem>>, vector<1x1x16xf32>,
        %get3A_526 = vector.shape_cast %get3A_525 : vector<1x1x16xf32> to vector<16xf32>
        %add3A_527 = arith.addf %scan3A_338, %get3A_526 : vector<16xf32>
        %mul3A_528 = arith.constant 4 : i32
        %mul3A_529 = arith.muli %mul3A_528, %scan3A_333 : i32
        %add3A_530 = arith.constant 1 : i32
        %add3A_531 = arith.addi %mul3A_529, %add3A_530 : i32
        %get3A_532 = arith.constant 2 : i32
        %get3A_533 = arith.index_cast %get3A_532 : i32 to index
        %get3A_534 = arith.index_cast %add3A_531 : i32 to index
        %get3A_535 = arith.constant 64 : index
        %get3A_536 = tpu.vector_load %arg6[%get3A_533, %get3A_534, %get3A_535] {strides = array<i32>} : memref<4x128x128xf32, #tpu.memory_space<vmem>>, vector<1x1x16xf32>,
        %get3A_537 = vector.shape_cast %get3A_536 : vector<1x1x16xf32> to vector<16xf32>
        %add3A_538 = arith.addf %add3A_527, %get3A_537 : vector<16xf32>
        %mul3A_539 = arith.constant 4 : i32
        %mul3A_540 = arith.muli %mul3A_539, %scan3A_333 : i32
        %add3A_541 = arith.constant 2 : i32
        %add3A_542 = arith.addi %mul3A_540, %add3A_541 : i32
        %get3A_543 = arith.constant 2 : i32
        %get3A_544 = arith.index_cast %get3A_543 : i32 to index
        %get3A_545 = arith.index_cast %add3A_542 : i32 to index
        %get3A_546 = arith.constant 64 : index
        %get3A_547 = tpu.vector_load %arg6[%get3A_544, %get3A_545, %get3A_546] {strides = array<i32>} : memref<4x128x128xf32, #tpu.memory_space<vmem>>, vector<1x1x16xf32>,
        %get3A_548 = vector.shape_cast %get3A_547 : vector<1x1x16xf32> to vector<16xf32>
        %add3A_549 = arith.addf %add3A_538, %get3A_548 : vector<16xf32>
        %mul3A_550 = arith.constant 4 : i32
        %mul3A_551 = arith.muli %mul3A_550, %scan3A_333 : i32
        %add3A_552 = arith.constant 3 : i32
        %add3A_553 = arith.addi %mul3A_551, %add3A_552 : i32
        %get3A_554 = arith.constant 2 : i32
        %get3A_555 = arith.index_cast %get3A_554 : i32 to index
        %get3A_556 = arith.index_cast %add3A_553 : i32 to index
        %get3A_557 = arith.constant 64 : index
        %get3A_558 = tpu.vector_load %arg6[%get3A_555, %get3A_556, %get3A_557] {strides = array<i32>} : memref<4x128x128xf32, #tpu.memory_space<vmem>>, vector<1x1x16xf32>,
        %get3A_559 = vector.shape_cast %get3A_558 : vector<1x1x16xf32> to vector<16xf32>
        %add3A_560 = arith.addf %add3A_549, %get3A_559 : vector<16xf32>
        %mul3A_561 = arith.constant 4 : i32
        %mul3A_562 = arith.muli %mul3A_561, %scan3A_333 : i32
        %add3A_563 = arith.constant 0 : i32
        %add3A_564 = arith.addi %mul3A_562, %add3A_563 : i32
        %get3A_565 = arith.constant 2 : i32
        %get3A_566 = arith.index_cast %get3A_565 : i32 to index
        %get3A_567 = arith.index_cast %add3A_564 : i32 to index
        %get3A_568 = arith.constant 80 : index
        %get3A_569 = tpu.vector_load %arg6[%get3A_566, %get3A_567, %get3A_568] {strides = array<i32>} : memref<4x128x128xf32, #tpu.memory_space<vmem>>, vector<1x1x16xf32>,
        %get3A_570 = vector.shape_cast %get3A_569 : vector<1x1x16xf32> to vector<16xf32>
        %add3A_571 = arith.addf %scan3A_339, %get3A_570 : vector<16xf32>
        %mul3A_572 = arith.constant 4 : i32
        %mul3A_573 = arith.muli %mul3A_572, %scan3A_333 : i32
        %add3A_574 = arith.constant 1 : i32
        %add3A_575 = arith.addi %mul3A_573, %add3A_574 : i32
        %get3A_576 = arith.constant 2 : i32
        %get3A_577 = arith.index_cast %get3A_576 : i32 to index
        %get3A_578 = arith.index_cast %add3A_575 : i32 to index
        %get3A_579 = arith.constant 80 : index
        %get3A_580 = tpu.vector_load %arg6[%get3A_577, %get3A_578, %get3A_579] {strides = array<i32>} : memref<4x128x128xf32, #tpu.memory_space<vmem>>, vector<1x1x16xf32>,
        %get3A_581 = vector.shape_cast %get3A_580 : vector<1x1x16xf32> to vector<16xf32>
        %add3A_582 = arith.addf %add3A_571, %get3A_581 : vector<16xf32>
        %mul3A_583 = arith.constant 4 : i32
        %mul3A_584 = arith.muli %mul3A_583, %scan3A_333 : i32
        %add3A_585 = arith.constant 2 : i32
        %add3A_586 = arith.addi %mul3A_584, %add3A_585 : i32
        %get3A_587 = arith.constant 2 : i32
        %get3A_588 = arith.index_cast %get3A_587 : i32 to index
        %get3A_589 = arith.index_cast %add3A_586 : i32 to index
        %get3A_590 = arith.constant 80 : index
        %get3A_591 = tpu.vector_load %arg6[%get3A_588, %get3A_589, %get3A_590] {strides = array<i32>} : memref<4x128x128xf32, #tpu.memory_space<vmem>>, vector<1x1x16xf32>,
        %get3A_592 = vector.shape_cast %get3A_591 : vector<1x1x16xf32> to vector<16xf32>
        %add3A_593 = arith.addf %add3A_582, %get3A_592 : vector<16xf32>
        %mul3A_594 = arith.constant 4 : i32
        %mul3A_595 = arith.muli %mul3A_594, %scan3A_333 : i32
        %add3A_596 = arith.constant 3 : i32
        %add3A_597 = arith.addi %mul3A_595, %add3A_596 : i32
        %get3A_598 = arith.constant 2 : i32
        %get3A_599 = arith.index_cast %get3A_598 : i32 to index
        %get3A_600 = arith.index_cast %add3A_597 : i32 to index
        %get3A_601 = arith.constant 80 : index
        %get3A_602 = tpu.vector_load %arg6[%get3A_599, %get3A_600, %get3A_601] {strides = array<i32>} : memref<4x128x128xf32, #tpu.memory_space<vmem>>, vector<1x1x16xf32>,
        %get3A_603 = vector.shape_cast %get3A_602 : vector<1x1x16xf32> to vector<16xf32>
        %add3A_604 = arith.addf %add3A_593, %get3A_603 : vector<16xf32>
        %mul3A_605 = arith.constant 4 : i32
        %mul3A_606 = arith.muli %mul3A_605, %scan3A_333 : i32
        %add3A_607 = arith.constant 0 : i32
        %add3A_608 = arith.addi %mul3A_606, %add3A_607 : i32
        %get3A_609 = arith.constant 2 : i32
        %get3A_610 = arith.index_cast %get3A_609 : i32 to index
        %get3A_611 = arith.index_cast %add3A_608 : i32 to index
        %get3A_612 = arith.constant 96 : index
        %get3A_613 = tpu.vector_load %arg6[%get3A_610, %get3A_611, %get3A_612] {strides = array<i32>} : memref<4x128x128xf32, #tpu.memory_space<vmem>>, vector<1x1x16xf32>,
        %get3A_614 = vector.shape_cast %get3A_613 : vector<1x1x16xf32> to vector<16xf32>
        %add3A_615 = arith.addf %scan3A_340, %get3A_614 : vector<16xf32>
        %mul3A_616 = arith.constant 4 : i32
        %mul3A_617 = arith.muli %mul3A_616, %scan3A_333 : i32
        %add3A_618 = arith.constant 1 : i32
        %add3A_619 = arith.addi %mul3A_617, %add3A_618 : i32
        %get3A_620 = arith.constant 2 : i32
        %get3A_621 = arith.index_cast %get3A_620 : i32 to index
        %get3A_622 = arith.index_cast %add3A_619 : i32 to index
        %get3A_623 = arith.constant 96 : index
        %get3A_624 = tpu.vector_load %arg6[%get3A_621, %get3A_622, %get3A_623] {strides = array<i32>} : memref<4x128x128xf32, #tpu.memory_space<vmem>>, vector<1x1x16xf32>,
        %get3A_625 = vector.shape_cast %get3A_624 : vector<1x1x16xf32> to vector<16xf32>
        %add3A_626 = arith.addf %add3A_615, %get3A_625 : vector<16xf32>
        %mul3A_627 = arith.constant 4 : i32
        %mul3A_628 = arith.muli %mul3A_627, %scan3A_333 : i32
        %add3A_629 = arith.constant 2 : i32
        %add3A_630 = arith.addi %mul3A_628, %add3A_629 : i32
        %get3A_631 = arith.constant 2 : i32
        %get3A_632 = arith.index_cast %get3A_631 : i32 to index
        %get3A_633 = arith.index_cast %add3A_630 : i32 to index
        %get3A_634 = arith.constant 96 : index
        %get3A_635 = tpu.vector_load %arg6[%get3A_632, %get3A_633, %get3A_634] {strides = array<i32>} : memref<4x128x128xf32, #tpu.memory_space<vmem>>, vector<1x1x16xf32>,
        %get3A_636 = vector.shape_cast %get3A_635 : vector<1x1x16xf32> to vector<16xf32>
        %add3A_637 = arith.addf %add3A_626, %get3A_636 : vector<16xf32>
        %mul3A_638 = arith.constant 4 : i32
        %mul3A_639 = arith.muli %mul3A_638, %scan3A_333 : i32
        %add3A_640 = arith.constant 3 : i32
        %add3A_641 = arith.addi %mul3A_639, %add3A_640 : i32
        %get3A_642 = arith.constant 2 : i32
        %get3A_643 = arith.index_cast %get3A_642 : i32 to index
        %get3A_644 = arith.index_cast %add3A_641 : i32 to index
        %get3A_645 = arith.constant 96 : index
        %get3A_646 = tpu.vector_load %arg6[%get3A_643, %get3A_644, %get3A_645] {strides = array<i32>} : memref<4x128x128xf32, #tpu.memory_space<vmem>>, vector<1x1x16xf32>,
        %get3A_647 = vector.shape_cast %get3A_646 : vector<1x1x16xf32> to vector<16xf32>
        %add3A_648 = arith.addf %add3A_637, %get3A_647 : vector<16xf32>
        %mul3A_649 = arith.constant 4 : i32
        %mul3A_650 = arith.muli %mul3A_649, %scan3A_333 : i32
        %add3A_651 = arith.constant 0 : i32
        %add3A_652 = arith.addi %mul3A_650, %add3A_651 : i32
        %get3A_653 = arith.constant 2 : i32
        %get3A_654 = arith.index_cast %get3A_653 : i32 to index
        %get3A_655 = arith.index_cast %add3A_652 : i32 to index
        %get3A_656 = arith.constant 112 : index
        %get3A_657 = tpu.vector_load %arg6[%get3A_654, %get3A_655, %get3A_656] {strides = array<i32>} : memref<4x128x128xf32, #tpu.memory_space<vmem>>, vector<1x1x16xf32>,
        %get3A_658 = vector.shape_cast %get3A_657 : vector<1x1x16xf32> to vector<16xf32>
        %add3A_659 = arith.addf %scan3A_341, %get3A_658 : vector<16xf32>
        %mul3A_660 = arith.constant 4 : i32
        %mul3A_661 = arith.muli %mul3A_660, %scan3A_333 : i32
        %add3A_662 = arith.constant 1 : i32
        %add3A_663 = arith.addi %mul3A_661, %add3A_662 : i32
        %get3A_664 = arith.constant 2 : i32
        %get3A_665 = arith.index_cast %get3A_664 : i32 to index
        %get3A_666 = arith.index_cast %add3A_663 : i32 to index
        %get3A_667 = arith.constant 112 : index
        %get3A_668 = tpu.vector_load %arg6[%get3A_665, %get3A_666, %get3A_667] {strides = array<i32>} : memref<4x128x128xf32, #tpu.memory_space<vmem>>, vector<1x1x16xf32>,
        %get3A_669 = vector.shape_cast %get3A_668 : vector<1x1x16xf32> to vector<16xf32>
        %add3A_670 = arith.addf %add3A_659, %get3A_669 : vector<16xf32>
        %mul3A_671 = arith.constant 4 : i32
        %mul3A_672 = arith.muli %mul3A_671, %scan3A_333 : i32
        %add3A_673 = arith.constant 2 : i32
        %add3A_674 = arith.addi %mul3A_672, %add3A_673 : i32
        %get3A_675 = arith.constant 2 : i32
        %get3A_676 = arith.index_cast %get3A_675 : i32 to index
        %get3A_677 = arith.index_cast %add3A_674 : i32 to index
        %get3A_678 = arith.constant 112 : index
        %get3A_679 = tpu.vector_load %arg6[%get3A_676, %get3A_677, %get3A_678] {strides = array<i32>} : memref<4x128x128xf32, #tpu.memory_space<vmem>>, vector<1x1x16xf32>,
        %get3A_680 = vector.shape_cast %get3A_679 : vector<1x1x16xf32> to vector<16xf32>
        %add3A_681 = arith.addf %add3A_670, %get3A_680 : vector<16xf32>
        %mul3A_682 = arith.constant 4 : i32
        %mul3A_683 = arith.muli %mul3A_682, %scan3A_333 : i32
        %add3A_684 = arith.constant 3 : i32
        %add3A_685 = arith.addi %mul3A_683, %add3A_684 : i32
        %get3A_686 = arith.constant 2 : i32
        %get3A_687 = arith.index_cast %get3A_686 : i32 to index
        %get3A_688 = arith.index_cast %add3A_685 : i32 to index
        %get3A_689 = arith.constant 112 : index
        %get3A_690 = tpu.vector_load %arg6[%get3A_687, %get3A_688, %get3A_689] {strides = array<i32>} : memref<4x128x128xf32, #tpu.memory_space<vmem>>, vector<1x1x16xf32>,
        %get3A_691 = vector.shape_cast %get3A_690 : vector<1x1x16xf32> to vector<16xf32>
        %add3A_692 = arith.addf %add3A_681, %get3A_691 : vector<16xf32>
        scf.yield %add3A_384, %add3A_428, %add3A_472, %add3A_516, %add3A_560, %add3A_604, %add3A_648, %add3A_692 : vector<16xf32>, vector<16xf32>, vector<16xf32>, vector<16xf32>, vector<16xf32>, vector<16xf32>, vector<16xf32>, vector<16xf32>
      }
      %scan3A_215 = arith.constant 32 : i32
      %swap3A_216 = arith.index_cast %add3A_196 : i32 to index
      %swap3A_217 = arith.constant 0 : index
      %swap3A_218 = tpu.vector_load %arg7[%swap3A_216, %swap3A_217] {strides = array<i32>} : memref<128x128xf32, #tpu.memory_space<vmem>>, vector<1x16xf32>,
      %swap3A_219 = vector.shape_cast %swap3A_218 : vector<1x16xf32> to vector<16xf32>
      %swap3A_220 = vector.shape_cast %scan3A_214#0 : vector<16xf32> to vector<1x16xf32>
      tpu.vector_store %arg7[%swap3A_216, %swap3A_217], %swap3A_220 {strides = array<i32>} : memref<128x128xf32, #tpu.memory_space<vmem>>, vector<1x16xf32>,
      %swap3A_221 = arith.index_cast %add3A_196 : i32 to index
      %swap3A_222 = arith.constant 16 : index
      %swap3A_223 = tpu.vector_load %arg7[%swap3A_221, %swap3A_222] {strides = array<i32>} : memref<128x128xf32, #tpu.memory_space<vmem>>, vector<1x16xf32>,
      %swap3A_224 = vector.shape_cast %swap3A_223 : vector<1x16xf32> to vector<16xf32>
      %swap3A_225 = vector.shape_cast %scan3A_214#1 : vector<16xf32> to vector<1x16xf32>
      tpu.vector_store %arg7[%swap3A_221, %swap3A_222], %swap3A_225 {strides = array<i32>} : memref<128x128xf32, #tpu.memory_space<vmem>>, vector<1x16xf32>,
      %swap3A_226 = arith.index_cast %add3A_196 : i32 to index
      %swap3A_227 = arith.constant 32 : index
      %swap3A_228 = tpu.vector_load %arg7[%swap3A_226, %swap3A_227] {strides = array<i32>} : memref<128x128xf32, #tpu.memory_space<vmem>>, vector<1x16xf32>,
      %swap3A_229 = vector.shape_cast %swap3A_228 : vector<1x16xf32> to vector<16xf32>
      %swap3A_230 = vector.shape_cast %scan3A_214#2 : vector<16xf32> to vector<1x16xf32>
      tpu.vector_store %arg7[%swap3A_226, %swap3A_227], %swap3A_230 {strides = array<i32>} : memref<128x128xf32, #tpu.memory_space<vmem>>, vector<1x16xf32>,
      %swap3A_231 = arith.index_cast %add3A_196 : i32 to index
      %swap3A_232 = arith.constant 48 : index
      %swap3A_233 = tpu.vector_load %arg7[%swap3A_231, %swap3A_232] {strides = array<i32>} : memref<128x128xf32, #tpu.memory_space<vmem>>, vector<1x16xf32>,
      %swap3A_234 = vector.shape_cast %swap3A_233 : vector<1x16xf32> to vector<16xf32>
      %swap3A_235 = vector.shape_cast %scan3A_214#3 : vector<16xf32> to vector<1x16xf32>
      tpu.vector_store %arg7[%swap3A_231, %swap3A_232], %swap3A_235 {strides = array<i32>} : memref<128x128xf32, #tpu.memory_space<vmem>>, vector<1x16xf32>,
      %swap3A_236 = arith.index_cast %add3A_196 : i32 to index
      %swap3A_237 = arith.constant 64 : index
      %swap3A_238 = tpu.vector_load %arg7[%swap3A_236, %swap3A_237] {strides = array<i32>} : memref<128x128xf32, #tpu.memory_space<vmem>>, vector<1x16xf32>,
      %swap3A_239 = vector.shape_cast %swap3A_238 : vector<1x16xf32> to vector<16xf32>
      %swap3A_240 = vector.shape_cast %scan3A_214#4 : vector<16xf32> to vector<1x16xf32>
      tpu.vector_store %arg7[%swap3A_236, %swap3A_237], %swap3A_240 {strides = array<i32>} : memref<128x128xf32, #tpu.memory_space<vmem>>, vector<1x16xf32>,
      %swap3A_241 = arith.index_cast %add3A_196 : i32 to index
      %swap3A_242 = arith.constant 80 : index
      %swap3A_243 = tpu.vector_load %arg7[%swap3A_241, %swap3A_242] {strides = array<i32>} : memref<128x128xf32, #tpu.memory_space<vmem>>, vector<1x16xf32>,
      %swap3A_244 = vector.shape_cast %swap3A_243 : vector<1x16xf32> to vector<16xf32>
      %swap3A_245 = vector.shape_cast %scan3A_214#5 : vector<16xf32> to vector<1x16xf32>
      tpu.vector_store %arg7[%swap3A_241, %swap3A_242], %swap3A_245 {strides = array<i32>} : memref<128x128xf32, #tpu.memory_space<vmem>>, vector<1x16xf32>,
      %swap3A_246 = arith.index_cast %add3A_196 : i32 to index
      %swap3A_247 = arith.constant 96 : index
      %swap3A_248 = tpu.vector_load %arg7[%swap3A_246, %swap3A_247] {strides = array<i32>} : memref<128x128xf32, #tpu.memory_space<vmem>>, vector<1x16xf32>,
      %swap3A_249 = vector.shape_cast %swap3A_248 : vector<1x16xf32> to vector<16xf32>
      %swap3A_250 = vector.shape_cast %scan3A_214#6 : vector<16xf32> to vector<1x16xf32>
      tpu.vector_store %arg7[%swap3A_246, %swap3A_247], %swap3A_250 {strides = array<i32>} : memref<128x128xf32, #tpu.memory_space<vmem>>, vector<1x16xf32>,
      %swap3A_251 = arith.index_cast %add3A_196 : i32 to index
      %swap3A_252 = arith.constant 112 : index
      %swap3A_253 = tpu.vector_load %arg7[%swap3A_251, %swap3A_252] {strides = array<i32>} : memref<128x128xf32, #tpu.memory_space<vmem>>, vector<1x16xf32>,
      %swap3A_254 = vector.shape_cast %swap3A_253 : vector<1x16xf32> to vector<16xf32>
      %swap3A_255 = vector.shape_cast %scan3A_214#7 : vector<16xf32> to vector<1x16xf32>
      tpu.vector_store %arg7[%swap3A_251, %swap3A_252], %swap3A_255 {strides = array<i32>} : memref<128x128xf32, #tpu.memory_space<vmem>>, vector<1x16xf32>,
      %add3A_256 = arith.constant 4 : i32
      %add3A_257 = arith.addi %add3A_196, %add3A_256 : i32
      %lt3A_258 = arith.constant 128 : i32
      %lt3A_259 = arith.cmpi slt, %add3A_257, %lt3A_258 : i32
      %convert_element_type3A_260 = arith.extui %lt3A_259 : i1 to i32
      %cond3A_261 = arith.constant 0 : i32
      %cond3A_262 = arith.cmpi ne, %convert_element_type3A_260, %cond3A_261 : i32
      scf.if %cond3A_262 {
        %add3A_333 = arith.constant 4 : i32
        %add3A_334 = arith.addi %add3A_196, %add3A_333 : i32
        %dma_start3A_335 = arith.constant 2 : i32
        %dma_start3A_336 = arith.constant 0 : i32
        %dma_start3A_337 = arith.constant 0 : i32
        %dma_start3A_338 = tpu.memref_slice %arg6[%dma_start3A_335, %dma_start3A_336, %dma_start3A_337] : memref<4x128x128xf32, #tpu.memory_space<vmem>> -> memref<1x128x128xf32, #tpu.memory_space<vmem>>
        %dma_start3A_339 = tpu.memref_squeeze %dma_start3A_338 : memref<1x128x128xf32, #tpu.memory_space<vmem>> -> memref<128x128xf32, #tpu.memory_space<vmem>>
        %dma_start3A_340 = arith.constant 0 : i32
        %dma_start3A_341 = tpu.memref_slice %arg5[%add3A_334, %dma_start3A_340] : memref<128x128xi32, #tpu.memory_space<vmem>> -> memref<1x128xi32, #tpu.memory_space<vmem>>
        %dma_start3A_342 = tpu.memref_squeeze %dma_start3A_341 : memref<1x128xi32, #tpu.memory_space<vmem>> -> memref<128xi32, #tpu.memory_space<vmem>>
        %dma_start3A_343 = arith.constant 0 : i32
        %dma_start3A_344 = arith.constant 0 : i32
        %dma_start3A_345 = tpu.memref_slice %arg2[%dma_start3A_343, %dma_start3A_344] : memref<100000x128xf32, #tpu.memory_space<hbm>> -> memref<100000x128xf32, #tpu.memory_space<hbm>>
        tpu.enqueue_indirect_dma source(%dma_start3A_345 : memref<100000x128xf32, #tpu.memory_space<hbm>>) target(%dma_start3A_339 : memref<128x128xf32, #tpu.memory_space<vmem>>) offsets(%dma_start3A_342 : memref<128xi32, #tpu.memory_space<vmem>>) semaphore(%arg10 : memref<!tpu.dma_semaphore, #tpu.memory_space<semaphore_mem>>)
      } else {
      }
      %mul3A_263 = arith.constant 4 : i32
      %mul3A_264 = arith.muli %mul3A_263, %add3A_58 : i32
      %add3A_265 = arith.constant 3 : i32
      %add3A_266 = arith.addi %mul3A_264, %add3A_265 : i32
      %dma_wait3A_267 = arith.constant 3 : i32
      %dma_wait3A_268 = arith.constant 0 : i32
      %dma_wait3A_269 = arith.constant 0 : i32
      %dma_wait3A_270 = tpu.memref_slice %arg6[%dma_wait3A_267, %dma_wait3A_268, %dma_wait3A_269] : memref<4x128x128xf32, #tpu.memory_space<vmem>> -> memref<1x128x128xf32, #tpu.memory_space<vmem>>
      %dma_wait3A_271 = tpu.memref_squeeze %dma_wait3A_270 : memref<1x128x128xf32, #tpu.memory_space<vmem>> -> memref<128x128xf32, #tpu.memory_space<vmem>>
      %dma_wait3A_272 = arith.constant 0 : i32
      %dma_wait3A_273 = tpu.memref_slice %arg5[%add3A_266, %dma_wait3A_272] : memref<128x128xi32, #tpu.memory_space<vmem>> -> memref<1x128xi32, #tpu.memory_space<vmem>>
      %dma_wait3A_274 = tpu.memref_squeeze %dma_wait3A_273 : memref<1x128xi32, #tpu.memory_space<vmem>> -> memref<128xi32, #tpu.memory_space<vmem>>
      %dma_wait3A_275 = arith.constant 0 : i32
      %dma_wait3A_276 = arith.constant 0 : i32
      %dma_wait3A_277 = tpu.memref_slice %arg2[%dma_wait3A_275, %dma_wait3A_276] : memref<100000x128xf32, #tpu.memory_space<hbm>> -> memref<100000x128xf32, #tpu.memory_space<hbm>>
      tpu.wait_indirect_dma semaphore(%arg11 : memref<!tpu.dma_semaphore, #tpu.memory_space<semaphore_mem>>) src(%dma_wait3A_277 : memref<100000x128xf32, #tpu.memory_space<hbm>>) dst(%dma_wait3A_271 : memref<128x128xf32, #tpu.memory_space<vmem>>)
      %broadcast_in_dim3A_278 = arith.constant 0.000000e+00 : f32
      %broadcast_in_dim3A_279 = vector.broadcast %broadcast_in_dim3A_278 : f32 to vector<16xf32>
      %scan3A_280 = arith.constant 0 : i32
      %scan3A_281 = arith.constant 32 : i32
      %scan3A_282 = arith.addi %scan3A_280, %scan3A_281 : i32
      %scan3A_283 = arith.constant 1 : i32
      %scan3A_284:8 = scf.for %scan3A_333 = %scan3A_280 to %scan3A_282 step %scan3A_283 iter_args(%scan3A_334 = %broadcast_in_dim3A_279, %scan3A_335 = %broadcast_in_dim3A_279, %scan3A_336 = %broadcast_in_dim3A_279, %scan3A_337 = %broadcast_in_dim3A_279, %scan3A_338 = %broadcast_in_dim3A_279, %scan3A_339 = %broadcast_in_dim3A_279, %scan3A_340 = %broadcast_in_dim3A_279, %scan3A_341 = %broadcast_in_dim3A_279) -> (vector<16xf32>, vector<16xf32>, vector<16xf32>, vector<16xf32>, vector<16xf32>, vector<16xf32>, vector<16xf32>, vector<16xf32>)  : i32 {
        %mul3A_342 = arith.constant 4 : i32
        %mul3A_343 = arith.muli %mul3A_342, %scan3A_333 : i32
        %add3A_344 = arith.constant 0 : i32
        %add3A_345 = arith.addi %mul3A_343, %add3A_344 : i32
        %get3A = arith.constant 3 : i32
        %get3A_346 = arith.index_cast %get3A : i32 to index
        %get3A_347 = arith.index_cast %add3A_345 : i32 to index
        %get3A_348 = arith.constant 0 : index
        %get3A_349 = tpu.vector_load %arg6[%get3A_346, %get3A_347, %get3A_348] {strides = array<i32>} : memref<4x128x128xf32, #tpu.memory_space<vmem>>, vector<1x1x16xf32>,
        %get3A_350 = vector.shape_cast %get3A_349 : vector<1x1x16xf32> to vector<16xf32>
        %add3A_351 = arith.addf %scan3A_334, %get3A_350 : vector<16xf32>
        %mul3A_352 = arith.constant 4 : i32
        %mul3A_353 = arith.muli %mul3A_352, %scan3A_333 : i32
        %add3A_354 = arith.constant 1 : i32
        %add3A_355 = arith.addi %mul3A_353, %add3A_354 : i32
        %get3A_356 = arith.constant 3 : i32
        %get3A_357 = arith.index_cast %get3A_356 : i32 to index
        %get3A_358 = arith.index_cast %add3A_355 : i32 to index
        %get3A_359 = arith.constant 0 : index
        %get3A_360 = tpu.vector_load %arg6[%get3A_357, %get3A_358, %get3A_359] {strides = array<i32>} : memref<4x128x128xf32, #tpu.memory_space<vmem>>, vector<1x1x16xf32>,
        %get3A_361 = vector.shape_cast %get3A_360 : vector<1x1x16xf32> to vector<16xf32>
        %add3A_362 = arith.addf %add3A_351, %get3A_361 : vector<16xf32>
        %mul3A_363 = arith.constant 4 : i32
        %mul3A_364 = arith.muli %mul3A_363, %scan3A_333 : i32
        %add3A_365 = arith.constant 2 : i32
        %add3A_366 = arith.addi %mul3A_364, %add3A_365 : i32
        %get3A_367 = arith.constant 3 : i32
        %get3A_368 = arith.index_cast %get3A_367 : i32 to index
        %get3A_369 = arith.index_cast %add3A_366 : i32 to index
        %get3A_370 = arith.constant 0 : index
        %get3A_371 = tpu.vector_load %arg6[%get3A_368, %get3A_369, %get3A_370] {strides = array<i32>} : memref<4x128x128xf32, #tpu.memory_space<vmem>>, vector<1x1x16xf32>,
        %get3A_372 = vector.shape_cast %get3A_371 : vector<1x1x16xf32> to vector<16xf32>
        %add3A_373 = arith.addf %add3A_362, %get3A_372 : vector<16xf32>
        %mul3A_374 = arith.constant 4 : i32
        %mul3A_375 = arith.muli %mul3A_374, %scan3A_333 : i32
        %add3A_376 = arith.constant 3 : i32
        %add3A_377 = arith.addi %mul3A_375, %add3A_376 : i32
        %get3A_378 = arith.constant 3 : i32
        %get3A_379 = arith.index_cast %get3A_378 : i32 to index
        %get3A_380 = arith.index_cast %add3A_377 : i32 to index
        %get3A_381 = arith.constant 0 : index
        %get3A_382 = tpu.vector_load %arg6[%get3A_379, %get3A_380, %get3A_381] {strides = array<i32>} : memref<4x128x128xf32, #tpu.memory_space<vmem>>, vector<1x1x16xf32>,
        %get3A_383 = vector.shape_cast %get3A_382 : vector<1x1x16xf32> to vector<16xf32>
        %add3A_384 = arith.addf %add3A_373, %get3A_383 : vector<16xf32>
        %mul3A_385 = arith.constant 4 : i32
        %mul3A_386 = arith.muli %mul3A_385, %scan3A_333 : i32
        %add3A_387 = arith.constant 0 : i32
        %add3A_388 = arith.addi %mul3A_386, %add3A_387 : i32
        %get3A_389 = arith.constant 3 : i32
        %get3A_390 = arith.index_cast %get3A_389 : i32 to index
        %get3A_391 = arith.index_cast %add3A_388 : i32 to index
        %get3A_392 = arith.constant 16 : index
        %get3A_393 = tpu.vector_load %arg6[%get3A_390, %get3A_391, %get3A_392] {strides = array<i32>} : memref<4x128x128xf32, #tpu.memory_space<vmem>>, vector<1x1x16xf32>,
        %get3A_394 = vector.shape_cast %get3A_393 : vector<1x1x16xf32> to vector<16xf32>
        %add3A_395 = arith.addf %scan3A_335, %get3A_394 : vector<16xf32>
        %mul3A_396 = arith.constant 4 : i32
        %mul3A_397 = arith.muli %mul3A_396, %scan3A_333 : i32
        %add3A_398 = arith.constant 1 : i32
        %add3A_399 = arith.addi %mul3A_397, %add3A_398 : i32
        %get3A_400 = arith.constant 3 : i32
        %get3A_401 = arith.index_cast %get3A_400 : i32 to index
        %get3A_402 = arith.index_cast %add3A_399 : i32 to index
        %get3A_403 = arith.constant 16 : index
        %get3A_404 = tpu.vector_load %arg6[%get3A_401, %get3A_402, %get3A_403] {strides = array<i32>} : memref<4x128x128xf32, #tpu.memory_space<vmem>>, vector<1x1x16xf32>,
        %get3A_405 = vector.shape_cast %get3A_404 : vector<1x1x16xf32> to vector<16xf32>
        %add3A_406 = arith.addf %add3A_395, %get3A_405 : vector<16xf32>
        %mul3A_407 = arith.constant 4 : i32
        %mul3A_408 = arith.muli %mul3A_407, %scan3A_333 : i32
        %add3A_409 = arith.constant 2 : i32
        %add3A_410 = arith.addi %mul3A_408, %add3A_409 : i32
        %get3A_411 = arith.constant 3 : i32
        %get3A_412 = arith.index_cast %get3A_411 : i32 to index
        %get3A_413 = arith.index_cast %add3A_410 : i32 to index
        %get3A_414 = arith.constant 16 : index
        %get3A_415 = tpu.vector_load %arg6[%get3A_412, %get3A_413, %get3A_414] {strides = array<i32>} : memref<4x128x128xf32, #tpu.memory_space<vmem>>, vector<1x1x16xf32>,
        %get3A_416 = vector.shape_cast %get3A_415 : vector<1x1x16xf32> to vector<16xf32>
        %add3A_417 = arith.addf %add3A_406, %get3A_416 : vector<16xf32>
        %mul3A_418 = arith.constant 4 : i32
        %mul3A_419 = arith.muli %mul3A_418, %scan3A_333 : i32
        %add3A_420 = arith.constant 3 : i32
        %add3A_421 = arith.addi %mul3A_419, %add3A_420 : i32
        %get3A_422 = arith.constant 3 : i32
        %get3A_423 = arith.index_cast %get3A_422 : i32 to index
        %get3A_424 = arith.index_cast %add3A_421 : i32 to index
        %get3A_425 = arith.constant 16 : index
        %get3A_426 = tpu.vector_load %arg6[%get3A_423, %get3A_424, %get3A_425] {strides = array<i32>} : memref<4x128x128xf32, #tpu.memory_space<vmem>>, vector<1x1x16xf32>,
        %get3A_427 = vector.shape_cast %get3A_426 : vector<1x1x16xf32> to vector<16xf32>
        %add3A_428 = arith.addf %add3A_417, %get3A_427 : vector<16xf32>
        %mul3A_429 = arith.constant 4 : i32
        %mul3A_430 = arith.muli %mul3A_429, %scan3A_333 : i32
        %add3A_431 = arith.constant 0 : i32
        %add3A_432 = arith.addi %mul3A_430, %add3A_431 : i32
        %get3A_433 = arith.constant 3 : i32
        %get3A_434 = arith.index_cast %get3A_433 : i32 to index
        %get3A_435 = arith.index_cast %add3A_432 : i32 to index
        %get3A_436 = arith.constant 32 : index
        %get3A_437 = tpu.vector_load %arg6[%get3A_434, %get3A_435, %get3A_436] {strides = array<i32>} : memref<4x128x128xf32, #tpu.memory_space<vmem>>, vector<1x1x16xf32>,
        %get3A_438 = vector.shape_cast %get3A_437 : vector<1x1x16xf32> to vector<16xf32>
        %add3A_439 = arith.addf %scan3A_336, %get3A_438 : vector<16xf32>
        %mul3A_440 = arith.constant 4 : i32
        %mul3A_441 = arith.muli %mul3A_440, %scan3A_333 : i32
        %add3A_442 = arith.constant 1 : i32
        %add3A_443 = arith.addi %mul3A_441, %add3A_442 : i32
        %get3A_444 = arith.constant 3 : i32
        %get3A_445 = arith.index_cast %get3A_444 : i32 to index
        %get3A_446 = arith.index_cast %add3A_443 : i32 to index
        %get3A_447 = arith.constant 32 : index
        %get3A_448 = tpu.vector_load %arg6[%get3A_445, %get3A_446, %get3A_447] {strides = array<i32>} : memref<4x128x128xf32, #tpu.memory_space<vmem>>, vector<1x1x16xf32>,
        %get3A_449 = vector.shape_cast %get3A_448 : vector<1x1x16xf32> to vector<16xf32>
        %add3A_450 = arith.addf %add3A_439, %get3A_449 : vector<16xf32>
        %mul3A_451 = arith.constant 4 : i32
        %mul3A_452 = arith.muli %mul3A_451, %scan3A_333 : i32
        %add3A_453 = arith.constant 2 : i32
        %add3A_454 = arith.addi %mul3A_452, %add3A_453 : i32
        %get3A_455 = arith.constant 3 : i32
        %get3A_456 = arith.index_cast %get3A_455 : i32 to index
        %get3A_457 = arith.index_cast %add3A_454 : i32 to index
        %get3A_458 = arith.constant 32 : index
        %get3A_459 = tpu.vector_load %arg6[%get3A_456, %get3A_457, %get3A_458] {strides = array<i32>} : memref<4x128x128xf32, #tpu.memory_space<vmem>>, vector<1x1x16xf32>,
        %get3A_460 = vector.shape_cast %get3A_459 : vector<1x1x16xf32> to vector<16xf32>
        %add3A_461 = arith.addf %add3A_450, %get3A_460 : vector<16xf32>
        %mul3A_462 = arith.constant 4 : i32
        %mul3A_463 = arith.muli %mul3A_462, %scan3A_333 : i32
        %add3A_464 = arith.constant 3 : i32
        %add3A_465 = arith.addi %mul3A_463, %add3A_464 : i32
        %get3A_466 = arith.constant 3 : i32
        %get3A_467 = arith.index_cast %get3A_466 : i32 to index
        %get3A_468 = arith.index_cast %add3A_465 : i32 to index
        %get3A_469 = arith.constant 32 : index
        %get3A_470 = tpu.vector_load %arg6[%get3A_467, %get3A_468, %get3A_469] {strides = array<i32>} : memref<4x128x128xf32, #tpu.memory_space<vmem>>, vector<1x1x16xf32>,
        %get3A_471 = vector.shape_cast %get3A_470 : vector<1x1x16xf32> to vector<16xf32>
        %add3A_472 = arith.addf %add3A_461, %get3A_471 : vector<16xf32>
        %mul3A_473 = arith.constant 4 : i32
        %mul3A_474 = arith.muli %mul3A_473, %scan3A_333 : i32
        %add3A_475 = arith.constant 0 : i32
        %add3A_476 = arith.addi %mul3A_474, %add3A_475 : i32
        %get3A_477 = arith.constant 3 : i32
        %get3A_478 = arith.index_cast %get3A_477 : i32 to index
        %get3A_479 = arith.index_cast %add3A_476 : i32 to index
        %get3A_480 = arith.constant 48 : index
        %get3A_481 = tpu.vector_load %arg6[%get3A_478, %get3A_479, %get3A_480] {strides = array<i32>} : memref<4x128x128xf32, #tpu.memory_space<vmem>>, vector<1x1x16xf32>,
        %get3A_482 = vector.shape_cast %get3A_481 : vector<1x1x16xf32> to vector<16xf32>
        %add3A_483 = arith.addf %scan3A_337, %get3A_482 : vector<16xf32>
        %mul3A_484 = arith.constant 4 : i32
        %mul3A_485 = arith.muli %mul3A_484, %scan3A_333 : i32
        %add3A_486 = arith.constant 1 : i32
        %add3A_487 = arith.addi %mul3A_485, %add3A_486 : i32
        %get3A_488 = arith.constant 3 : i32
        %get3A_489 = arith.index_cast %get3A_488 : i32 to index
        %get3A_490 = arith.index_cast %add3A_487 : i32 to index
        %get3A_491 = arith.constant 48 : index
        %get3A_492 = tpu.vector_load %arg6[%get3A_489, %get3A_490, %get3A_491] {strides = array<i32>} : memref<4x128x128xf32, #tpu.memory_space<vmem>>, vector<1x1x16xf32>,
        %get3A_493 = vector.shape_cast %get3A_492 : vector<1x1x16xf32> to vector<16xf32>
        %add3A_494 = arith.addf %add3A_483, %get3A_493 : vector<16xf32>
        %mul3A_495 = arith.constant 4 : i32
        %mul3A_496 = arith.muli %mul3A_495, %scan3A_333 : i32
        %add3A_497 = arith.constant 2 : i32
        %add3A_498 = arith.addi %mul3A_496, %add3A_497 : i32
        %get3A_499 = arith.constant 3 : i32
        %get3A_500 = arith.index_cast %get3A_499 : i32 to index
        %get3A_501 = arith.index_cast %add3A_498 : i32 to index
        %get3A_502 = arith.constant 48 : index
        %get3A_503 = tpu.vector_load %arg6[%get3A_500, %get3A_501, %get3A_502] {strides = array<i32>} : memref<4x128x128xf32, #tpu.memory_space<vmem>>, vector<1x1x16xf32>,
        %get3A_504 = vector.shape_cast %get3A_503 : vector<1x1x16xf32> to vector<16xf32>
        %add3A_505 = arith.addf %add3A_494, %get3A_504 : vector<16xf32>
        %mul3A_506 = arith.constant 4 : i32
        %mul3A_507 = arith.muli %mul3A_506, %scan3A_333 : i32
        %add3A_508 = arith.constant 3 : i32
        %add3A_509 = arith.addi %mul3A_507, %add3A_508 : i32
        %get3A_510 = arith.constant 3 : i32
        %get3A_511 = arith.index_cast %get3A_510 : i32 to index
        %get3A_512 = arith.index_cast %add3A_509 : i32 to index
        %get3A_513 = arith.constant 48 : index
        %get3A_514 = tpu.vector_load %arg6[%get3A_511, %get3A_512, %get3A_513] {strides = array<i32>} : memref<4x128x128xf32, #tpu.memory_space<vmem>>, vector<1x1x16xf32>,
        %get3A_515 = vector.shape_cast %get3A_514 : vector<1x1x16xf32> to vector<16xf32>
        %add3A_516 = arith.addf %add3A_505, %get3A_515 : vector<16xf32>
        %mul3A_517 = arith.constant 4 : i32
        %mul3A_518 = arith.muli %mul3A_517, %scan3A_333 : i32
        %add3A_519 = arith.constant 0 : i32
        %add3A_520 = arith.addi %mul3A_518, %add3A_519 : i32
        %get3A_521 = arith.constant 3 : i32
        %get3A_522 = arith.index_cast %get3A_521 : i32 to index
        %get3A_523 = arith.index_cast %add3A_520 : i32 to index
        %get3A_524 = arith.constant 64 : index
        %get3A_525 = tpu.vector_load %arg6[%get3A_522, %get3A_523, %get3A_524] {strides = array<i32>} : memref<4x128x128xf32, #tpu.memory_space<vmem>>, vector<1x1x16xf32>,
        %get3A_526 = vector.shape_cast %get3A_525 : vector<1x1x16xf32> to vector<16xf32>
        %add3A_527 = arith.addf %scan3A_338, %get3A_526 : vector<16xf32>
        %mul3A_528 = arith.constant 4 : i32
        %mul3A_529 = arith.muli %mul3A_528, %scan3A_333 : i32
        %add3A_530 = arith.constant 1 : i32
        %add3A_531 = arith.addi %mul3A_529, %add3A_530 : i32
        %get3A_532 = arith.constant 3 : i32
        %get3A_533 = arith.index_cast %get3A_532 : i32 to index
        %get3A_534 = arith.index_cast %add3A_531 : i32 to index
        %get3A_535 = arith.constant 64 : index
        %get3A_536 = tpu.vector_load %arg6[%get3A_533, %get3A_534, %get3A_535] {strides = array<i32>} : memref<4x128x128xf32, #tpu.memory_space<vmem>>, vector<1x1x16xf32>,
        %get3A_537 = vector.shape_cast %get3A_536 : vector<1x1x16xf32> to vector<16xf32>
        %add3A_538 = arith.addf %add3A_527, %get3A_537 : vector<16xf32>
        %mul3A_539 = arith.constant 4 : i32
        %mul3A_540 = arith.muli %mul3A_539, %scan3A_333 : i32
        %add3A_541 = arith.constant 2 : i32
        %add3A_542 = arith.addi %mul3A_540, %add3A_541 : i32
        %get3A_543 = arith.constant 3 : i32
        %get3A_544 = arith.index_cast %get3A_543 : i32 to index
        %get3A_545 = arith.index_cast %add3A_542 : i32 to index
        %get3A_546 = arith.constant 64 : index
        %get3A_547 = tpu.vector_load %arg6[%get3A_544, %get3A_545, %get3A_546] {strides = array<i32>} : memref<4x128x128xf32, #tpu.memory_space<vmem>>, vector<1x1x16xf32>,
        %get3A_548 = vector.shape_cast %get3A_547 : vector<1x1x16xf32> to vector<16xf32>
        %add3A_549 = arith.addf %add3A_538, %get3A_548 : vector<16xf32>
        %mul3A_550 = arith.constant 4 : i32
        %mul3A_551 = arith.muli %mul3A_550, %scan3A_333 : i32
        %add3A_552 = arith.constant 3 : i32
        %add3A_553 = arith.addi %mul3A_551, %add3A_552 : i32
        %get3A_554 = arith.constant 3 : i32
        %get3A_555 = arith.index_cast %get3A_554 : i32 to index
        %get3A_556 = arith.index_cast %add3A_553 : i32 to index
        %get3A_557 = arith.constant 64 : index
        %get3A_558 = tpu.vector_load %arg6[%get3A_555, %get3A_556, %get3A_557] {strides = array<i32>} : memref<4x128x128xf32, #tpu.memory_space<vmem>>, vector<1x1x16xf32>,
        %get3A_559 = vector.shape_cast %get3A_558 : vector<1x1x16xf32> to vector<16xf32>
        %add3A_560 = arith.addf %add3A_549, %get3A_559 : vector<16xf32>
        %mul3A_561 = arith.constant 4 : i32
        %mul3A_562 = arith.muli %mul3A_561, %scan3A_333 : i32
        %add3A_563 = arith.constant 0 : i32
        %add3A_564 = arith.addi %mul3A_562, %add3A_563 : i32
        %get3A_565 = arith.constant 3 : i32
        %get3A_566 = arith.index_cast %get3A_565 : i32 to index
        %get3A_567 = arith.index_cast %add3A_564 : i32 to index
        %get3A_568 = arith.constant 80 : index
        %get3A_569 = tpu.vector_load %arg6[%get3A_566, %get3A_567, %get3A_568] {strides = array<i32>} : memref<4x128x128xf32, #tpu.memory_space<vmem>>, vector<1x1x16xf32>,
        %get3A_570 = vector.shape_cast %get3A_569 : vector<1x1x16xf32> to vector<16xf32>
        %add3A_571 = arith.addf %scan3A_339, %get3A_570 : vector<16xf32>
        %mul3A_572 = arith.constant 4 : i32
        %mul3A_573 = arith.muli %mul3A_572, %scan3A_333 : i32
        %add3A_574 = arith.constant 1 : i32
        %add3A_575 = arith.addi %mul3A_573, %add3A_574 : i32
        %get3A_576 = arith.constant 3 : i32
        %get3A_577 = arith.index_cast %get3A_576 : i32 to index
        %get3A_578 = arith.index_cast %add3A_575 : i32 to index
        %get3A_579 = arith.constant 80 : index
        %get3A_580 = tpu.vector_load %arg6[%get3A_577, %get3A_578, %get3A_579] {strides = array<i32>} : memref<4x128x128xf32, #tpu.memory_space<vmem>>, vector<1x1x16xf32>,
        %get3A_581 = vector.shape_cast %get3A_580 : vector<1x1x16xf32> to vector<16xf32>
        %add3A_582 = arith.addf %add3A_571, %get3A_581 : vector<16xf32>
        %mul3A_583 = arith.constant 4 : i32
        %mul3A_584 = arith.muli %mul3A_583, %scan3A_333 : i32
        %add3A_585 = arith.constant 2 : i32
        %add3A_586 = arith.addi %mul3A_584, %add3A_585 : i32
        %get3A_587 = arith.constant 3 : i32
        %get3A_588 = arith.index_cast %get3A_587 : i32 to index
        %get3A_589 = arith.index_cast %add3A_586 : i32 to index
        %get3A_590 = arith.constant 80 : index
        %get3A_591 = tpu.vector_load %arg6[%get3A_588, %get3A_589, %get3A_590] {strides = array<i32>} : memref<4x128x128xf32, #tpu.memory_space<vmem>>, vector<1x1x16xf32>,
        %get3A_592 = vector.shape_cast %get3A_591 : vector<1x1x16xf32> to vector<16xf32>
        %add3A_593 = arith.addf %add3A_582, %get3A_592 : vector<16xf32>
        %mul3A_594 = arith.constant 4 : i32
        %mul3A_595 = arith.muli %mul3A_594, %scan3A_333 : i32
        %add3A_596 = arith.constant 3 : i32
        %add3A_597 = arith.addi %mul3A_595, %add3A_596 : i32
        %get3A_598 = arith.constant 3 : i32
        %get3A_599 = arith.index_cast %get3A_598 : i32 to index
        %get3A_600 = arith.index_cast %add3A_597 : i32 to index
        %get3A_601 = arith.constant 80 : index
        %get3A_602 = tpu.vector_load %arg6[%get3A_599, %get3A_600, %get3A_601] {strides = array<i32>} : memref<4x128x128xf32, #tpu.memory_space<vmem>>, vector<1x1x16xf32>,
        %get3A_603 = vector.shape_cast %get3A_602 : vector<1x1x16xf32> to vector<16xf32>
        %add3A_604 = arith.addf %add3A_593, %get3A_603 : vector<16xf32>
        %mul3A_605 = arith.constant 4 : i32
        %mul3A_606 = arith.muli %mul3A_605, %scan3A_333 : i32
        %add3A_607 = arith.constant 0 : i32
        %add3A_608 = arith.addi %mul3A_606, %add3A_607 : i32
        %get3A_609 = arith.constant 3 : i32
        %get3A_610 = arith.index_cast %get3A_609 : i32 to index
        %get3A_611 = arith.index_cast %add3A_608 : i32 to index
        %get3A_612 = arith.constant 96 : index
        %get3A_613 = tpu.vector_load %arg6[%get3A_610, %get3A_611, %get3A_612] {strides = array<i32>} : memref<4x128x128xf32, #tpu.memory_space<vmem>>, vector<1x1x16xf32>,
        %get3A_614 = vector.shape_cast %get3A_613 : vector<1x1x16xf32> to vector<16xf32>
        %add3A_615 = arith.addf %scan3A_340, %get3A_614 : vector<16xf32>
        %mul3A_616 = arith.constant 4 : i32
        %mul3A_617 = arith.muli %mul3A_616, %scan3A_333 : i32
        %add3A_618 = arith.constant 1 : i32
        %add3A_619 = arith.addi %mul3A_617, %add3A_618 : i32
        %get3A_620 = arith.constant 3 : i32
        %get3A_621 = arith.index_cast %get3A_620 : i32 to index
        %get3A_622 = arith.index_cast %add3A_619 : i32 to index
        %get3A_623 = arith.constant 96 : index
        %get3A_624 = tpu.vector_load %arg6[%get3A_621, %get3A_622, %get3A_623] {strides = array<i32>} : memref<4x128x128xf32, #tpu.memory_space<vmem>>, vector<1x1x16xf32>,
        %get3A_625 = vector.shape_cast %get3A_624 : vector<1x1x16xf32> to vector<16xf32>
        %add3A_626 = arith.addf %add3A_615, %get3A_625 : vector<16xf32>
        %mul3A_627 = arith.constant 4 : i32
        %mul3A_628 = arith.muli %mul3A_627, %scan3A_333 : i32
        %add3A_629 = arith.constant 2 : i32
        %add3A_630 = arith.addi %mul3A_628, %add3A_629 : i32
        %get3A_631 = arith.constant 3 : i32
        %get3A_632 = arith.index_cast %get3A_631 : i32 to index
        %get3A_633 = arith.index_cast %add3A_630 : i32 to index
        %get3A_634 = arith.constant 96 : index
        %get3A_635 = tpu.vector_load %arg6[%get3A_632, %get3A_633, %get3A_634] {strides = array<i32>} : memref<4x128x128xf32, #tpu.memory_space<vmem>>, vector<1x1x16xf32>,
        %get3A_636 = vector.shape_cast %get3A_635 : vector<1x1x16xf32> to vector<16xf32>
        %add3A_637 = arith.addf %add3A_626, %get3A_636 : vector<16xf32>
        %mul3A_638 = arith.constant 4 : i32
        %mul3A_639 = arith.muli %mul3A_638, %scan3A_333 : i32
        %add3A_640 = arith.constant 3 : i32
        %add3A_641 = arith.addi %mul3A_639, %add3A_640 : i32
        %get3A_642 = arith.constant 3 : i32
        %get3A_643 = arith.index_cast %get3A_642 : i32 to index
        %get3A_644 = arith.index_cast %add3A_641 : i32 to index
        %get3A_645 = arith.constant 96 : index
        %get3A_646 = tpu.vector_load %arg6[%get3A_643, %get3A_644, %get3A_645] {strides = array<i32>} : memref<4x128x128xf32, #tpu.memory_space<vmem>>, vector<1x1x16xf32>,
        %get3A_647 = vector.shape_cast %get3A_646 : vector<1x1x16xf32> to vector<16xf32>
        %add3A_648 = arith.addf %add3A_637, %get3A_647 : vector<16xf32>
        %mul3A_649 = arith.constant 4 : i32
        %mul3A_650 = arith.muli %mul3A_649, %scan3A_333 : i32
        %add3A_651 = arith.constant 0 : i32
        %add3A_652 = arith.addi %mul3A_650, %add3A_651 : i32
        %get3A_653 = arith.constant 3 : i32
        %get3A_654 = arith.index_cast %get3A_653 : i32 to index
        %get3A_655 = arith.index_cast %add3A_652 : i32 to index
        %get3A_656 = arith.constant 112 : index
        %get3A_657 = tpu.vector_load %arg6[%get3A_654, %get3A_655, %get3A_656] {strides = array<i32>} : memref<4x128x128xf32, #tpu.memory_space<vmem>>, vector<1x1x16xf32>,
        %get3A_658 = vector.shape_cast %get3A_657 : vector<1x1x16xf32> to vector<16xf32>
        %add3A_659 = arith.addf %scan3A_341, %get3A_658 : vector<16xf32>
        %mul3A_660 = arith.constant 4 : i32
        %mul3A_661 = arith.muli %mul3A_660, %scan3A_333 : i32
        %add3A_662 = arith.constant 1 : i32
        %add3A_663 = arith.addi %mul3A_661, %add3A_662 : i32
        %get3A_664 = arith.constant 3 : i32
        %get3A_665 = arith.index_cast %get3A_664 : i32 to index
        %get3A_666 = arith.index_cast %add3A_663 : i32 to index
        %get3A_667 = arith.constant 112 : index
        %get3A_668 = tpu.vector_load %arg6[%get3A_665, %get3A_666, %get3A_667] {strides = array<i32>} : memref<4x128x128xf32, #tpu.memory_space<vmem>>, vector<1x1x16xf32>,
        %get3A_669 = vector.shape_cast %get3A_668 : vector<1x1x16xf32> to vector<16xf32>
        %add3A_670 = arith.addf %add3A_659, %get3A_669 : vector<16xf32>
        %mul3A_671 = arith.constant 4 : i32
        %mul3A_672 = arith.muli %mul3A_671, %scan3A_333 : i32
        %add3A_673 = arith.constant 2 : i32
        %add3A_674 = arith.addi %mul3A_672, %add3A_673 : i32
        %get3A_675 = arith.constant 3 : i32
        %get3A_676 = arith.index_cast %get3A_675 : i32 to index
        %get3A_677 = arith.index_cast %add3A_674 : i32 to index
        %get3A_678 = arith.constant 112 : index
        %get3A_679 = tpu.vector_load %arg6[%get3A_676, %get3A_677, %get3A_678] {strides = array<i32>} : memref<4x128x128xf32, #tpu.memory_space<vmem>>, vector<1x1x16xf32>,
        %get3A_680 = vector.shape_cast %get3A_679 : vector<1x1x16xf32> to vector<16xf32>
        %add3A_681 = arith.addf %add3A_670, %get3A_680 : vector<16xf32>
        %mul3A_682 = arith.constant 4 : i32
        %mul3A_683 = arith.muli %mul3A_682, %scan3A_333 : i32
        %add3A_684 = arith.constant 3 : i32
        %add3A_685 = arith.addi %mul3A_683, %add3A_684 : i32
        %get3A_686 = arith.constant 3 : i32
        %get3A_687 = arith.index_cast %get3A_686 : i32 to index
        %get3A_688 = arith.index_cast %add3A_685 : i32 to index
        %get3A_689 = arith.constant 112 : index
        %get3A_690 = tpu.vector_load %arg6[%get3A_687, %get3A_688, %get3A_689] {strides = array<i32>} : memref<4x128x128xf32, #tpu.memory_space<vmem>>, vector<1x1x16xf32>,
        %get3A_691 = vector.shape_cast %get3A_690 : vector<1x1x16xf32> to vector<16xf32>
        %add3A_692 = arith.addf %add3A_681, %get3A_691 : vector<16xf32>
        scf.yield %add3A_384, %add3A_428, %add3A_472, %add3A_516, %add3A_560, %add3A_604, %add3A_648, %add3A_692 : vector<16xf32>, vector<16xf32>, vector<16xf32>, vector<16xf32>, vector<16xf32>, vector<16xf32>, vector<16xf32>, vector<16xf32>
      }
      %scan3A_285 = arith.constant 32 : i32
      %swap3A_286 = arith.index_cast %add3A_266 : i32 to index
      %swap3A_287 = arith.constant 0 : index
      %swap3A_288 = tpu.vector_load %arg7[%swap3A_286, %swap3A_287] {strides = array<i32>} : memref<128x128xf32, #tpu.memory_space<vmem>>, vector<1x16xf32>,
      %swap3A_289 = vector.shape_cast %swap3A_288 : vector<1x16xf32> to vector<16xf32>
      %swap3A_290 = vector.shape_cast %scan3A_284#0 : vector<16xf32> to vector<1x16xf32>
      tpu.vector_store %arg7[%swap3A_286, %swap3A_287], %swap3A_290 {strides = array<i32>} : memref<128x128xf32, #tpu.memory_space<vmem>>, vector<1x16xf32>,
      %swap3A_291 = arith.index_cast %add3A_266 : i32 to index
      %swap3A_292 = arith.constant 16 : index
      %swap3A_293 = tpu.vector_load %arg7[%swap3A_291, %swap3A_292] {strides = array<i32>} : memref<128x128xf32, #tpu.memory_space<vmem>>, vector<1x16xf32>,
      %swap3A_294 = vector.shape_cast %swap3A_293 : vector<1x16xf32> to vector<16xf32>
      %swap3A_295 = vector.shape_cast %scan3A_284#1 : vector<16xf32> to vector<1x16xf32>
      tpu.vector_store %arg7[%swap3A_291, %swap3A_292], %swap3A_295 {strides = array<i32>} : memref<128x128xf32, #tpu.memory_space<vmem>>, vector<1x16xf32>,
      %swap3A_296 = arith.index_cast %add3A_266 : i32 to index
      %swap3A_297 = arith.constant 32 : index
      %swap3A_298 = tpu.vector_load %arg7[%swap3A_296, %swap3A_297] {strides = array<i32>} : memref<128x128xf32, #tpu.memory_space<vmem>>, vector<1x16xf32>,
      %swap3A_299 = vector.shape_cast %swap3A_298 : vector<1x16xf32> to vector<16xf32>
      %swap3A_300 = vector.shape_cast %scan3A_284#2 : vector<16xf32> to vector<1x16xf32>
      tpu.vector_store %arg7[%swap3A_296, %swap3A_297], %swap3A_300 {strides = array<i32>} : memref<128x128xf32, #tpu.memory_space<vmem>>, vector<1x16xf32>,
      %swap3A_301 = arith.index_cast %add3A_266 : i32 to index
      %swap3A_302 = arith.constant 48 : index
      %swap3A_303 = tpu.vector_load %arg7[%swap3A_301, %swap3A_302] {strides = array<i32>} : memref<128x128xf32, #tpu.memory_space<vmem>>, vector<1x16xf32>,
      %swap3A_304 = vector.shape_cast %swap3A_303 : vector<1x16xf32> to vector<16xf32>
      %swap3A_305 = vector.shape_cast %scan3A_284#3 : vector<16xf32> to vector<1x16xf32>
      tpu.vector_store %arg7[%swap3A_301, %swap3A_302], %swap3A_305 {strides = array<i32>} : memref<128x128xf32, #tpu.memory_space<vmem>>, vector<1x16xf32>,
      %swap3A_306 = arith.index_cast %add3A_266 : i32 to index
      %swap3A_307 = arith.constant 64 : index
      %swap3A_308 = tpu.vector_load %arg7[%swap3A_306, %swap3A_307] {strides = array<i32>} : memref<128x128xf32, #tpu.memory_space<vmem>>, vector<1x16xf32>,
      %swap3A_309 = vector.shape_cast %swap3A_308 : vector<1x16xf32> to vector<16xf32>
      %swap3A_310 = vector.shape_cast %scan3A_284#4 : vector<16xf32> to vector<1x16xf32>
      tpu.vector_store %arg7[%swap3A_306, %swap3A_307], %swap3A_310 {strides = array<i32>} : memref<128x128xf32, #tpu.memory_space<vmem>>, vector<1x16xf32>,
      %swap3A_311 = arith.index_cast %add3A_266 : i32 to index
      %swap3A_312 = arith.constant 80 : index
      %swap3A_313 = tpu.vector_load %arg7[%swap3A_311, %swap3A_312] {strides = array<i32>} : memref<128x128xf32, #tpu.memory_space<vmem>>, vector<1x16xf32>,
      %swap3A_314 = vector.shape_cast %swap3A_313 : vector<1x16xf32> to vector<16xf32>
      %swap3A_315 = vector.shape_cast %scan3A_284#5 : vector<16xf32> to vector<1x16xf32>
      tpu.vector_store %arg7[%swap3A_311, %swap3A_312], %swap3A_315 {strides = array<i32>} : memref<128x128xf32, #tpu.memory_space<vmem>>, vector<1x16xf32>,
      %swap3A_316 = arith.index_cast %add3A_266 : i32 to index
      %swap3A_317 = arith.constant 96 : index
      %swap3A_318 = tpu.vector_load %arg7[%swap3A_316, %swap3A_317] {strides = array<i32>} : memref<128x128xf32, #tpu.memory_space<vmem>>, vector<1x16xf32>,
      %swap3A_319 = vector.shape_cast %swap3A_318 : vector<1x16xf32> to vector<16xf32>
      %swap3A_320 = vector.shape_cast %scan3A_284#6 : vector<16xf32> to vector<1x16xf32>
      tpu.vector_store %arg7[%swap3A_316, %swap3A_317], %swap3A_320 {strides = array<i32>} : memref<128x128xf32, #tpu.memory_space<vmem>>, vector<1x16xf32>,
      %swap3A_321 = arith.index_cast %add3A_266 : i32 to index
      %swap3A_322 = arith.constant 112 : index
      %swap3A_323 = tpu.vector_load %arg7[%swap3A_321, %swap3A_322] {strides = array<i32>} : memref<128x128xf32, #tpu.memory_space<vmem>>, vector<1x16xf32>,
      %swap3A_324 = vector.shape_cast %swap3A_323 : vector<1x16xf32> to vector<16xf32>
      %swap3A_325 = vector.shape_cast %scan3A_284#7 : vector<16xf32> to vector<1x16xf32>
      tpu.vector_store %arg7[%swap3A_321, %swap3A_322], %swap3A_325 {strides = array<i32>} : memref<128x128xf32, #tpu.memory_space<vmem>>, vector<1x16xf32>,
      %add3A_326 = arith.constant 4 : i32
      %add3A_327 = arith.addi %add3A_266, %add3A_326 : i32
      %lt3A_328 = arith.constant 128 : i32
      %lt3A_329 = arith.cmpi slt, %add3A_327, %lt3A_328 : i32
      %convert_element_type3A_330 = arith.extui %lt3A_329 : i1 to i32
      %cond3A_331 = arith.constant 0 : i32
      %cond3A_332 = arith.cmpi ne, %convert_element_type3A_330, %cond3A_331 : i32
      scf.if %cond3A_332 {
        %add3A_333 = arith.constant 4 : i32
        %add3A_334 = arith.addi %add3A_266, %add3A_333 : i32
        %dma_start3A_335 = arith.constant 3 : i32
        %dma_start3A_336 = arith.constant 0 : i32
        %dma_start3A_337 = arith.constant 0 : i32
        %dma_start3A_338 = tpu.memref_slice %arg6[%dma_start3A_335, %dma_start3A_336, %dma_start3A_337] : memref<4x128x128xf32, #tpu.memory_space<vmem>> -> memref<1x128x128xf32, #tpu.memory_space<vmem>>
        %dma_start3A_339 = tpu.memref_squeeze %dma_start3A_338 : memref<1x128x128xf32, #tpu.memory_space<vmem>> -> memref<128x128xf32, #tpu.memory_space<vmem>>
        %dma_start3A_340 = arith.constant 0 : i32
        %dma_start3A_341 = tpu.memref_slice %arg5[%add3A_334, %dma_start3A_340] : memref<128x128xi32, #tpu.memory_space<vmem>> -> memref<1x128xi32, #tpu.memory_space<vmem>>
        %dma_start3A_342 = tpu.memref_squeeze %dma_start3A_341 : memref<1x128xi32, #tpu.memory_space<vmem>> -> memref<128xi32, #tpu.memory_space<vmem>>
        %dma_start3A_343 = arith.constant 0 : i32
        %dma_start3A_344 = arith.constant 0 : i32
        %dma_start3A_345 = tpu.memref_slice %arg2[%dma_start3A_343, %dma_start3A_344] : memref<100000x128xf32, #tpu.memory_space<hbm>> -> memref<100000x128xf32, #tpu.memory_space<hbm>>
        tpu.enqueue_indirect_dma source(%dma_start3A_345 : memref<100000x128xf32, #tpu.memory_space<hbm>>) target(%dma_start3A_339 : memref<128x128xf32, #tpu.memory_space<vmem>>) offsets(%dma_start3A_342 : memref<128xi32, #tpu.memory_space<vmem>>) semaphore(%arg11 : memref<!tpu.dma_semaphore, #tpu.memory_space<semaphore_mem>>)
      } else {
      }
    }
    %scan3A_53 = arith.constant 32 : i32
    "tpu.region"() ({
      %run_scoped3A = tpu.sem_alloc : memref<!tpu.dma_semaphore, #tpu.memory_space<semaphore_mem>>
      %dma_start3A_54 = arith.constant 0 : i32
      %dma_start3A_55 = tpu.memref_slice %arg4[%mul3A_2, %dma_start3A_54] : memref<4096x128xf32, #tpu.memory_space<hbm>> -> memref<128x128xf32, #tpu.memory_space<hbm>>
      %dma_start3A_56 = arith.constant 0 : i32
      %dma_start3A_57 = tpu.memref_slice %arg4[%mul3A_2, %dma_start3A_56] : memref<4096x128xf32, #tpu.memory_space<hbm>> -> memref<128x128xf32, #tpu.memory_space<hbm>>
      tpu.enqueue_dma source(%arg7 : memref<128x128xf32, #tpu.memory_space<vmem>>) target(%dma_start3A_57 : memref<128x128xf32, #tpu.memory_space<hbm>>) target_semaphore(%run_scoped3A : memref<!tpu.dma_semaphore, #tpu.memory_space<semaphore_mem>>)
      %dma_wait3A = arith.constant 0 : i32
      %dma_wait3A_58 = tpu.memref_slice %arg4[%mul3A_2, %dma_wait3A] : memref<4096x128xf32, #tpu.memory_space<hbm>> -> memref<128x128xf32, #tpu.memory_space<hbm>>
      %dma_wait3A_59 = arith.constant 0 : i32
      %dma_wait3A_60 = tpu.memref_slice %arg4[%mul3A_2, %dma_wait3A_59] : memref<4096x128xf32, #tpu.memory_space<hbm>> -> memref<128x128xf32, #tpu.memory_space<hbm>>
      tpu.wait_dma2 semaphore(%run_scoped3A : memref<!tpu.dma_semaphore, #tpu.memory_space<semaphore_mem>>) src(%arg7 : memref<128x128xf32, #tpu.memory_space<vmem>>) dst(%dma_wait3A_60 : memref<128x128xf32, #tpu.memory_space<hbm>>)
      tpu.yield
    }) : () -> ()
    return
  }
}

module attributes {stable_mosaic.version = 14 : i64} {
  func.func @_final_body(%arg0: memref<2x128xf32, #tpu.memory_space<vmem>>, %arg1: memref<1x128xf32, #tpu.memory_space<vmem>>, %arg2: memref<1x128xf32, #tpu.memory_space<vmem>>, %arg3: memref<1x128xf32, #tpu.memory_space<vmem>>, %arg4: memref<1x128xf32, #tpu.memory_space<vmem>>, %arg5: memref<1x1xf32, #tpu.memory_space<vmem>>) attributes {dimension_semantics = [], scalar_prefetch = 0 : i64, scratch_operands = 0 : i64, tpu.core_type = #tpu.core_type<tc>} {
    %get3A = arith.constant 0 : index
    %get3A_0 = arith.constant 0 : index
    %get3A_1 = vector.load %arg0[%get3A, %get3A_0] : memref<2x128xf32, #tpu.memory_space<vmem>>, vector<1x128xf32>
    %get3A_2 = arith.constant 1 : index
    %get3A_3 = arith.constant 0 : index
    %get3A_4 = vector.load %arg0[%get3A_2, %get3A_3] : memref<2x128xf32, #tpu.memory_space<vmem>>, vector<1x128xf32>
    %eq3A = arith.constant 0.000000e+00 : f32
    %eq3A_5 = vector.broadcast %eq3A : f32 to vector<1x128xf32>
    %eq3A_6 = arith.cmpf oeq, %get3A_4, %eq3A_5 : vector<1x128xf32>
    %convert_element_type3A = arith.extui %eq3A_6 : vector<1x128xi1> to vector<1x128xi32>
    %convert_element_type3A_7 = arith.sitofp %convert_element_type3A : vector<1x128xi32> to vector<1x128xf32>
    %add3A = arith.addf %get3A_4, %convert_element_type3A_7 : vector<1x128xf32>
    %div3A = arith.divf %get3A_1, %add3A : vector<1x128xf32>
    %gt3A = arith.constant 0.000000e+00 : f32
    %gt3A_8 = vector.broadcast %gt3A : f32 to vector<1x128xf32>
    %gt3A_9 = arith.cmpf ogt, %get3A_4, %gt3A_8 : vector<1x128xf32>
    %convert_element_type3A_10 = arith.extui %gt3A_9 : vector<1x128xi1> to vector<1x128xi32>
    %convert_element_type3A_11 = arith.sitofp %convert_element_type3A_10 : vector<1x128xi32> to vector<1x128xf32>
    %mul3A = arith.constant 1.000000e-01 : f32
    %mul3A_12 = vector.broadcast %mul3A : f32 to vector<1x128xf32>
    %mul3A_13 = arith.mulf %mul3A_12, %convert_element_type3A_11 : vector<1x128xf32>
    %sub3A = arith.constant 1.000000e+00 : f32
    %sub3A_14 = vector.broadcast %sub3A : f32 to vector<1x128xf32>
    %sub3A_15 = arith.subf %sub3A_14, %mul3A_13 : vector<1x128xf32>
    %get3A_16 = arith.constant 0 : index
    %get3A_17 = arith.constant 0 : index
    %get3A_18 = vector.load %arg4[%get3A_16, %get3A_17] : memref<1x128xf32, #tpu.memory_space<vmem>>, vector<1x128xf32>
    %gt3A_19 = arith.constant 0.000000e+00 : f32
    %gt3A_20 = vector.broadcast %gt3A_19 : f32 to vector<1x128xf32>
    %gt3A_21 = arith.cmpf ogt, %get3A_18, %gt3A_20 : vector<1x128xf32>
    %convert_element_type3A_22 = arith.extui %gt3A_21 : vector<1x128xi1> to vector<1x128xi32>
    %convert_element_type3A_23 = arith.sitofp %convert_element_type3A_22 : vector<1x128xi32> to vector<1x128xf32>
    %mul3A_24 = arith.mulf %sub3A_15, %convert_element_type3A_23 : vector<1x128xf32>
    %get3A_25 = arith.constant 0 : index
    %get3A_26 = arith.constant 0 : index
    %get3A_27 = vector.load %arg3[%get3A_25, %get3A_26] : memref<1x128xf32, #tpu.memory_space<vmem>>, vector<1x128xf32>
    %mul3A_28 = arith.mulf %get3A_27, %mul3A_24 : vector<1x128xf32>
    %sub3A_29 = arith.constant 1.000000e+00 : f32
    %sub3A_30 = vector.broadcast %sub3A_29 : f32 to vector<1x128xf32>
    %sub3A_31 = arith.subf %sub3A_30, %mul3A_24 : vector<1x128xf32>
    %mul3A_32 = arith.mulf %div3A, %sub3A_31 : vector<1x128xf32>
    %add3A_33 = arith.addf %mul3A_28, %mul3A_32 : vector<1x128xf32>
    %get3A_34 = arith.constant 0 : index
    %get3A_35 = arith.constant 0 : index
    %get3A_36 = vector.load %arg1[%get3A_34, %get3A_35] : memref<1x128xf32, #tpu.memory_space<vmem>>, vector<1x128xf32>
    %mul3A_37 = arith.constant 0.949999988 : f32
    %mul3A_38 = vector.broadcast %mul3A_37 : f32 to vector<1x128xf32>
    %mul3A_39 = arith.mulf %get3A_36, %mul3A_38 : vector<1x128xf32>
    %mul3A_40 = arith.constant 5.000000e-02 : f32
    %mul3A_41 = vector.broadcast %mul3A_40 : f32 to vector<1x128xf32>
    %mul3A_42 = arith.mulf %mul3A_41, %get3A_4 : vector<1x128xf32>
    %add3A_43 = arith.addf %mul3A_39, %mul3A_42 : vector<1x128xf32>
    %get3A_44 = arith.constant 0 : index
    %get3A_45 = arith.constant 0 : index
    %get3A_46 = vector.load %arg2[%get3A_44, %get3A_45] : memref<1x128xf32, #tpu.memory_space<vmem>>, vector<1x128xf32>
    %sqrt3A = math.sqrt %add3A_43 : vector<1x128xf32>
    %div3A_47 = arith.divf %get3A_46, %sqrt3A : vector<1x128xf32>
    %add3A_48 = arith.addf %add3A_33, %div3A_47 : vector<1x128xf32>
    %reduce_sum3A = vector.shape_cast %add3A_43 : vector<1x128xf32> to vector<1x1x128xf32>
    %reduce_sum3A_49 = arith.constant dense<0.000000e+00> : vector<1xf32>
    %reduce_sum3A_50 = vector.multi_reduction <add>, %reduce_sum3A, %reduce_sum3A_49 [1, 2] : vector<1x1x128xf32> to vector<1xf32>
    %reduce_sum3A_51 = vector.shape_cast %reduce_sum3A_50 : vector<1xf32> to vector<1x1x1xf32>
    %reduce_sum3A_52 = vector.extract %reduce_sum3A_51[0, 0, 0] : f32 from vector<1x1x1xf32>
    %div3A_53 = vector.broadcast %reduce_sum3A_52 : f32 to vector<1x128xf32>
    %div3A_54 = arith.divf %add3A_43, %div3A_53 : vector<1x128xf32>
    %iota3A = tpu.iota {dimensions = array<i32: 0>} : vector<128x128xi32>
    %iota3A_55 = tpu.iota {dimensions = array<i32: 1>} : vector<128x128xi32>
    %broadcast_in_dim3A = vector.shape_cast %add3A_48 : vector<1x128xf32> to vector<1x128xf32>
    %broadcast_in_dim3A_56 = vector.broadcast %broadcast_in_dim3A : vector<1x128xf32> to vector<128x128xf32>
    %transpose3A = tpu.transpose %broadcast_in_dim3A_56, [1, 0] : vector<128x128xf32> -> vector<128x128xf32>
    %gt3A_57 = arith.cmpf ogt, %broadcast_in_dim3A_56, %transpose3A : vector<128x128xf32>
    %eq3A_58 = arith.cmpf oeq, %broadcast_in_dim3A_56, %transpose3A : vector<128x128xf32>
    %lt3A = arith.cmpi slt, %iota3A_55, %iota3A : vector<128x128xi32>
    %and3A = arith.andi %eq3A_58, %lt3A : vector<128x128xi1>
    %or3A = arith.ori %gt3A_57, %and3A : vector<128x128xi1>
    %jit3A = arith.constant 1.000000e+00 : f32
    %jit3A_59 = arith.constant 0.000000e+00 : f32
    %broadcast_in_dim3A_60 = vector.broadcast %jit3A : f32 to vector<128x128xf32>
    %broadcast_in_dim3A_61 = vector.broadcast %jit3A_59 : f32 to vector<128x128xf32>
    %select_n3A = arith.select %or3A, %broadcast_in_dim3A_60, %broadcast_in_dim3A_61 : vector<128x128xi1>, vector<128x128xf32>
    %reduce_sum3A_62 = arith.constant dense<0.000000e+00> : vector<128xf32>
    %reduce_sum3A_63 = vector.multi_reduction <add>, %select_n3A, %reduce_sum3A_62 [1] : vector<128x128xf32> to vector<128xf32>
    %broadcast_in_dim3A_64 = vector.shape_cast %reduce_sum3A_63 : vector<128xf32> to vector<128x1xf32>
    %gt3A_65 = arith.cmpf ogt, %transpose3A, %broadcast_in_dim3A_56 : vector<128x128xf32>
    %eq3A_66 = arith.cmpf oeq, %transpose3A, %broadcast_in_dim3A_56 : vector<128x128xf32>
    %lt3A_67 = arith.cmpi slt, %iota3A, %iota3A_55 : vector<128x128xi32>
    %and3A_68 = arith.andi %eq3A_66, %lt3A_67 : vector<128x128xi1>
    %or3A_69 = arith.ori %gt3A_65, %and3A_68 : vector<128x128xi1>
    %jit3A_70 = arith.constant 1.000000e+00 : f32
    %jit3A_71 = arith.constant 0.000000e+00 : f32
    %broadcast_in_dim3A_72 = vector.broadcast %jit3A_70 : f32 to vector<128x128xf32>
    %broadcast_in_dim3A_73 = vector.broadcast %jit3A_71 : f32 to vector<128x128xf32>
    %select_n3A_74 = arith.select %or3A_69, %broadcast_in_dim3A_72, %broadcast_in_dim3A_73 : vector<128x128xi1>, vector<128x128xf32>
    %reduce_sum3A_75 = arith.constant dense<0.000000e+00> : vector<128xf32>
    %reduce_sum3A_76 = vector.multi_reduction <add>, %select_n3A_74, %reduce_sum3A_75 [0] : vector<128x128xf32> to vector<128xf32>
    %broadcast_in_dim3A_77 = vector.shape_cast %reduce_sum3A_76 : vector<128xf32> to vector<1x128xf32>
    %broadcast_in_dim3A_78 = vector.shape_cast %broadcast_in_dim3A_77 : vector<1x128xf32> to vector<1x128xf32>
    %broadcast_in_dim3A_79 = vector.broadcast %broadcast_in_dim3A_78 : vector<1x128xf32> to vector<128x128xf32>
    %broadcast_in_dim3A_80 = vector.shape_cast %broadcast_in_dim3A_64 : vector<128x1xf32> to vector<128x1xf32>
    %broadcast_in_dim3A_81 = vector.broadcast %broadcast_in_dim3A_80 : vector<128x1xf32> to vector<128x128xf32>
    %le3A = arith.cmpf ole, %broadcast_in_dim3A_79, %broadcast_in_dim3A_81 : vector<128x128xf32>
    %convert_element_type3A_82 = arith.extui %le3A : vector<128x128xi1> to vector<128x128xi32>
    %convert_element_type3A_83 = arith.sitofp %convert_element_type3A_82 : vector<128x128xi32> to vector<128x128xf32>
    %broadcast_in_dim3A_84 = vector.shape_cast %div3A_54 : vector<1x128xf32> to vector<1x128xf32>
    %broadcast_in_dim3A_85 = vector.broadcast %broadcast_in_dim3A_84 : vector<1x128xf32> to vector<128x128xf32>
    %mul3A_86 = arith.mulf %broadcast_in_dim3A_85, %convert_element_type3A_83 : vector<128x128xf32>
    %reduce_sum3A_87 = arith.constant dense<0.000000e+00> : vector<128xf32>
    %reduce_sum3A_88 = vector.multi_reduction <add>, %mul3A_86, %reduce_sum3A_87 [1] : vector<128x128xf32> to vector<128xf32>
    %broadcast_in_dim3A_89 = vector.shape_cast %reduce_sum3A_88 : vector<128xf32> to vector<128x1xf32>
    %lt3A_90 = arith.constant 2.000000e-01 : f32
    %lt3A_91 = vector.broadcast %lt3A_90 : f32 to vector<128x1xf32>
    %lt3A_92 = arith.cmpf olt, %broadcast_in_dim3A_89, %lt3A_91 : vector<128x1xf32>
    %convert_element_type3A_93 = arith.extui %lt3A_92 : vector<128x1xi1> to vector<128x1xi32>
    %convert_element_type3A_94 = arith.sitofp %convert_element_type3A_93 : vector<128x1xi32> to vector<128x1xf32>
    %reduce_sum3A_95 = vector.shape_cast %convert_element_type3A_94 : vector<128x1xf32> to vector<1x128x1xf32>
    %reduce_sum3A_96 = arith.constant dense<0.000000e+00> : vector<1xf32>
    %reduce_sum3A_97 = vector.multi_reduction <add>, %reduce_sum3A_95, %reduce_sum3A_96 [1, 2] : vector<1x128x1xf32> to vector<1xf32>
    %reduce_sum3A_98 = vector.shape_cast %reduce_sum3A_97 : vector<1xf32> to vector<1x1x1xf32>
    %reduce_sum3A_99 = vector.extract %reduce_sum3A_98[0, 0, 0] : f32 from vector<1x1x1xf32>
    %eq3A_100 = arith.constant 1.280000e+02 : f32
    %eq3A_101 = arith.cmpf oeq, %reduce_sum3A_99, %eq3A_100 : f32
    %jit3A_102 = arith.constant 1.270000e+02 : f32
    %select_n3A_103 = arith.select %eq3A_101, %jit3A_102, %reduce_sum3A_99 : f32
    %lt3A_104 = vector.broadcast %select_n3A_103 : f32 to vector<1x128xf32>
    %lt3A_105 = arith.cmpf olt, %broadcast_in_dim3A_77, %lt3A_104 : vector<1x128xf32>
    %convert_element_type3A_106 = arith.extui %lt3A_105 : vector<1x128xi1> to vector<1x128xi32>
    %convert_element_type3A_107 = arith.sitofp %convert_element_type3A_106 : vector<1x128xi32> to vector<1x128xf32>
    %eq3A_108 = vector.broadcast %select_n3A_103 : f32 to vector<1x128xf32>
    %eq3A_109 = arith.cmpf oeq, %broadcast_in_dim3A_77, %eq3A_108 : vector<1x128xf32>
    %convert_element_type3A_110 = arith.extui %eq3A_109 : vector<1x128xi1> to vector<1x128xi32>
    %convert_element_type3A_111 = arith.sitofp %convert_element_type3A_110 : vector<1x128xi32> to vector<1x128xf32>
    %mul3A_112 = arith.mulf %div3A_54, %convert_element_type3A_107 : vector<1x128xf32>
    %reduce_sum3A_113 = vector.shape_cast %mul3A_112 : vector<1x128xf32> to vector<1x1x128xf32>
    %reduce_sum3A_114 = arith.constant dense<0.000000e+00> : vector<1xf32>
    %reduce_sum3A_115 = vector.multi_reduction <add>, %reduce_sum3A_113, %reduce_sum3A_114 [1, 2] : vector<1x1x128xf32> to vector<1xf32>
    %reduce_sum3A_116 = vector.shape_cast %reduce_sum3A_115 : vector<1xf32> to vector<1x1x1xf32>
    %reduce_sum3A_117 = vector.extract %reduce_sum3A_116[0, 0, 0] : f32 from vector<1x1x1xf32>
    %div3A_118 = arith.constant 2.000000e-01 : f32
    %div3A_119 = arith.divf %reduce_sum3A_117, %div3A_118 : f32
    %sub3A_120 = arith.constant 1.000000e+00 : f32
    %sub3A_121 = arith.subf %sub3A_120, %div3A_119 : f32
    %mul3A_122 = arith.mulf %div3A_54, %convert_element_type3A_111 : vector<1x128xf32>
    %reduce_sum3A_123 = vector.shape_cast %mul3A_122 : vector<1x128xf32> to vector<1x1x128xf32>
    %reduce_sum3A_124 = arith.constant dense<0.000000e+00> : vector<1xf32>
    %reduce_sum3A_125 = vector.multi_reduction <add>, %reduce_sum3A_123, %reduce_sum3A_124 [1, 2] : vector<1x1x128xf32> to vector<1xf32>
    %reduce_sum3A_126 = vector.shape_cast %reduce_sum3A_125 : vector<1xf32> to vector<1x1x1xf32>
    %reduce_sum3A_127 = vector.extract %reduce_sum3A_126[0, 0, 0] : f32 from vector<1x1x1xf32>
    %div3A_128 = arith.divf %sub3A_121, %reduce_sum3A_127 : f32
    %mul3A_129 = arith.constant 5.000000e+00 : f32
    %mul3A_130 = vector.broadcast %mul3A_129 : f32 to vector<1x128xf32>
    %mul3A_131 = arith.mulf %convert_element_type3A_107, %mul3A_130 : vector<1x128xf32>
    %mul3A_132 = vector.broadcast %div3A_128 : f32 to vector<1x128xf32>
    %mul3A_133 = arith.mulf %convert_element_type3A_111, %mul3A_132 : vector<1x128xf32>
    %add3A_134 = arith.addf %mul3A_131, %mul3A_133 : vector<1x128xf32>
    %sub3A_135 = arith.constant 1.000000e+00 : f32
    %sub3A_136 = vector.broadcast %sub3A_135 : f32 to vector<1x128xf32>
    %sub3A_137 = arith.subf %sub3A_136, %convert_element_type3A_107 : vector<1x128xf32>
    %sub3A_138 = arith.subf %sub3A_137, %convert_element_type3A_111 : vector<1x128xf32>
    %mul3A_139 = arith.constant 0.000000e+00 : f32
    %mul3A_140 = vector.broadcast %mul3A_139 : f32 to vector<1x128xf32>
    %mul3A_141 = arith.mulf %sub3A_138, %mul3A_140 : vector<1x128xf32>
    %add3A_142 = arith.addf %add3A_134, %mul3A_141 : vector<1x128xf32>
    %mul3A_143 = arith.mulf %div3A, %add3A_142 : vector<1x128xf32>
    %reduce_sum3A_144 = vector.shape_cast %mul3A_143 : vector<1x128xf32> to vector<1x1x128xf32>
    %reduce_sum3A_145 = arith.constant dense<0.000000e+00> : vector<1xf32>
    %reduce_sum3A_146 = vector.multi_reduction <add>, %reduce_sum3A_144, %reduce_sum3A_145 [1, 2] : vector<1x1x128xf32> to vector<1xf32>
    %reduce_sum3A_147 = vector.shape_cast %reduce_sum3A_146 : vector<1xf32> to vector<1x1x1xf32>
    %reduce_sum3A_148 = vector.extract %reduce_sum3A_147[0, 0, 0] : f32 from vector<1x1x1xf32>
    %reshape3A = vector.broadcast %reduce_sum3A_148 : f32 to vector<1x1xf32>
    %swap3A = arith.constant 0 : index
    %swap3A_149 = arith.constant 0 : index
    %swap3A_150 = vector.load %arg5[%swap3A, %swap3A_149] : memref<1x1xf32, #tpu.memory_space<vmem>>, vector<1x1xf32>
    tpu.vector_store %arg5[%swap3A, %swap3A_149], %reshape3A {strides = array<i32>} : memref<1x1xf32, #tpu.memory_space<vmem>>, vector<1x1xf32>,
    return
  }
}

</mosaic_0001>

<sc_bundles>
// kernel: gather_offload_async_start
scs
__scs_entry_jumppad:
0x0: {  	(pc) =	sbr.rel $0x88, $3  }
0x1: {  	(tag) =	ssettag $0x0;
	lr =	simm.s32 $0x1  }
0x2: {  	[smem:$0x3F90] =	sst lr;
	_ =	strace $0xD0000000  }
0x3: {  	_ = 	snop  }
0x4: {  	_ = 	snop  }
0x5: {  	_ = 	snop  }
0x6: {  	_ = 	snop  }
0x7: {  	_ = 	snop  }
__scs_overlays_trampoline_lowered:
0x8: {  	[smem:$0x3F9F] =	sst s0  }
0x9: {  	[smem:$0x3FA0] =	sst s1  }
0xa: {  	[smem:$0x3FA1] =	sst s2  }
0xb: {  	[smem:$0x3FA2] =	sst s3  }
0xc: {  	[smem:$0x3FA3] =	sst s4  }
0xd: {  	[smem:$0x3FA4] =	sst s5  }
0xe: {  	[smem:$0x3FA5] =	sst s6  }
0xf: {  	[smem:$0x3FA6] =	sst s7  }
0x10: {  	[smem:$0x3FA7] =	sst s8  }
0x11: {  	[smem:$0x3FA8] =	sst s9;
	s0 =	simm.s32 @!p0 $0x0  }
0x12: {  	s1 =	sld [smem:$0x3F8E];
	s0 =	simm.s32 @p0 $0x1  }
0x13: {  	[smem:$0x3FA9] =	sst s0;
	s0 =	simm.s32 @!p1 $0x0  }
0x14: {  	s2 =	sld [smem:$0x3F8D];
	s0 =	simm.s32 @p1 $0x1  }
0x15: {  	[smem:$0x3FAA] =	sst s0;
	s0 =	simm.s32 @!p2 $0x0  }
0x16: {  	s3 =	sld [smem:$0x3FDB];
	s0 =	simm.s32 @p2 $0x1  }
0x17: {  	s4 =	simm.s32 $0x1BF5;
	[smem:$0x3FAC] =	sst s0  }
0x18: {  	s0 =	sld [smem:$0x3F8F];
	_ =	swait.ge [sflag:s4], $0x0  }
0x19: {  	s7 =	sld [smem:$0x3F90]  }
0x1a: {  	s8 =	sadd.s32 $0xFFFFE003, lr  }
0x1b: {  	s9 =	sadd.s32 $0xFFFFFEF7, lr;
	s5 =	simm.s32 $0xFFFFFFFF;
	p2 =	slt.u32 s8, $0xFFFFF086  }
0x1c: {  	p1 =	slt.u32 s9, $0xF7A;
	s5 =	simm.s32 @!p2 $0x0  }
0x1d: {  	s5 =	simm.s32 @p1 $0x1;
	p0 =	seq.s32 s7, s2  }
0x1e: {  	s7 =	smul.u32 @!p0 $0xF7A, s2;
	p2 =	seq.s32 @!p0 s5, $0x0  }
0x1f: {  	s9 =	smul.u32 $0xF7A, s1;
	s8 =	simm.s32 @!p0 $0x1BF5;
	p2 =	por !p2, p0  }
0x20: {  	[sflag:s8] =	ssyncset.s32 @!p0 $0xFFFFF086;
	s6 =	sadd.s32 @!p0 s3, s7;
	s7 =	simm.s32 @!p0 $0x108  }
0x21: {  	s3 =	sadd.s32 s3, s9;
	s6 =	sadd.s32 @!p0 $0x88, s6;
	s7 =	simm.s32 @p2 $0x1082  }
0x22: {  	[simem:s7], [sflag:s8] =	dma.local @!p0 [hbm:s6], $0xF7A  }
0x23: {  	s9 =	sor.u32 $0xD0000000, s2;
	s6 =	simm.s32 $0x108;
	_ =	swait.ge @!p0 [sflag:s8], $0x0  }
0x24: {  	s3 =	sadd.s32 $0x88, s3;
	s6 =	simm.s32 @!p1 $0x1082;
	[sflag:s4] =	ssyncset.s32 $0xFFFFF086  }
0x25: {  	[simem:s6], [sflag:s4] =	dma.local [hbm:s3], $0xF7A  }
0x26: {  	[smem:$0x3F90] =	sst s1;
	(tag) =	ssettag s2;
	_ =	strace s9  }
0x27: {  	s1 =	sld [smem:$0x3FA0]  }
0x28: {  	s2 =	sld [smem:$0x3FA1]  }
0x29: {  	s4 =	sld [smem:$0x3FA3]  }
0x2a: {  	p0 =	seq.s32 s5, $0x0;
	s5 =	sld [smem:$0x3FA4]  }
0x2b: {  	s6 =	sld [smem:$0x3FA5]  }
0x2c: {  	s7 =	sld [smem:$0x3FA6]  }
0x2d: {  	s3 =	simm.s32 $0x108;
	s8 =	sld [smem:$0x3FA7]  }
0x2e: {  	s3 =	simm.s32 @!p0 $0x1082;
	s9 =	sld [smem:$0x3FA8]  }
0x2f: {  	lr =	sadd.s32 s0, s3;
	s0 =	sld [smem:$0x3F9F]  }
0x30: {  	s3 =	sld [smem:$0x3FA2]  }
0x31: {  	[smem:$0x3FAB] =	sst s10  }
0x32: {  	s10 =	sld [smem:$0x3FA9];
	_ =	sdelay $0x3  }
0x33: {  	p0 =	seq.s32 s10, $0x1;
	s10 =	sld [smem:$0x3FAB];
	_ =	sdelay $0x3  }
0x34: {  	[smem:$0x3FAB] =	sst s10  }
0x35: {  	s10 =	sld [smem:$0x3FAA];
	_ =	sdelay $0x3  }
0x36: {  	p1 =	seq.s32 s10, $0x1;
	s10 =	sld [smem:$0x3FAB];
	_ =	sdelay $0x3  }
0x37: {  	[smem:$0x3FAB] =	sst s10  }
0x38: {  	s10 =	sld [smem:$0x3FAC]  }
0x39: {  	_ = 	snop;
	(pc) =	sbr.ind lr, $3  }
0x3a: {  	_ = 	snop  }
0x3b: {  	_ = 	snop  }
0x3c: {  	p2 =	seq.s32 s10, $0x1;
	s10 =	sld [smem:$0x3FAB]  }
0x3d: {  	_ =	shalt  }
0x3e: {  	_ =	shalt  }
0x3f: {  	_ =	shalt  }
0x40: {  	_ =	shalt  }
0x41: {  	_ =	shalt  }
0x42: {  	_ =	shalt  }
0x43: {  	_ =	shalt  }
0x44: {  	_ =	shalt  }
0x45: {  	_ =	shalt  }
0x46: {  	_ =	shalt  }
0x47: {  	_ =	shalt  }
0x48: {  	_ =	shalt  }
0x49: {  	_ =	shalt  }
0x4a: {  	_ =	shalt  }
0x4b: {  	_ =	shalt  }
0x4c: {  	_ =	shalt  }
0x4d: {  	_ =	shalt  }
0x4e: {  	_ =	shalt  }
0x4f: {  	_ =	shalt  }
0x50: {  	_ =	shalt  }
0x51: {  	_ =	shalt  }
0x52: {  	_ =	shalt  }
0x53: {  	_ =	shalt  }
0x54: {  	_ =	shalt  }
0x55: {  	_ =	shalt  }
0x56: {  	_ =	shalt  }
0x57: {  	_ =	shalt  }
0x58: {  	_ =	shalt  }
0x59: {  	_ =	shalt  }
0x5a: {  	_ =	shalt  }
0x5b: {  	_ =	shalt  }
0x5c: {  	_ =	shalt  }
0x5d: {  	_ =	shalt  }
0x5e: {  	_ =	shalt  }
0x5f: {  	_ =	shalt  }
0x60: {  	_ =	shalt  }
0x61: {  	_ =	shalt  }
0x62: {  	_ =	shalt  }
0x63: {  	_ =	shalt  }
0x64: {  	_ =	shalt  }
0x65: {  	_ =	shalt  }
0x66: {  	_ =	shalt  }
0x67: {  	_ =	shalt  }
0x68: {  	_ =	shalt  }
0x69: {  	_ =	shalt  }
0x6a: {  	_ =	shalt  }
0x6b: {  	_ =	shalt  }
0x6c: {  	_ =	shalt  }
0x6d: {  	_ =	shalt  }
0x6e: {  	_ =	shalt  }
0x6f: {  	_ =	shalt  }
0x70: {  	_ =	shalt  }
0x71: {  	_ =	shalt  }
0x72: {  	_ =	shalt  }
0x73: {  	_ =	shalt  }
0x74: {  	_ =	shalt  }
0x75: {  	_ =	shalt  }
0x76: {  	_ =	shalt  }
0x77: {  	_ =	shalt  }
0x78: {  	_ =	shalt  }
0x79: {  	_ =	shalt  }
0x7a: {  	_ =	shalt  }
0x7b: {  	_ =	shalt  }
0x7c: {  	_ =	shalt  }
0x7d: {  	_ =	shalt  }
0x7e: {  	_ =	shalt  }
0x7f: {  	_ =	shalt  }
0x80: {  	_ =	shalt  }
0x81: {  	_ =	shalt  }
0x82: {  	_ =	shalt  }
0x83: {  	_ =	shalt  }
0x84: {  	_ =	shalt  }
0x85: {  	_ =	shalt  }
0x86: {  	_ =	shalt  }
0x87: {  	_ =	shalt  }
.Lfunc_end0:
.L_simem_size_0:
called_computation_lowered:
.L_overlay_start_0:
0x88: {  	s2 =	sld [smem:$0x3FD9]  }
0x89: {  	s3 =	sld [smem:$0x3FFE];
	_ =	sdelay $0x1  }
0x8a: {  	s1 =	srdreg.scid  }
0x8b: {  	s0 =	sand.u32 $0x1, s1  }
0x8c: {  	s14 =	sshll.u32 s0, $0xA;
	s2 =	sadd.s32 s3, s2  }
0x8d: {  	s2 =	sadd.s32 s2, s14  }
0x8e: {  	[smem:$0x3FB7] =	sst s2  }
0x8f: {  	_ = 	snop  }
0x90: {  	s2 =	sld [smem:$0x3FD0];
	_ =	sdelay $0x2  }
0x91: {  	s15 =	simm.s32 $0xA;
	s4 =	simm.s32 $0x10  }
0x92: {  	[smem:s4], [sflag:s15] =	dma.local [hbm:s2], $0x1  }
0x93: {  	_ =	swait.eq [sflag:s15], $0x1  }
0x94: {  	[sflag:s15] =	ssyncset.done $0x0  }
0x95: {  	[sflag:s15] =	ssyncadd.s32 $0xFFFFFFFF  }
0x96: {  	s16 =	sld [smem:$0x11];
	(tm) =	ssettm $0x1  }
0x97: {  	s17 =	sld [smem:$0x3FFB];
	_ =	sdelay $0x3  }
0x98: {  	_ =	strace s17  }
0x99: {  	s3 =	sld [smem:$0x3FFC];
	_ =	sdelay $0x3  }
0x9a: {  	_ =	strace s3  }
0x9b: {  	s3 =	sld [smem:$0x3FFD];
	_ =	sdelay $0x3  }
0x9c: {  	_ =	strace s3  }
0x9d: {  	_ =	strace $0x8FFFFFFF  }
0x9e: {  	s18 =	sld [smem:$0x3FDB];
	_ =	sdelay $0x1  }
0x9f: {  	s19 =	simm.s32 $_scs_section_size  }
0xa0: {  	s5 =	simm.s32 $_size__tile_overlayer_lowered;
	s6 =	simm.s32 $_tile_overlayer_lowered  }
0xa1: {  	s22 =	simm.s32 $0x1BFF;
	s21 =	sshll.u32 s6, $0x1;
	s3 =	sadd.s32 s19, s18  }
0xa2: {  	s7 =	simm.s32 $0x0;
	s20 =	sshll.u32 s5, $0x1;
	s5 =	sadd.s32 s21, s3  }
0xa3: {  	[timem:s7], [sflag:s22] =	dma.local [hbm:s5], s20  }
0xa4: {  	_ =	swait.ge [sflag:s22], s20  }
0xa5: {  	s4 =	ssub.s32 $0x0, s20;
	[sflag:s22] =	ssyncset.done $0x0  }
0xa6: {  	[sflag:s22] =	ssyncadd.s32 s4;
	_ =	sdelay $0x1  }
0xa7: {  	s23 =	simm.s32 $0x1B8B  }
0xa8: {  	_ =	swait.ge [sflag:s23], $0x1  }
0xa9: {  	[sflag:s23] =	ssyncset.done $0x0  }
0xaa: {  	s25 =	simm.s32 $0x1B8E;
	s24 =	sld [smem:$0x3FFE];
	[sflag:s23] =	ssyncadd.s32 $0xFFFFFFFF  }
0xab: {  	s26 =	simm.s32 $execute0_lowered;
	[smem:$0x3FD2] =	sst s25  }
0xac: {  	s5 =	sshll.u32 s26, $0x1;
	_ =	strace $0x80000049;
	[dreg:$0x1] =	wrdreg $0xFFFFFFFF  }
0xad: {  	s28 =	simm.s32 $_size_execute0_lowered;
	s3 =	sadd.s32 s3, s5;
	[dreg:$0x0] =	wrdreg $0x0  }
0xae: {  	s5 =	sshll.u32 s28, $0x1;
	[dreg:$0x2] =	wrdreg s3  }
0xaf: {  	[dreg:$0x3] =	wrdreg s5  }
0xb0: {  	[dreg:$0x4] =	wrdreg $0xC0  }
0xb1: {  	_ =	task [dreg:s7], $0x5FFFF  }
0xb2: {  	[dreg:$0x1] =	wrdreg $0xFFFFFFFF  }
0xb3: {  	[dreg:$0x0] =	wrdreg $0x60  }
0xb4: {  	[dreg:$0x2] =	wrdreg s16  }
0xb5: {  	[dreg:$0x3] =	wrdreg s24  }
0xb6: {  	[dreg:$0x4] =	wrdreg $0x9  }
0xb7: {  	_ =	task.clear_ibuf [dreg:s7], $0x5FFFF;
	_ =	strace $0x90000049  }
0xb8: {  	s29 =	simm.s32 $0x9;
	_ =	strace $0x8000004B  }
0xb9: {  	_ =	swait.ge [sflag:s29], $0x1  }
0xba: {  	[sflag:s29] =	ssyncadd.s32 $0xFFFFFFFF  }
0xbb: {  	_ =	strace $0x9000004B  }
0xbc: {  	_ =	sfence  }
0xbd: {  	s30 =	sld [smem:$0x0];
	_ =	sdelay $0x2  }
0xbe: {  	s31 =	sshll.u32 s1, $0xD;
	s1 =	sshrl.u32 s1, $0x2  }
0xbf: {  	s3 =	sand.u32 $0x4000, s31;
	s1 =	sadd.s32 s1, s30  }
0xc0: {  	s0 =	sor.u32 s3, s0;
	s1 =	sshll.u32 s1, $0x11  }
0xc1: {  	s0 =	sor.u32 s1, s0  }
0xc2: {  	s0 =	sadd.s32 $0x8F2B, s0  }
0xc3: {  	[sflag:s0] =	ssyncadd.remote.s32 $0x1  }
0xc4: {  	_ =	sfence.sel $0xFFFF  }
0xc5: {  	[dreg:$0x0] =	wrdreg $0xFFFFFFFF;
	(pc) =	sbr.abs _section_cstart, $3  }
0xc6: {  	[dreg:$0x1] =	wrdreg $0xFFFFFFFF  }
0xc7: {  	_ =	task.clear_ibuf [dreg:s7], $0x2FFFF;
	_ =	strace $0x9FFFFFFF  }
0xc8: {  	(tm) =	ssettm $0x7FFFFFFF  }
0xc9: {  	_ =	shalt  }
tec
execute0_lowered:
.L_overlay_start_1:
0x0: {  	(tag) =	ssettag $0x1  }
0x1: {  	s1 =	srdreg.scid;
	s2 =	rddreg [dreg:$0x0]  }
0x2: {  	s0 =	stileid.u32;
	s5 =	rddreg [dreg:$0x1];
	s6 =	simm.s32 $0x1  }
0x3: {  	s9 =	simm.s32 $0x1;
	s10 =	simm.s32 $0x3;
	s1 =	sshll.u32 s1, $0x6  }
0x4: {  	s13 =	simm.s32 $0x0;
	s3 =	sshll.u32 s0, $0x7;
	s4 =	sand.u32 $0x40, s1  }
0x5: {  	s12 =	simm.s32 $0x0;
	s1 =	rddreg [dreg:$0x2];
	s3 =	sor.u32 s3, s4  }
0x6: {  	_ =	strace $0x8000004A;
	s4 =	sadd.s32 $0x10600, s5;
	s8 =	ssub.s32 $0x1000, s3  }
.Ltmp0:
0x7: {  	s5 =	sadd.s32 $0x600, s5;
	s7 =	sand.u32 $0x7C0, s8;
	(pc) =	sbr.rel .LBB2_1-.Ltmp0, $4  }
0x8: {  	[sflag:s6] =	ssyncpa.u1 $0x0;
	s11 =	smov.u32 s3;
	p0 =	sne.s32 s7, $0x0  }
0x9: {  	s8 =	sshrl.u32 s8, $0xB;
	s7 =	simm.s32 $0x2;
	s9 =	simm.s32 @!p0 $0x0  }
0xa: {  	[sflag:s7] =	ssyncpa.u1 $0x0;
	p0 =	por $0x0, $0x0;
	s8 =	sadd.s32 s9, s8  }
0xb: {  	vm0 =	vmmov $0xffff;
	[sflag:s10] =	ssyncpa.u1 $0x0;
	s10 =	simm.s32 $0x0;
	s9 =	sadd.s32 $0x1, s8  }
.LBB2_4:
0xc: {  	v1 =	vsel vm1, $0xFFFFFFFF, v1;
	v2 =	vand.u32 $0x1, v2  }
0xd: {  	v2 =	vsel vm1, $0xFFFFFFFF, v2;
	v3 =	vshll.u32 v1, $0x1  }
0xe: {  	v4 =	vand.u32 $0xFFFFE000, v2;
	v3 =	vand.u32 $0xFFFFFF00, v3;
	v2 =	vshll.u32 v2, $0x7  }
0xf: {  	v3 =	vadd.s32 v3, v4;
	v2 =	vand.u32 $0x80, v2  }
0x10: {  	v1 =	vand.u32 $0x7F, v1;
	v2 =	vor.u32 v2, v3  }
0x11: {  	v1 =	vor.u32 v1, v2;
	_ =	sdelay $0x1  }
0x12: {  	(ifvalue) =	ssetifvalue $0x7FFFFFFF;
	s15 =	sadd.s32 $0x10, s15  }
0x13: {  	[tilespmem:s15], [sflag:$0x1] =	stream.indirect_vreg.gather [hbm4b:s2+s10], $0x1, v0, vm0, $0x4038;
	[tilespmem:$0x100] =	vst v63  }
0x14: {  	(ifvalue) =	ssetifvalue $0x7FFFFFFF;
	s15 =	sadd.s32 $0x10, s15  }
0x15: {  	[tilespmem:s15], [sflag:$0x1] =	stream.indirect_vreg.gather [hbm4b:s2+s10], $0x1, v1, vm0, $0x4038;
	[tilespmem:$0x100] =	vst v63  }
0x16: {  	_ =	swait.ge [sflag:s6], $0x40  }
0x17: {  	s30 =	sshrl.u32 s13, $0x3;
	[sflag:s6] =	ssyncset.done $0x0  }
0x18: {  	s31 =	sand.u32 $0x7, s13;
	s15 =	sadd.s32 s5, s30;
	[sflag:s6] =	ssyncadd.s32 $0xFFFFFFC0  }
0x19: {  	[hbm4b:s15+s31] =	stream.linear.scatter [tilespmem:s14], [sflag:$0x3], $0x40, $0x38;
	[tilespmem:$0x100] =	vst v63  }
.LBB2_5:
0x1a: {  	s15 =	sadd.s32 $0x800, s11  }
0x1b: {  	p2 =	sgt.s32 s15, $0xFFF  }
0x1c: {  	s15 =	smov.u32 @p2 s3;
	p2 =	sne.s32 s12, s9  }
.Ltmp1:
0x1d: {  	p1 =	slt.u32 s12, $0x2;
	(pc) =	sbr.rel @!p2 .LBB2_6-.Ltmp1, $4  }
0x1e: {  	s14 =	simm.s32 @!p1 $0x3  }
0x1f: {  	s16 =	sadd.s32 $0x1, s12;
	_ =	swait.ge @!p1 [sflag:s14], $0x40  }
0x20: {  	s13 =	smov.u32 s11;
	p0 =	por !p0, !p0;
	[sflag:s14] =	ssyncset.done @!p1 $0x0  }
0x21: {  	s12 =	smov.u32 s16;
	s11 =	smov.u32 s15;
	[sflag:s14] =	ssyncadd.s32 @!p1 $0xFFFFFFC0  }
.LBB2_1:
0x22: {  	p1 =	sge.u32 s12, s8  }
0x23: {  	s14 =	sxor.u32 @!p1 $0xFFFFFFFF, s12  }
0x24: {  	s31 =	sadd.s32 $0xFFFFFFFF, s12;
	s15 =	sshrl.u32 @!p1 s11, $0x3;
	s14 =	sshll.u32 @!p1 s14, $0x6  }
0x25: {  	s16 =	sand.u32 @!p1 $0x7, s11;
	s15 =	sadd.s32 @!p1 s4, s15;
	s14 =	sand.u32 @!p1 $0x40, s14  }
0x26: {  	[tilespmem:s14], [sflag:$0x2] =	stream.linear.gather @!p1 [hbm4b:s15+s16], $0x40, $0x38;
	[tilespmem:$0x100] =	vst v63  }
0x27: {  	p1 =	sge.u32 s31, s8  }
.Ltmp2:
0x28: {  	_ = 	snop;
	(pc) =	sbr.rel @p1 .LBB2_5-.Ltmp2, $1  }
0x29: {  	_ =	sdelay $0x3  }
0x2a: {  	s14 =	simm.s32 $0x1  }
0x2b: {  	_ =	swait.ge [sflag:s7], $0x40;
	s14 =	simm.s32 @!p0 $0x0  }
0x2c: {  	[sflag:s7] =	ssyncset.done $0x0;
	s14 =	sshll.u32 s14, $0x6  }
0x2d: {  	[sflag:s7] =	ssyncadd.s32 $0xFFFFFFC0;
	(ifvalue) =	ssetifvalue $0x7FFFFFFF;
	v0 =	vld.msk [tilespmem:s14+$0x0 ss:$0x1], $0xffff;
	_ =	sdelay $0x3  }
0x2e: {  	s15 =	sadd.s32 $0x10, s14  }
0x2f: {  	v2 =	vld.msk [tilespmem:s15+$0x0 ss:$0x1], $0xffff;
	vm1 =	veq.s32 v0, $0x80000000;
	v1 =	vand.u32 $0xFFF, v0;
	v0 =	vshrl.u32 v0, $0xC  }
0x30: {  	v1 =	vsel vm1, $0xFFFFFFFF, v1;
	v0 =	vand.u32 $0x1, v0  }
0x31: {  	v0 =	vsel vm1, $0xFFFFFFFF, v0;
	v3 =	vshll.u32 v1, $0x1  }
0x32: {  	v4 =	vand.u32 $0xFFFFE000, v0;
	v3 =	vand.u32 $0xFFFFFF00, v3;
	v0 =	vshll.u32 v0, $0x7  }
0x33: {  	v3 =	vadd.s32 v3, v4;
	v0 =	vand.u32 $0x80, v0  }
0x34: {  	v1 =	vand.u32 $0x7F, v1;
	vm1 =	veq.s32 v2, $0x80000000;
	v0 =	vor.u32 v0, v3  }
0x35: {  	v0 =	vor.u32 v1, v0;
	v1 =	vand.u32 $0xFFF, v2;
	v2 =	vshrl.u32 v2, $0xC  }
0x36: {  	s17 =	sadd.s32 $0x10, s15;
	v1 =	vsel vm1, $0xFFFFFFFF, v1;
	v2 =	vand.u32 $0x1, v2  }
0x37: {  	v3 =	vld.msk [tilespmem:s17+$0x0 ss:$0x1], $0xffff;
	v2 =	vsel vm1, $0xFFFFFFFF, v2;
	v63 =	vshll.u32 v1, $0x1  }
0x38: {  	v5 =	vand.u32 $0xFFFFE000, v2;
	v4 =	vand.u32 $0xFFFFFF00, v63;
	v2 =	vshll.u32 v2, $0x7  }
0x39: {  	s31 =	sshll.u32 s12, $0x6;
	s15 =	sor.u32 $0x80, s14;
	(ifvalue) =	ssetifvalue $0x7FFFFFFF;
	v4 =	vadd.s32 v4, v5;
	v2 =	vand.u32 $0x80, v2  }
0x3a: {  	[tilespmem:s15], [sflag:$0x1] =	stream.indirect_vreg.gather [hbm4b:s2+s10], $0x1, v0, vm0, $0x4038;
	v0 =	vand.u32 $0x7F, v1;
	v1 =	vor.u32 v2, v4;
	[tilespmem:$0x100] =	vst v63  }
0x3b: {  	s14 =	sand.u32 $0x40, s31;
	v0 =	vor.u32 v0, v1  }
0x3c: {  	s16 =	simm.s32 $0x20;
	s14 =	sor.u32 $0x80, s14;
	s17 =	sadd.s32 $0x10, s17;
	vm1 =	veq.s32 v3, $0x80000000;
	v2 =	vshrl.u32 v3, $0xC;
	v1 =	vand.u32 $0xFFF, v3  }
.LBB2_3:
0x3d: {  	v3 =	vld.msk [tilespmem:s17+$0x0 ss:$0x1], $0xffff;
	s16 =	sadd.s32 $0x10, s16;
	v1 =	vsel vm1, $0xFFFFFFFF, v1;
	v2 =	vand.u32 $0x1, v2  }
0x3e: {  	p1 =	slt.u32 s16, $0x30;
	v2 =	vsel vm1, $0xFFFFFFFF, v2;
	v4 =	vshll.u32 v1, $0x1  }
.Ltmp3:
0x3f: {  	s15 =	sadd.s32 $0x10, s15;
	v5 =	vand.u32 $0xFFFFE000, v2;
	v4 =	vand.u32 $0xFFFFFF00, v4;
	v2 =	vshll.u32 v2, $0x7;
	(ifvalue) =	ssetifvalue $0x7FFFFFFF;
	(pc) =	sbr.rel @p1 .LBB2_3-.Ltmp3, $4  }
0x40: {  	v4 =	vadd.s32 v4, v5;
	v2 =	vand.u32 $0x80, v2;
	[tilespmem:s15], [sflag:$0x1] =	stream.indirect_vreg.gather [hbm4b:s2+s10], $0x1, v0, vm0, $0x4038;
	[tilespmem:$0x100] =	vst v63  }
0x41: {  	v0 =	vand.u32 $0x7F, v1;
	v1 =	vor.u32 v2, v4  }
0x42: {  	v0 =	vor.u32 v0, v1  }
0x43: {  	s17 =	sadd.s32 $0x10, s17;
	vm1 =	veq.s32 v3, $0x80000000;
	v1 =	vand.u32 $0xFFF, v3;
	v2 =	vshrl.u32 v3, $0xC  }
.Ltmp4:
0x44: {  	_ = 	snop;
	(pc) =	sbr.rel .LBB2_4-.Ltmp4, $1  }
0x45: {  	_ =	sdelay $0x3  }
.LBB2_6:
0x46: {  	_ =	sfence.sel $0x180000  }
0x47: {  	s2 =	simm.s32 $0x2;
	[bflag:$0x0] =	sbarrier.arrive $0xFFFF  }
0x48: {  	s30 =	simm.s32 $0x3;
	[sflag:s2] =	ssyncpa.u1 $0x1  }
0x49: {  	s31 =	simm.s32 $0x1;
	[sflag:s30] =	ssyncpa.u1 $0x1  }
0x4a: {  	[sflag:s31] =	ssyncpa.u1 $0x1  }
0x4b: {  	p0 =	sne.s32 s0, $0x0;
	_ =	strace $0x9000004A  }
0x4c: {  	s0 =	sadd.s32 @!p0 $0x100000, s1;
	[bflag:$0x2] =	sbarrier.arrive $0xFFFF  }
0x4d: {  	[sflag:s0] =	ssyncadd.tile.s32 @!p0 $0x1;
	_ =	shalt  }
.Lfunc_end2:
_tile_overlayer_lowered:
.L_overlay_start_2:
0x4e: {  	(tag) =	ssettag $0x2  }
0x4f: {  	s0 =	rddreg [dreg:$0x0];
	s2 =	stileid.u32  }
0x50: {  	s1 =	rddreg [dreg:$0x1];
	p0 =	sne.s32 s2, $0x0  }
0x51: {  	s3 =	rddreg [dreg:$0x2];
	[bflag:$0x3] =	sbarrier.arrive $0xFFFF;
	s2 =	simm.s32 @!p0 $0x1C01  }
0x52: {  	[timem:s3], [sflag:s2] =	dma.local @!p0 [hbm:s0], s1  }
0x53: {  	s0 =	simm.s32 @!p0 $0x1  }
0x54: {  	_ =	swait.ge @!p0 [sflag:s0], s1  }
0x55: {  	s1 =	ssub.s32 @!p0 $0x0, s1;
	[sflag:s0] =	ssyncset.done @!p0 $0x0  }
0x56: {  	[sflag:s0] =	ssyncadd.s32 @!p0 s1  }
0x57: {  	[bflag:$0x3] =	sbarrier.arrive $0xFFFF  }
0x58: {  	_ =	shalt  }

// kernel: kernel.4.cloned.1.call-start
scs
__scs_entry_jumppad:
0x0: {  	(pc) =	sbr.rel $0x88, $3  }
0x1: {  	(tag) =	ssettag $0x0;
	lr =	simm.s32 $0x1  }
0x2: {  	[smem:$0x3F90] =	sst lr;
	_ =	strace $0xD0000000  }
0x3: {  	_ = 	snop  }
0x4: {  	_ = 	snop  }
0x5: {  	_ = 	snop  }
0x6: {  	_ = 	snop  }
0x7: {  	_ = 	snop  }
__scs_overlays_trampoline_lowered:
0x8: {  	[smem:$0x3F9F] =	sst s0  }
0x9: {  	[smem:$0x3FA0] =	sst s1  }
0xa: {  	[smem:$0x3FA1] =	sst s2  }
0xb: {  	[smem:$0x3FA2] =	sst s3  }
0xc: {  	[smem:$0x3FA3] =	sst s4  }
0xd: {  	[smem:$0x3FA4] =	sst s5  }
0xe: {  	[smem:$0x3FA5] =	sst s6  }
0xf: {  	[smem:$0x3FA6] =	sst s7  }
0x10: {  	[smem:$0x3FA7] =	sst s8  }
0x11: {  	[smem:$0x3FA8] =	sst s9;
	s0 =	simm.s32 @!p0 $0x0  }
0x12: {  	s1 =	sld [smem:$0x3F8E];
	s0 =	simm.s32 @p0 $0x1  }
0x13: {  	[smem:$0x3FA9] =	sst s0;
	s0 =	simm.s32 @!p1 $0x0  }
0x14: {  	s2 =	sld [smem:$0x3F8D];
	s0 =	simm.s32 @p1 $0x1  }
0x15: {  	[smem:$0x3FAA] =	sst s0;
	s0 =	simm.s32 @!p2 $0x0  }
0x16: {  	s3 =	sld [smem:$0x3FDB];
	s0 =	simm.s32 @p2 $0x1  }
0x17: {  	s4 =	simm.s32 $0x1BF5;
	[smem:$0x3FAC] =	sst s0  }
0x18: {  	s0 =	sld [smem:$0x3F8F];
	_ =	swait.ge [sflag:s4], $0x0  }
0x19: {  	s7 =	sld [smem:$0x3F90]  }
0x1a: {  	s8 =	sadd.s32 $0xFFFFE003, lr  }
0x1b: {  	s9 =	sadd.s32 $0xFFFFFEF7, lr;
	s5 =	simm.s32 $0xFFFFFFFF;
	p2 =	slt.u32 s8, $0xFFFFF086  }
0x1c: {  	p1 =	slt.u32 s9, $0xF7A;
	s5 =	simm.s32 @!p2 $0x0  }
0x1d: {  	s5 =	simm.s32 @p1 $0x1;
	p0 =	seq.s32 s7, s2  }
0x1e: {  	s7 =	smul.u32 @!p0 $0xF7A, s2;
	p2 =	seq.s32 @!p0 s5, $0x0  }
0x1f: {  	s9 =	smul.u32 $0xF7A, s1;
	s8 =	simm.s32 @!p0 $0x1BF5;
	p2 =	por !p2, p0  }
0x20: {  	[sflag:s8] =	ssyncset.s32 @!p0 $0xFFFFF086;
	s6 =	sadd.s32 @!p0 s3, s7;
	s7 =	simm.s32 @!p0 $0x108  }
0x21: {  	s3 =	sadd.s32 s3, s9;
	s6 =	sadd.s32 @!p0 $0x88, s6;
	s7 =	simm.s32 @p2 $0x1082  }
0x22: {  	[simem:s7], [sflag:s8] =	dma.local @!p0 [hbm:s6], $0xF7A  }
0x23: {  	s9 =	sor.u32 $0xD0000000, s2;
	s6 =	simm.s32 $0x108;
	_ =	swait.ge @!p0 [sflag:s8], $0x0  }
0x24: {  	s3 =	sadd.s32 $0x88, s3;
	s6 =	simm.s32 @!p1 $0x1082;
	[sflag:s4] =	ssyncset.s32 $0xFFFFF086  }
0x25: {  	[simem:s6], [sflag:s4] =	dma.local [hbm:s3], $0xF7A  }
0x26: {  	[smem:$0x3F90] =	sst s1;
	(tag) =	ssettag s2;
	_ =	strace s9  }
0x27: {  	s1 =	sld [smem:$0x3FA0]  }
0x28: {  	s2 =	sld [smem:$0x3FA1]  }
0x29: {  	s4 =	sld [smem:$0x3FA3]  }
0x2a: {  	p0 =	seq.s32 s5, $0x0;
	s5 =	sld [smem:$0x3FA4]  }
0x2b: {  	s6 =	sld [smem:$0x3FA5]  }
0x2c: {  	s7 =	sld [smem:$0x3FA6]  }
0x2d: {  	s3 =	simm.s32 $0x108;
	s8 =	sld [smem:$0x3FA7]  }
0x2e: {  	s3 =	simm.s32 @!p0 $0x1082;
	s9 =	sld [smem:$0x3FA8]  }
0x2f: {  	lr =	sadd.s32 s0, s3;
	s0 =	sld [smem:$0x3F9F]  }
0x30: {  	s3 =	sld [smem:$0x3FA2]  }
0x31: {  	[smem:$0x3FAB] =	sst s10  }
0x32: {  	s10 =	sld [smem:$0x3FA9];
	_ =	sdelay $0x3  }
0x33: {  	p0 =	seq.s32 s10, $0x1;
	s10 =	sld [smem:$0x3FAB];
	_ =	sdelay $0x3  }
0x34: {  	[smem:$0x3FAB] =	sst s10  }
0x35: {  	s10 =	sld [smem:$0x3FAA];
	_ =	sdelay $0x3  }
0x36: {  	p1 =	seq.s32 s10, $0x1;
	s10 =	sld [smem:$0x3FAB];
	_ =	sdelay $0x3  }
0x37: {  	[smem:$0x3FAB] =	sst s10  }
0x38: {  	s10 =	sld [smem:$0x3FAC]  }
0x39: {  	_ = 	snop;
	(pc) =	sbr.ind lr, $3  }
0x3a: {  	_ = 	snop  }
0x3b: {  	_ = 	snop  }
0x3c: {  	p2 =	seq.s32 s10, $0x1;
	s10 =	sld [smem:$0x3FAB]  }
0x3d: {  	_ =	shalt  }
0x3e: {  	_ =	shalt  }
0x3f: {  	_ =	shalt  }
0x40: {  	_ =	shalt  }
0x41: {  	_ =	shalt  }
0x42: {  	_ =	shalt  }
0x43: {  	_ =	shalt  }
0x44: {  	_ =	shalt  }
0x45: {  	_ =	shalt  }
0x46: {  	_ =	shalt  }
0x47: {  	_ =	shalt  }
0x48: {  	_ =	shalt  }
0x49: {  	_ =	shalt  }
0x4a: {  	_ =	shalt  }
0x4b: {  	_ =	shalt  }
0x4c: {  	_ =	shalt  }
0x4d: {  	_ =	shalt  }
0x4e: {  	_ =	shalt  }
0x4f: {  	_ =	shalt  }
0x50: {  	_ =	shalt  }
0x51: {  	_ =	shalt  }
0x52: {  	_ =	shalt  }
0x53: {  	_ =	shalt  }
0x54: {  	_ =	shalt  }
0x55: {  	_ =	shalt  }
0x56: {  	_ =	shalt  }
0x57: {  	_ =	shalt  }
0x58: {  	_ =	shalt  }
0x59: {  	_ =	shalt  }
0x5a: {  	_ =	shalt  }
0x5b: {  	_ =	shalt  }
0x5c: {  	_ =	shalt  }
0x5d: {  	_ =	shalt  }
0x5e: {  	_ =	shalt  }
0x5f: {  	_ =	shalt  }
0x60: {  	_ =	shalt  }
0x61: {  	_ =	shalt  }
0x62: {  	_ =	shalt  }
0x63: {  	_ =	shalt  }
0x64: {  	_ =	shalt  }
0x65: {  	_ =	shalt  }
0x66: {  	_ =	shalt  }
0x67: {  	_ =	shalt  }
0x68: {  	_ =	shalt  }
0x69: {  	_ =	shalt  }
0x6a: {  	_ =	shalt  }
0x6b: {  	_ =	shalt  }
0x6c: {  	_ =	shalt  }
0x6d: {  	_ =	shalt  }
0x6e: {  	_ =	shalt  }
0x6f: {  	_ =	shalt  }
0x70: {  	_ =	shalt  }
0x71: {  	_ =	shalt  }
0x72: {  	_ =	shalt  }
0x73: {  	_ =	shalt  }
0x74: {  	_ =	shalt  }
0x75: {  	_ =	shalt  }
0x76: {  	_ =	shalt  }
0x77: {  	_ =	shalt  }
0x78: {  	_ =	shalt  }
0x79: {  	_ =	shalt  }
0x7a: {  	_ =	shalt  }
0x7b: {  	_ =	shalt  }
0x7c: {  	_ =	shalt  }
0x7d: {  	_ =	shalt  }
0x7e: {  	_ =	shalt  }
0x7f: {  	_ =	shalt  }
0x80: {  	_ =	shalt  }
0x81: {  	_ =	shalt  }
0x82: {  	_ =	shalt  }
0x83: {  	_ =	shalt  }
0x84: {  	_ =	shalt  }
0x85: {  	_ =	shalt  }
0x86: {  	_ =	shalt  }
0x87: {  	_ =	shalt  }
.Lfunc_end0:
.L_simem_size_0:
called_computation.1_lowered:
.L_overlay_start_0:
0x88: {  	s2 =	sld [smem:$0x3FD9]  }
0x89: {  	s3 =	sld [smem:$0x3FFE];
	_ =	sdelay $0x1  }
0x8a: {  	s1 =	srdreg.scid  }
0x8b: {  	s0 =	sand.u32 $0x1, s1  }
0x8c: {  	s17 =	sshll.u32 s0, $0xA;
	s2 =	sadd.s32 s3, s2  }
0x8d: {  	s2 =	sadd.s32 s2, s17  }
0x8e: {  	[smem:$0x3FB7] =	sst s2  }
0x8f: {  	_ = 	snop  }
0x90: {  	s2 =	sld [smem:$0x3FC9]  }
0x91: {  	s18 =	sld [smem:$0x3FBF];
	(tm) =	ssettm $0x1  }
0x92: {  	s4 =	sld [smem:$0x3FFB];
	_ =	sdelay $0x3  }
0x93: {  	_ =	strace s4  }
0x94: {  	s4 =	sld [smem:$0x3FFC];
	_ =	sdelay $0x3  }
0x95: {  	_ =	strace s4  }
0x96: {  	s4 =	sld [smem:$0x3FFD];
	_ =	sdelay $0x3  }
0x97: {  	_ =	strace s4  }
0x98: {  	_ =	strace $0x8FFFFFFF  }
0x99: {  	s19 =	sld [smem:$0x3FDB];
	_ =	sdelay $0x1  }
0x9a: {  	s5 =	simm.s32 $_scs_section_size  }
0x9b: {  	s6 =	simm.s32 $_size__tile_overlayer_lowered;
	s7 =	simm.s32 $_tile_overlayer_lowered  }
0x9c: {  	s22 =	simm.s32 $0x1BFF;
	s21 =	sshll.u32 s7, $0x1;
	s4 =	sadd.s32 s5, s19  }
0x9d: {  	s8 =	simm.s32 $0x0;
	s20 =	sshll.u32 s6, $0x1;
	s6 =	sadd.s32 s21, s4  }
0x9e: {  	[timem:s8], [sflag:s22] =	dma.local [hbm:s6], s20  }
0x9f: {  	_ =	swait.ge [sflag:s22], s20  }
0xa0: {  	s5 =	ssub.s32 $0x0, s20;
	[sflag:s22] =	ssyncset.done $0x0  }
0xa1: {  	[sflag:s22] =	ssyncadd.s32 s5;
	_ =	sdelay $0x1  }
0xa2: {  	s23 =	simm.s32 $0x1B8B  }
0xa3: {  	_ =	swait.ge [sflag:s23], $0x1  }
0xa4: {  	[sflag:s23] =	ssyncset.done $0x0  }
0xa5: {  	s25 =	simm.s32 $0x1B8E;
	s24 =	sld [smem:$0x3FFE];
	[sflag:s23] =	ssyncadd.s32 $0xFFFFFFFF  }
0xa6: {  	s26 =	simm.s32 $execute0_lowered;
	[smem:$0x3FD2] =	sst s25  }
0xa7: {  	s6 =	sshll.u32 s26, $0x1;
	_ =	strace $0x80000046;
	[dreg:$0x1] =	wrdreg $0xFFFFFFFF  }
0xa8: {  	s28 =	simm.s32 $_size_execute0_lowered;
	s4 =	sadd.s32 s4, s6;
	[dreg:$0x0] =	wrdreg $0x0  }
0xa9: {  	s6 =	sshll.u32 s28, $0x1;
	[dreg:$0x2] =	wrdreg s4  }
0xaa: {  	[dreg:$0x3] =	wrdreg s6  }
0xab: {  	[dreg:$0x4] =	wrdreg $0xC0  }
0xac: {  	_ =	task [dreg:s8], $0x5FFFF  }
0xad: {  	[dreg:$0x1] =	wrdreg $0xFFFFFFFF  }
0xae: {  	[dreg:$0x0] =	wrdreg $0x60  }
0xaf: {  	[dreg:$0x2] =	wrdreg s18  }
0xb0: {  	[dreg:$0x3] =	wrdreg s2  }
0xb1: {  	[dreg:$0x4] =	wrdreg s24  }
0xb2: {  	[dreg:$0x5] =	wrdreg $0x9  }
0xb3: {  	_ =	task.clear_ibuf [dreg:s8], $0x6FFFF;
	_ =	strace $0x90000046  }
0xb4: {  	s29 =	simm.s32 $0x9;
	_ =	strace $0x80000048  }
0xb5: {  	_ =	swait.ge [sflag:s29], $0x1  }
0xb6: {  	[sflag:s29] =	ssyncadd.s32 $0xFFFFFFFF  }
0xb7: {  	_ =	strace $0x90000048  }
0xb8: {  	_ =	sfence  }
0xb9: {  	s30 =	sld [smem:$0x0];
	_ =	sdelay $0x2  }
0xba: {  	s31 =	sshll.u32 s1, $0xD;
	s1 =	sshrl.u32 s1, $0x2  }
0xbb: {  	s3 =	sand.u32 $0x4000, s31;
	s1 =	sadd.s32 s1, s30  }
0xbc: {  	s0 =	sor.u32 s3, s0;
	s1 =	sshll.u32 s1, $0x11  }
0xbd: {  	s0 =	sor.u32 s1, s0  }
0xbe: {  	s0 =	sadd.s32 $0x8F2B, s0  }
0xbf: {  	[sflag:s0] =	ssyncadd.remote.s32 $0x1  }
0xc0: {  	_ =	sfence.sel $0xFFFF  }
0xc1: {  	[dreg:$0x0] =	wrdreg $0xFFFFFFFF;
	(pc) =	sbr.abs _section_cstart, $3  }
0xc2: {  	[dreg:$0x1] =	wrdreg $0xFFFFFFFF  }
0xc3: {  	_ =	task.clear_ibuf [dreg:s8], $0x2FFFF;
	_ =	strace $0x9FFFFFFF  }
0xc4: {  	(tm) =	ssettm $0x7FFFFFFF  }
0xc5: {  	_ =	shalt  }
tec
execute0_lowered:
.L_overlay_start_1:
0x0: {  	(tag) =	ssettag $0x1  }
0x1: {  	s1 =	rddreg [dreg:$0x0]  }
0x2: {  	s4 =	rddreg [dreg:$0x1]  }
0x3: {  	s5 =	rddreg [dreg:$0x2]  }
0x4: {  	s3 =	srdreg.scid;
	s0 =	rddreg [dreg:$0x3]  }
0x5: {  	s2 =	stileid.u32;
	s9 =	simm.s32 $0x4000;
	s10 =	simm.s32 $0x8000  }
0x6: {  	s11 =	simm.s32 $0x100;
	s12 =	simm.s32 $0xC000;
	s13 =	simm.s32 $0x180  }
0x7: {  	s14 =	simm.s32 $0x10000;
	s15 =	simm.s32 $0x1;
	s16 =	simm.s32 $0x2  }
0x8: {  	s17 =	simm.s32 $0x3;
	s18 =	simm.s32 $0x4;
	s19 =	simm.s32 $0x14000  }
0x9: {  	s20 =	simm.s32 $0x0;
	s6 =	sand.u32 $0x1, s3;
	s3 =	simm.s32 $0x0  }
.Ltmp0:
0xa: {  	s7 =	sshll.u32 s2, $0xC;
	s8 =	sshll.u32 s6, $0xB;
	(pc) =	sbr.rel .LBB2_1-.Ltmp0, $4  }
0xb: {  	[smem:$0x7FF] =	sst s3;
	s6 =	ssub.s32 $0x2, s6;
	s7 =	sor.u32 s8, s7  }
0xc: {  	_ =	strace $0x80000047;
	s31 =	sshrl.u32 s6, $0x1;
	s8 =	simm.s32 $0x80  }
0xd: {  	s5 =	sadd.s32 s7, s5;
	s6 =	ssub.s32 s6, s31;
	s4 =	sadd.s32 s4, s7  }
0xe: {  	s7 =	simm.s32 $0x5;
	s5 =	sadd.s32 $0x600, s5;
	s6 =	smax.u32 s6, $0x1  }
.LBB2_12:
0xf: {  	s20 =	sadd.s32 $0x1, s20  }
0x10: {  	p0 =	sne.s32 s20, s6  }
.Ltmp1:
0x11: {  	_ = 	snop;
	(pc) =	sbr.rel @!p0 .LBB2_13-.Ltmp1, $4  }
0x12: {  	[hbm4b:s5+s3] =	stream.linear.scatter [tilespmem:s19], [sflag:$0x5], $0x4000, $0x38;
	[tilespmem:$0x18000] =	vst v63  }
0x13: {  	_ =	swait.ge [sflag:s7], $0x4000  }
0x14: {  	[sflag:s7] =	ssyncset.done $0x0  }
0x15: {  	[sflag:s7] =	ssyncadd.s32 $0xFFFFC000  }
.LBB2_1:
0x16: {  	[tilespmem:s3], [sflag:$0x5] =	stream.linear.gather [hbm4b:s4+s3], $0x4000, $0x38;
	[tilespmem:$0x18000] =	vst v63  }
0x17: {  	_ =	swait.ge [sflag:s7], $0x4000  }
0x18: {  	[sflag:s7] =	ssyncset.done $0x0  }
0x19: {  	[sflag:s7] =	ssyncadd.s32 $0xFFFFC000  }
0x1a: {  	[tilespmem:s9], [sflag:$0x1] =	stream.indirect.gather [hbm4b:s1+s8], $0x80, s3, s8, $0xb8;
	[tilespmem:$0x18000] =	vst v63  }
0x1b: {  	_ = 	snop  }
0x1c: {  	[tilespmem:s10], [sflag:$0x2] =	stream.indirect.gather [hbm4b:s1+s8], $0x80, s8, s8, $0xb8;
	[tilespmem:$0x18000] =	vst v63  }
0x1d: {  	_ = 	snop  }
0x1e: {  	[tilespmem:s12], [sflag:$0x3] =	stream.indirect.gather [hbm4b:s1+s8], $0x80, s11, s8, $0xb8;
	[tilespmem:$0x18000] =	vst v63  }
0x1f: {  	s21 =	simm.s32 $0x0  }
0x20: {  	[tilespmem:s14], [sflag:$0x4] =	stream.indirect.gather [hbm4b:s1+s8], $0x80, s13, s8, $0xb8;
	[tilespmem:$0x18000] =	vst v63  }
.LBB2_2:
0x21: {  	_ =	swait.ge [sflag:s15], $0x4000  }
0x22: {  	[sflag:s15] =	ssyncset.done $0x0  }
0x23: {  	s22 =	simm.s32 $0x0;
	[sflag:s15] =	ssyncadd.s32 $0xFFFFC000  }
0x24: {  	v3 =	vld [tilespmem:s22+$0x4180]  }
0x25: {  	v4 =	vld [tilespmem:s22+$0x4190]  }
0x26: {  	v5 =	vld [tilespmem:s22+$0x41A0]  }
0x27: {  	v6 =	vld [tilespmem:s22+$0x41B0]  }
0x28: {  	v0 =	vld [tilespmem:s22+$0x41C0]  }
0x29: {  	v1 =	vld [tilespmem:s22+$0x41D0]  }
0x2a: {  	v13 =	vld [tilespmem:s22+$0x4100]  }
0x2b: {  	v15 =	vld [tilespmem:s22+$0x4110]  }
0x2c: {  	v12 =	vld [tilespmem:s22+$0x4120]  }
0x2d: {  	v14 =	vld [tilespmem:s22+$0x4130]  }
0x2e: {  	v2 =	vld [tilespmem:s22+$0x4140]  }
0x2f: {  	v9 =	vld [tilespmem:s22+$0x4080]  }
0x30: {  	v10 =	vld [tilespmem:s22+$0x4090]  }
0x31: {  	v11 =	vld [tilespmem:s22+$0x4000]  }
0x32: {  	v17 =	vld [tilespmem:s22+$0x4010]  }
0x33: {  	v18 =	vld [tilespmem:s22+$0x4020]  }
0x34: {  	v19 =	vld [tilespmem:s22+$0x4030]  }
0x35: {  	v20 =	vld [tilespmem:s22+$0x40A0]  }
0x36: {  	v24 =	vld [tilespmem:s22+$0x40B0]  }
0x37: {  	v8 =	vimm.f32 $0.0e+00;
	v7 =	vld [tilespmem:s22+$0x4150]  }
0x38: {  	v16 =	vld [tilespmem:s22+$0x40C0];
	v11 =	vadd.f32 v11, v8;
	v22 =	vadd.f32 v17, v8  }
0x39: {  	v17 =	vld [tilespmem:s22+$0x40D0];
	v23 =	vadd.f32 v18, v8;
	v25 =	vadd.f32 v19, v8  }
0x3a: {  	v18 =	vld [tilespmem:s22+$0x4040];
	v21 =	vadd.f32 v9, v11;
	v22 =	vadd.f32 v10, v22  }
0x3b: {  	v19 =	vld [tilespmem:s22+$0x4050];
	v23 =	vadd.f32 v20, v23;
	v24 =	vadd.f32 v24, v25  }
0x3c: {  	s23 =	simm.s32 $0x800;
	v20 =	vld [tilespmem:s22+$0x4060];
	v11 =	vimm.f32 $0.0e+00;
	v10 =	vimm.f32 $0.0e+00;
	v9 =	vimm.f32 $0.0e+00  }
.LBB2_3:
0x3d: {  	p0 =	sne.s32 s23, $0xF800;
	v13 =	vadd.f32 v13, v21;
	v15 =	vadd.f32 v15, v22;
	v21 =	vld [tilespmem:s22+$0x4070]  }
0x3e: {  	v12 =	vadd.f32 v12, v23;
	v14 =	vadd.f32 v14, v24;
	v22 =	vld [tilespmem:s22+$0x40E0]  }
0x3f: {  	v23 =	vadd.f32 v3, v13;
	v24 =	vadd.f32 v4, v15;
	v4 =	vld [tilespmem:s22+$0x40F0]  }
0x40: {  	v25 =	vadd.f32 v5, v12;
	v26 =	vadd.f32 v6, v14;
	v6 =	vld [tilespmem:s22+$0x4160]  }
0x41: {  	v3 =	vadd.f32 v18, v8;
	v5 =	vadd.f32 v19, v11;
	v8 =	vld [tilespmem:s22+$0x4170]  }
0x42: {  	v10 =	vadd.f32 v20, v10;
	v12 =	vld [tilespmem:s22+$0x41E0];
	v9 =	vadd.f32 v21, v9  }
0x43: {  	v11 =	vadd.f32 v16, v3;
	v5 =	vadd.f32 v17, v5;
	v13 =	vld [tilespmem:s22+$0x41F0];
	s22 =	sshra.s32 s23, $0x2  }
0x44: {  	v10 =	vadd.f32 v22, v10;
	v3 =	vld [tilespmem:s22+$0x4180];
	v9 =	vadd.f32 v4, v9  }
0x45: {  	v2 =	vadd.f32 v2, v11;
	v7 =	vadd.f32 v7, v5;
	v4 =	vld [tilespmem:s22+$0x4190]  }
0x46: {  	v10 =	vadd.f32 v6, v10;
	v5 =	vld [tilespmem:s22+$0x41A0];
	v9 =	vadd.f32 v8, v9  }
0x47: {  	v8 =	vadd.f32 v0, v2;
	v11 =	vadd.f32 v1, v7;
	v6 =	vld [tilespmem:s22+$0x41B0]  }
0x48: {  	v10 =	vadd.f32 v12, v10;
	v0 =	vld [tilespmem:s22+$0x41C0];
	v9 =	vadd.f32 v13, v9  }
0x49: {  	v1 =	vld [tilespmem:s22+$0x41D0]  }
0x4a: {  	v13 =	vld [tilespmem:s22+$0x4100]  }
0x4b: {  	v15 =	vld [tilespmem:s22+$0x4110]  }
0x4c: {  	v12 =	vld [tilespmem:s22+$0x4120]  }
0x4d: {  	v14 =	vld [tilespmem:s22+$0x4130]  }
0x4e: {  	v2 =	vld [tilespmem:s22+$0x4140]  }
0x4f: {  	v7 =	vld [tilespmem:s22+$0x4150]  }
0x50: {  	v19 =	vld [tilespmem:s22+$0x4080]  }
0x51: {  	v20 =	vld [tilespmem:s22+$0x4090]  }
0x52: {  	v17 =	vld [tilespmem:s22+$0x4000]  }
0x53: {  	v18 =	vld [tilespmem:s22+$0x4010]  }
0x54: {  	v21 =	vld [tilespmem:s22+$0x4020]  }
0x55: {  	v22 =	vld [tilespmem:s22+$0x4030]  }
0x56: {  	v27 =	vld [tilespmem:s22+$0x40A0]  }
0x57: {  	v28 =	vld [tilespmem:s22+$0x40B0]  }
.Ltmp2:
0x58: {  	v16 =	vld [tilespmem:s22+$0x40C0];
	(pc) =	sbr.rel @p0 .LBB2_3-.Ltmp2, $4  }
0x59: {  	v23 =	vadd.f32 v17, v23;
	v24 =	vadd.f32 v18, v24;
	v17 =	vld [tilespmem:s22+$0x40D0]  }
0x5a: {  	v25 =	vadd.f32 v21, v25;
	v26 =	vadd.f32 v22, v26;
	v18 =	vld [tilespmem:s22+$0x4040]  }
0x5b: {  	v21 =	vadd.f32 v19, v23;
	v22 =	vadd.f32 v20, v24;
	v19 =	vld [tilespmem:s22+$0x4050]  }
0x5c: {  	s23 =	sadd.s32 $0x800, s23;
	v23 =	vadd.f32 v27, v25;
	v24 =	vadd.f32 v28, v26;
	v20 =	vld [tilespmem:s22+$0x4060]  }
0x5d: {  	v13 =	vadd.f32 v13, v21;
	v15 =	vadd.f32 v15, v22;
	v21 =	vld [tilespmem:s22+$0x4070]  }
0x5e: {  	v22 =	vld [tilespmem:s22+$0x40E0];
	v12 =	vadd.f32 v12, v23;
	v14 =	vadd.f32 v14, v24  }
0x5f: {  	v3 =	vadd.f32 v3, v13;
	v4 =	vadd.f32 v4, v15;
	v13 =	vld [tilespmem:s22+$0x40F0]  }
0x60: {  	v8 =	vadd.f32 v18, v8;
	v15 =	vld [tilespmem:s22+$0x41E0];
	v5 =	vadd.f32 v5, v12  }
0x61: {  	v12 =	vld [tilespmem:s22+$0x4160];
	v6 =	vadd.f32 v6, v14;
	v11 =	vadd.f32 v19, v11  }
0x62: {  	s23 =	sshll.u32 s21, $0xB;
	v14 =	vld [tilespmem:s22+$0x4170];
	v10 =	vadd.f32 v20, v10;
	v8 =	vadd.f32 v16, v8  }
0x63: {  	v16 =	vld [tilespmem:s22+$0x41F0];
	s22 =	sshrl.u32 s23, $0x2;
	v9 =	vadd.f32 v21, v9;
	v11 =	vadd.f32 v17, v11  }
0x64: {  	[tilespmem:s22+$0x14000] =	vst v3;
	v10 =	vadd.f32 v22, v10;
	v2 =	vadd.f32 v2, v8  }
0x65: {  	[tilespmem:s22+$0x14010] =	vst v4;
	v3 =	vadd.f32 v13, v9;
	v7 =	vadd.f32 v7, v11  }
0x66: {  	[tilespmem:s22+$0x14020] =	vst v5;
	v4 =	vadd.f32 v12, v10;
	v0 =	vadd.f32 v0, v2  }
0x67: {  	[tilespmem:s22+$0x14030] =	vst v6;
	v2 =	vadd.f32 v14, v3;
	v1 =	vadd.f32 v1, v7  }
0x68: {  	v3 =	vadd.f32 v15, v4;
	[tilespmem:s22+$0x14040] =	vst v0  }
0x69: {  	p0 =	seq.s32 s21, $0x1F;
	v0 =	vadd.f32 v16, v2;
	[tilespmem:s22+$0x14050] =	vst v1  }
0x6a: {  	s23 =	sshrl.u32 @!p0 s23, $0x2;
	[tilespmem:s22+$0x14060] =	vst v3  }
0x6b: {  	s25 =	simm.s32 @!p0 $0x80;
	s26 =	simm.s32 @!p0 $0x4000;
	s24 =	sadd.s32 @!p0 $0x200, s23;
	[tilespmem:s22+$0x14070] =	vst v0  }
0x6c: {  	[tilespmem:s26], [sflag:$0x1] =	stream.indirect.gather @!p0 [hbm4b:s1+s25], $0x80, s24, s25, $0xb8;
	[tilespmem:$0x18000] =	vst v63  }
0x6d: {  	_ =	swait.ge [sflag:s16], $0x4000  }
0x6e: {  	[sflag:s16] =	ssyncset.done $0x0  }
0x6f: {  	s24 =	simm.s32 $0x0;
	[sflag:s16] =	ssyncadd.s32 $0xFFFFC000  }
0x70: {  	v3 =	vld [tilespmem:s24+$0x8180]  }
0x71: {  	v4 =	vld [tilespmem:s24+$0x8190]  }
0x72: {  	v5 =	vld [tilespmem:s24+$0x81A0]  }
0x73: {  	v6 =	vld [tilespmem:s24+$0x81B0]  }
0x74: {  	v0 =	vld [tilespmem:s24+$0x81C0]  }
0x75: {  	v1 =	vld [tilespmem:s24+$0x81D0]  }
0x76: {  	v13 =	vld [tilespmem:s24+$0x8100]  }
0x77: {  	v15 =	vld [tilespmem:s24+$0x8110]  }
0x78: {  	v12 =	vld [tilespmem:s24+$0x8120]  }
0x79: {  	v14 =	vld [tilespmem:s24+$0x8130]  }
0x7a: {  	v2 =	vld [tilespmem:s24+$0x8140]  }
0x7b: {  	v9 =	vld [tilespmem:s24+$0x8080]  }
0x7c: {  	v10 =	vld [tilespmem:s24+$0x8090]  }
0x7d: {  	v11 =	vld [tilespmem:s24+$0x8000]  }
0x7e: {  	v17 =	vld [tilespmem:s24+$0x8010]  }
0x7f: {  	v18 =	vld [tilespmem:s24+$0x8020]  }
0x80: {  	v19 =	vld [tilespmem:s24+$0x8030]  }
0x81: {  	v20 =	vld [tilespmem:s24+$0x80A0]  }
0x82: {  	v24 =	vld [tilespmem:s24+$0x80B0]  }
0x83: {  	v8 =	vimm.f32 $0.0e+00;
	v7 =	vld [tilespmem:s24+$0x8150]  }
0x84: {  	v16 =	vld [tilespmem:s24+$0x80C0];
	v11 =	vadd.f32 v11, v8;
	v22 =	vadd.f32 v17, v8  }
0x85: {  	v17 =	vld [tilespmem:s24+$0x80D0];
	v23 =	vadd.f32 v18, v8;
	v25 =	vadd.f32 v19, v8  }
0x86: {  	v18 =	vld [tilespmem:s24+$0x8040];
	v21 =	vadd.f32 v9, v11;
	v22 =	vadd.f32 v10, v22  }
0x87: {  	v19 =	vld [tilespmem:s24+$0x8050];
	v23 =	vadd.f32 v20, v23;
	v24 =	vadd.f32 v24, v25  }
0x88: {  	s25 =	simm.s32 $0x800;
	v20 =	vld [tilespmem:s24+$0x8060];
	v11 =	vimm.f32 $0.0e+00;
	v10 =	vimm.f32 $0.0e+00;
	v9 =	vimm.f32 $0.0e+00  }
.LBB2_5:
0x89: {  	p1 =	sne.s32 s25, $0xF800;
	v13 =	vadd.f32 v13, v21;
	v15 =	vadd.f32 v15, v22;
	v21 =	vld [tilespmem:s24+$0x8070]  }
0x8a: {  	v12 =	vadd.f32 v12, v23;
	v14 =	vadd.f32 v14, v24;
	v22 =	vld [tilespmem:s24+$0x80E0]  }
0x8b: {  	v23 =	vadd.f32 v3, v13;
	v24 =	vadd.f32 v4, v15;
	v4 =	vld [tilespmem:s24+$0x80F0]  }
0x8c: {  	v25 =	vadd.f32 v5, v12;
	v26 =	vadd.f32 v6, v14;
	v6 =	vld [tilespmem:s24+$0x8160]  }
0x8d: {  	v3 =	vadd.f32 v18, v8;
	v5 =	vadd.f32 v19, v11;
	v8 =	vld [tilespmem:s24+$0x8170]  }
0x8e: {  	v10 =	vadd.f32 v20, v10;
	v12 =	vld [tilespmem:s24+$0x81E0];
	v9 =	vadd.f32 v21, v9  }
0x8f: {  	v11 =	vadd.f32 v16, v3;
	v5 =	vadd.f32 v17, v5;
	v13 =	vld [tilespmem:s24+$0x81F0];
	s24 =	sshra.s32 s25, $0x2  }
0x90: {  	v10 =	vadd.f32 v22, v10;
	v3 =	vld [tilespmem:s24+$0x8180];
	v9 =	vadd.f32 v4, v9  }
0x91: {  	v2 =	vadd.f32 v2, v11;
	v7 =	vadd.f32 v7, v5;
	v4 =	vld [tilespmem:s24+$0x8190]  }
0x92: {  	v10 =	vadd.f32 v6, v10;
	v5 =	vld [tilespmem:s24+$0x81A0];
	v9 =	vadd.f32 v8, v9  }
0x93: {  	v8 =	vadd.f32 v0, v2;
	v11 =	vadd.f32 v1, v7;
	v6 =	vld [tilespmem:s24+$0x81B0]  }
0x94: {  	v10 =	vadd.f32 v12, v10;
	v0 =	vld [tilespmem:s24+$0x81C0];
	v9 =	vadd.f32 v13, v9  }
0x95: {  	v1 =	vld [tilespmem:s24+$0x81D0]  }
0x96: {  	v13 =	vld [tilespmem:s24+$0x8100]  }
0x97: {  	v15 =	vld [tilespmem:s24+$0x8110]  }
0x98: {  	v12 =	vld [tilespmem:s24+$0x8120]  }
0x99: {  	v14 =	vld [tilespmem:s24+$0x8130]  }
0x9a: {  	v2 =	vld [tilespmem:s24+$0x8140]  }
0x9b: {  	v7 =	vld [tilespmem:s24+$0x8150]  }
0x9c: {  	v19 =	vld [tilespmem:s24+$0x8080]  }
0x9d: {  	v20 =	vld [tilespmem:s24+$0x8090]  }
0x9e: {  	v17 =	vld [tilespmem:s24+$0x8000]  }
0x9f: {  	v18 =	vld [tilespmem:s24+$0x8010]  }
0xa0: {  	v21 =	vld [tilespmem:s24+$0x8020]  }
0xa1: {  	v22 =	vld [tilespmem:s24+$0x8030]  }
0xa2: {  	v27 =	vld [tilespmem:s24+$0x80A0]  }
0xa3: {  	v28 =	vld [tilespmem:s24+$0x80B0]  }
.Ltmp3:
0xa4: {  	v16 =	vld [tilespmem:s24+$0x80C0];
	(pc) =	sbr.rel @p1 .LBB2_5-.Ltmp3, $4  }
0xa5: {  	v23 =	vadd.f32 v17, v23;
	v24 =	vadd.f32 v18, v24;
	v17 =	vld [tilespmem:s24+$0x80D0]  }
0xa6: {  	v25 =	vadd.f32 v21, v25;
	v26 =	vadd.f32 v22, v26;
	v18 =	vld [tilespmem:s24+$0x8040]  }
0xa7: {  	v21 =	vadd.f32 v19, v23;
	v22 =	vadd.f32 v20, v24;
	v19 =	vld [tilespmem:s24+$0x8050]  }
0xa8: {  	s25 =	sadd.s32 $0x800, s25;
	v23 =	vadd.f32 v27, v25;
	v24 =	vadd.f32 v28, v26;
	v20 =	vld [tilespmem:s24+$0x8060]  }
0xa9: {  	v13 =	vadd.f32 v13, v21;
	v15 =	vadd.f32 v15, v22  }
0xaa: {  	v21 =	vld [tilespmem:s24+$0x8070];
	v12 =	vadd.f32 v12, v23;
	v14 =	vadd.f32 v14, v24  }
0xab: {  	v22 =	vld [tilespmem:s24+$0x80E0];
	v3 =	vadd.f32 v3, v13;
	v4 =	vadd.f32 v4, v15  }
0xac: {  	v13 =	vld [tilespmem:s24+$0x80F0];
	v8 =	vadd.f32 v18, v8;
	v5 =	vadd.f32 v5, v12  }
0xad: {  	v12 =	vld [tilespmem:s24+$0x8160];
	v6 =	vadd.f32 v6, v14;
	v11 =	vadd.f32 v19, v11  }
0xae: {  	v14 =	vld [tilespmem:s24+$0x8170];
	v10 =	vadd.f32 v20, v10;
	v8 =	vadd.f32 v16, v8  }
0xaf: {  	v15 =	vld [tilespmem:s24+$0x81E0];
	v9 =	vadd.f32 v21, v9;
	v11 =	vadd.f32 v17, v11  }
0xb0: {  	v16 =	vld [tilespmem:s24+$0x81F0];
	[tilespmem:s22+$0x14080] =	vst v3;
	v10 =	vadd.f32 v22, v10;
	v2 =	vadd.f32 v2, v8  }
0xb1: {  	[tilespmem:s22+$0x14090] =	vst v4;
	v3 =	vadd.f32 v13, v9;
	v7 =	vadd.f32 v7, v11  }
0xb2: {  	[tilespmem:s22+$0x140A0] =	vst v5;
	v4 =	vadd.f32 v12, v10;
	v0 =	vadd.f32 v0, v2  }
0xb3: {  	[tilespmem:s22+$0x140B0] =	vst v6;
	v2 =	vadd.f32 v14, v3;
	v1 =	vadd.f32 v1, v7  }
0xb4: {  	v3 =	vadd.f32 v15, v4;
	[tilespmem:s22+$0x140C0] =	vst v0  }
0xb5: {  	v0 =	vadd.f32 v16, v2;
	[tilespmem:s22+$0x140D0] =	vst v1  }
0xb6: {  	[tilespmem:s22+$0x140E0] =	vst v3  }
0xb7: {  	s25 =	simm.s32 @!p0 $0x80;
	s26 =	simm.s32 @!p0 $0x8000;
	s24 =	sadd.s32 @!p0 $0x280, s23;
	[tilespmem:s22+$0x140F0] =	vst v0  }
0xb8: {  	[tilespmem:s26], [sflag:$0x2] =	stream.indirect.gather @!p0 [hbm4b:s1+s25], $0x80, s24, s25, $0xb8;
	[tilespmem:$0x18000] =	vst v63  }
0xb9: {  	_ =	swait.ge [sflag:s17], $0x4000  }
0xba: {  	[sflag:s17] =	ssyncset.done $0x0  }
0xbb: {  	s24 =	simm.s32 $0x0;
	[sflag:s17] =	ssyncadd.s32 $0xFFFFC000  }
0xbc: {  	v3 =	vld [tilespmem:s24+$0xC180]  }
0xbd: {  	v4 =	vld [tilespmem:s24+$0xC190]  }
0xbe: {  	v5 =	vld [tilespmem:s24+$0xC1A0]  }
0xbf: {  	v6 =	vld [tilespmem:s24+$0xC1B0]  }
0xc0: {  	v0 =	vld [tilespmem:s24+$0xC1C0]  }
0xc1: {  	v1 =	vld [tilespmem:s24+$0xC1D0]  }
0xc2: {  	v13 =	vld [tilespmem:s24+$0xC100]  }
0xc3: {  	v15 =	vld [tilespmem:s24+$0xC110]  }
0xc4: {  	v12 =	vld [tilespmem:s24+$0xC120]  }
0xc5: {  	v14 =	vld [tilespmem:s24+$0xC130]  }
0xc6: {  	v2 =	vld [tilespmem:s24+$0xC140]  }
0xc7: {  	v9 =	vld [tilespmem:s24+$0xC080]  }
0xc8: {  	v10 =	vld [tilespmem:s24+$0xC090]  }
0xc9: {  	v11 =	vld [tilespmem:s24+$0xC000]  }
0xca: {  	v17 =	vld [tilespmem:s24+$0xC010]  }
0xcb: {  	v18 =	vld [tilespmem:s24+$0xC020]  }
0xcc: {  	v19 =	vld [tilespmem:s24+$0xC030]  }
0xcd: {  	v20 =	vld [tilespmem:s24+$0xC0A0]  }
0xce: {  	v24 =	vld [tilespmem:s24+$0xC0B0]  }
0xcf: {  	v8 =	vimm.f32 $0.0e+00;
	v7 =	vld [tilespmem:s24+$0xC150]  }
0xd0: {  	v16 =	vld [tilespmem:s24+$0xC0C0];
	v11 =	vadd.f32 v11, v8;
	v22 =	vadd.f32 v17, v8  }
0xd1: {  	v17 =	vld [tilespmem:s24+$0xC0D0];
	v23 =	vadd.f32 v18, v8;
	v25 =	vadd.f32 v19, v8  }
0xd2: {  	v18 =	vld [tilespmem:s24+$0xC040];
	v21 =	vadd.f32 v9, v11;
	v22 =	vadd.f32 v10, v22  }
0xd3: {  	v19 =	vld [tilespmem:s24+$0xC050];
	v23 =	vadd.f32 v20, v23;
	v24 =	vadd.f32 v24, v25  }
0xd4: {  	s25 =	simm.s32 $0x800;
	v20 =	vld [tilespmem:s24+$0xC060];
	v11 =	vimm.f32 $0.0e+00;
	v10 =	vimm.f32 $0.0e+00;
	v9 =	vimm.f32 $0.0e+00  }
.LBB2_7:
0xd5: {  	p1 =	sne.s32 s25, $0xF800;
	v13 =	vadd.f32 v13, v21;
	v15 =	vadd.f32 v15, v22;
	v21 =	vld [tilespmem:s24+$0xC070]  }
0xd6: {  	v12 =	vadd.f32 v12, v23;
	v14 =	vadd.f32 v14, v24;
	v22 =	vld [tilespmem:s24+$0xC0E0]  }
0xd7: {  	v23 =	vadd.f32 v3, v13;
	v24 =	vadd.f32 v4, v15;
	v4 =	vld [tilespmem:s24+$0xC0F0]  }
0xd8: {  	v25 =	vadd.f32 v5, v12;
	v26 =	vadd.f32 v6, v14;
	v6 =	vld [tilespmem:s24+$0xC160]  }
0xd9: {  	v3 =	vadd.f32 v18, v8;
	v5 =	vadd.f32 v19, v11;
	v8 =	vld [tilespmem:s24+$0xC170]  }
0xda: {  	v10 =	vadd.f32 v20, v10;
	v12 =	vld [tilespmem:s24+$0xC1E0];
	v9 =	vadd.f32 v21, v9  }
0xdb: {  	v11 =	vadd.f32 v16, v3;
	v5 =	vadd.f32 v17, v5;
	v13 =	vld [tilespmem:s24+$0xC1F0];
	s24 =	sshra.s32 s25, $0x2  }
0xdc: {  	v10 =	vadd.f32 v22, v10;
	v3 =	vld [tilespmem:s24+$0xC180];
	v9 =	vadd.f32 v4, v9  }
0xdd: {  	v2 =	vadd.f32 v2, v11;
	v7 =	vadd.f32 v7, v5;
	v4 =	vld [tilespmem:s24+$0xC190]  }
0xde: {  	v10 =	vadd.f32 v6, v10;
	v5 =	vld [tilespmem:s24+$0xC1A0];
	v9 =	vadd.f32 v8, v9  }
0xdf: {  	v8 =	vadd.f32 v0, v2;
	v11 =	vadd.f32 v1, v7;
	v6 =	vld [tilespmem:s24+$0xC1B0]  }
0xe0: {  	v10 =	vadd.f32 v12, v10;
	v0 =	vld [tilespmem:s24+$0xC1C0];
	v9 =	vadd.f32 v13, v9  }
0xe1: {  	v1 =	vld [tilespmem:s24+$0xC1D0]  }
0xe2: {  	v13 =	vld [tilespmem:s24+$0xC100]  }
0xe3: {  	v15 =	vld [tilespmem:s24+$0xC110]  }
0xe4: {  	v12 =	vld [tilespmem:s24+$0xC120]  }
0xe5: {  	v14 =	vld [tilespmem:s24+$0xC130]  }
0xe6: {  	v2 =	vld [tilespmem:s24+$0xC140]  }
0xe7: {  	v7 =	vld [tilespmem:s24+$0xC150]  }
0xe8: {  	v19 =	vld [tilespmem:s24+$0xC080]  }
0xe9: {  	v20 =	vld [tilespmem:s24+$0xC090]  }
0xea: {  	v17 =	vld [tilespmem:s24+$0xC000]  }
0xeb: {  	v18 =	vld [tilespmem:s24+$0xC010]  }
0xec: {  	v21 =	vld [tilespmem:s24+$0xC020]  }
0xed: {  	v22 =	vld [tilespmem:s24+$0xC030]  }
0xee: {  	v27 =	vld [tilespmem:s24+$0xC0A0]  }
0xef: {  	v28 =	vld [tilespmem:s24+$0xC0B0]  }
.Ltmp4:
0xf0: {  	v16 =	vld [tilespmem:s24+$0xC0C0];
	(pc) =	sbr.rel @p1 .LBB2_7-.Ltmp4, $4  }
0xf1: {  	v23 =	vadd.f32 v17, v23;
	v24 =	vadd.f32 v18, v24;
	v17 =	vld [tilespmem:s24+$0xC0D0]  }
0xf2: {  	v25 =	vadd.f32 v21, v25;
	v26 =	vadd.f32 v22, v26;
	v18 =	vld [tilespmem:s24+$0xC040]  }
0xf3: {  	v21 =	vadd.f32 v19, v23;
	v22 =	vadd.f32 v20, v24;
	v19 =	vld [tilespmem:s24+$0xC050]  }
0xf4: {  	s25 =	sadd.s32 $0x800, s25;
	v23 =	vadd.f32 v27, v25;
	v24 =	vadd.f32 v28, v26;
	v20 =	vld [tilespmem:s24+$0xC060]  }
0xf5: {  	v13 =	vadd.f32 v13, v21;
	v15 =	vadd.f32 v15, v22  }
0xf6: {  	v21 =	vld [tilespmem:s24+$0xC070];
	v12 =	vadd.f32 v12, v23;
	v14 =	vadd.f32 v14, v24  }
0xf7: {  	v22 =	vld [tilespmem:s24+$0xC0E0];
	v3 =	vadd.f32 v3, v13;
	v4 =	vadd.f32 v4, v15  }
0xf8: {  	v13 =	vld [tilespmem:s24+$0xC0F0];
	v8 =	vadd.f32 v18, v8;
	v5 =	vadd.f32 v5, v12  }
0xf9: {  	v12 =	vld [tilespmem:s24+$0xC160];
	v6 =	vadd.f32 v6, v14;
	v11 =	vadd.f32 v19, v11  }
0xfa: {  	v14 =	vld [tilespmem:s24+$0xC170];
	v10 =	vadd.f32 v20, v10;
	v8 =	vadd.f32 v16, v8  }
0xfb: {  	v15 =	vld [tilespmem:s24+$0xC1E0];
	v9 =	vadd.f32 v21, v9;
	v11 =	vadd.f32 v17, v11  }
0xfc: {  	v16 =	vld [tilespmem:s24+$0xC1F0];
	[tilespmem:s22+$0x14100] =	vst v3;
	v10 =	vadd.f32 v22, v10;
	v2 =	vadd.f32 v2, v8  }
0xfd: {  	[tilespmem:s22+$0x14110] =	vst v4;
	v3 =	vadd.f32 v13, v9;
	v7 =	vadd.f32 v7, v11  }
0xfe: {  	[tilespmem:s22+$0x14120] =	vst v5;
	v4 =	vadd.f32 v12, v10;
	v0 =	vadd.f32 v0, v2  }
0xff: {  	[tilespmem:s22+$0x14130] =	vst v6;
	v2 =	vadd.f32 v14, v3;
	v1 =	vadd.f32 v1, v7  }
0x100: {  	v3 =	vadd.f32 v15, v4;
	[tilespmem:s22+$0x14140] =	vst v0  }
0x101: {  	v0 =	vadd.f32 v16, v2;
	[tilespmem:s22+$0x14150] =	vst v1  }
0x102: {  	[tilespmem:s22+$0x14160] =	vst v3  }
0x103: {  	s23 =	sadd.s32 @!p0 $0x300, s23;
	s25 =	simm.s32 @!p0 $0xC000;
	s24 =	simm.s32 @!p0 $0x80;
	[tilespmem:s22+$0x14170] =	vst v0  }
0x104: {  	[tilespmem:s25], [sflag:$0x3] =	stream.indirect.gather @!p0 [hbm4b:s1+s24], $0x80, s23, s24, $0xb8;
	[tilespmem:$0x18000] =	vst v63  }
0x105: {  	_ =	swait.ge [sflag:s18], $0x4000  }
0x106: {  	[sflag:s18] =	ssyncset.done $0x0  }
0x107: {  	s23 =	simm.s32 $0x0;
	[sflag:s18] =	ssyncadd.s32 $0xFFFFC000  }
0x108: {  	v3 =	vld [tilespmem:s23+$0x10180]  }
0x109: {  	v4 =	vld [tilespmem:s23+$0x10190]  }
0x10a: {  	v5 =	vld [tilespmem:s23+$0x101A0]  }
0x10b: {  	v6 =	vld [tilespmem:s23+$0x101B0]  }
0x10c: {  	v0 =	vld [tilespmem:s23+$0x101C0]  }
0x10d: {  	v1 =	vld [tilespmem:s23+$0x101D0]  }
0x10e: {  	v13 =	vld [tilespmem:s23+$0x10100]  }
0x10f: {  	v15 =	vld [tilespmem:s23+$0x10110]  }
0x110: {  	v12 =	vld [tilespmem:s23+$0x10120]  }
0x111: {  	v14 =	vld [tilespmem:s23+$0x10130]  }
0x112: {  	v2 =	vld [tilespmem:s23+$0x10140]  }
0x113: {  	v9 =	vld [tilespmem:s23+$0x10080]  }
0x114: {  	v10 =	vld [tilespmem:s23+$0x10090]  }
0x115: {  	v11 =	vld [tilespmem:s23+$0x10000]  }
0x116: {  	v17 =	vld [tilespmem:s23+$0x10010]  }
0x117: {  	v18 =	vld [tilespmem:s23+$0x10020]  }
0x118: {  	v19 =	vld [tilespmem:s23+$0x10030]  }
0x119: {  	v20 =	vld [tilespmem:s23+$0x100A0]  }
0x11a: {  	v24 =	vld [tilespmem:s23+$0x100B0]  }
0x11b: {  	v8 =	vimm.f32 $0.0e+00;
	v7 =	vld [tilespmem:s23+$0x10150]  }
0x11c: {  	v16 =	vld [tilespmem:s23+$0x100C0];
	v11 =	vadd.f32 v11, v8;
	v22 =	vadd.f32 v17, v8  }
0x11d: {  	v17 =	vld [tilespmem:s23+$0x100D0];
	v23 =	vadd.f32 v18, v8;
	v25 =	vadd.f32 v19, v8  }
0x11e: {  	v18 =	vld [tilespmem:s23+$0x10040];
	v21 =	vadd.f32 v9, v11;
	v22 =	vadd.f32 v10, v22  }
0x11f: {  	v19 =	vld [tilespmem:s23+$0x10050];
	v23 =	vadd.f32 v20, v23;
	v24 =	vadd.f32 v24, v25  }
0x120: {  	s24 =	simm.s32 $0x800;
	v20 =	vld [tilespmem:s23+$0x10060];
	v11 =	vimm.f32 $0.0e+00;
	v10 =	vimm.f32 $0.0e+00;
	v9 =	vimm.f32 $0.0e+00  }
.LBB2_9:
0x121: {  	p1 =	sne.s32 s24, $0xF800;
	v13 =	vadd.f32 v13, v21;
	v15 =	vadd.f32 v15, v22;
	v21 =	vld [tilespmem:s23+$0x10070]  }
0x122: {  	v12 =	vadd.f32 v12, v23;
	v14 =	vadd.f32 v14, v24;
	v22 =	vld [tilespmem:s23+$0x100E0]  }
0x123: {  	v23 =	vadd.f32 v3, v13;
	v24 =	vadd.f32 v4, v15;
	v4 =	vld [tilespmem:s23+$0x100F0]  }
0x124: {  	v25 =	vadd.f32 v5, v12;
	v26 =	vadd.f32 v6, v14;
	v6 =	vld [tilespmem:s23+$0x10160]  }
0x125: {  	v3 =	vadd.f32 v18, v8;
	v5 =	vadd.f32 v19, v11;
	v8 =	vld [tilespmem:s23+$0x10170]  }
0x126: {  	v10 =	vadd.f32 v20, v10;
	v12 =	vld [tilespmem:s23+$0x101E0];
	v9 =	vadd.f32 v21, v9  }
0x127: {  	v11 =	vadd.f32 v16, v3;
	v5 =	vadd.f32 v17, v5;
	v13 =	vld [tilespmem:s23+$0x101F0];
	s23 =	sshra.s32 s24, $0x2  }
0x128: {  	v10 =	vadd.f32 v22, v10;
	v3 =	vld [tilespmem:s23+$0x10180];
	v9 =	vadd.f32 v4, v9  }
0x129: {  	v2 =	vadd.f32 v2, v11;
	v7 =	vadd.f32 v7, v5;
	v4 =	vld [tilespmem:s23+$0x10190]  }
0x12a: {  	v10 =	vadd.f32 v6, v10;
	v5 =	vld [tilespmem:s23+$0x101A0];
	v9 =	vadd.f32 v8, v9  }
0x12b: {  	v8 =	vadd.f32 v0, v2;
	v11 =	vadd.f32 v1, v7;
	v6 =	vld [tilespmem:s23+$0x101B0]  }
0x12c: {  	v10 =	vadd.f32 v12, v10;
	v0 =	vld [tilespmem:s23+$0x101C0];
	v9 =	vadd.f32 v13, v9  }
0x12d: {  	v1 =	vld [tilespmem:s23+$0x101D0]  }
0x12e: {  	v13 =	vld [tilespmem:s23+$0x10100]  }
0x12f: {  	v15 =	vld [tilespmem:s23+$0x10110]  }
0x130: {  	v12 =	vld [tilespmem:s23+$0x10120]  }
0x131: {  	v14 =	vld [tilespmem:s23+$0x10130]  }
0x132: {  	v2 =	vld [tilespmem:s23+$0x10140]  }
0x133: {  	v7 =	vld [tilespmem:s23+$0x10150]  }
0x134: {  	v19 =	vld [tilespmem:s23+$0x10080]  }
0x135: {  	v20 =	vld [tilespmem:s23+$0x10090]  }
0x136: {  	v17 =	vld [tilespmem:s23+$0x10000]  }
0x137: {  	v18 =	vld [tilespmem:s23+$0x10010]  }
0x138: {  	v21 =	vld [tilespmem:s23+$0x10020]  }
0x139: {  	v22 =	vld [tilespmem:s23+$0x10030]  }
0x13a: {  	v27 =	vld [tilespmem:s23+$0x100A0]  }
0x13b: {  	v28 =	vld [tilespmem:s23+$0x100B0]  }
.Ltmp5:
0x13c: {  	v16 =	vld [tilespmem:s23+$0x100C0];
	(pc) =	sbr.rel @p1 .LBB2_9-.Ltmp5, $4  }
0x13d: {  	v23 =	vadd.f32 v17, v23;
	v24 =	vadd.f32 v18, v24;
	v17 =	vld [tilespmem:s23+$0x100D0]  }
0x13e: {  	v25 =	vadd.f32 v21, v25;
	v26 =	vadd.f32 v22, v26;
	v18 =	vld [tilespmem:s23+$0x10040]  }
0x13f: {  	v21 =	vadd.f32 v19, v23;
	v22 =	vadd.f32 v20, v24;
	v19 =	vld [tilespmem:s23+$0x10050]  }
0x140: {  	s24 =	sadd.s32 $0x800, s24;
	v23 =	vadd.f32 v27, v25;
	v24 =	vadd.f32 v28, v26;
	v20 =	vld [tilespmem:s23+$0x10060]  }
0x141: {  	v13 =	vadd.f32 v13, v21;
	v15 =	vadd.f32 v15, v22  }
0x142: {  	v52 =	vld [tilespmem:s23+$0x10070];
	v12 =	vadd.f32 v12, v23;
	v14 =	vadd.f32 v14, v24  }
0x143: {  	v53 =	vld [tilespmem:s23+$0x100E0];
	v3 =	vadd.f32 v3, v13;
	v4 =	vadd.f32 v4, v15  }
0x144: {  	v54 =	vld [tilespmem:s23+$0x100F0];
	v8 =	vadd.f32 v18, v8;
	v5 =	vadd.f32 v5, v12  }
0x145: {  	v55 =	vld [tilespmem:s23+$0x10160];
	v6 =	vadd.f32 v6, v14;
	v11 =	vadd.f32 v19, v11  }
0x146: {  	v56 =	vld [tilespmem:s23+$0x10170];
	v10 =	vadd.f32 v20, v10;
	v8 =	vadd.f32 v16, v8  }
0x147: {  	v57 =	vld [tilespmem:s23+$0x101E0];
	v9 =	vadd.f32 v52, v9;
	v11 =	vadd.f32 v17, v11  }
0x148: {  	v58 =	vld [tilespmem:s23+$0x101F0];
	[tilespmem:s22+$0x14180] =	vst v3;
	v10 =	vadd.f32 v53, v10;
	v2 =	vadd.f32 v2, v8  }
0x149: {  	[tilespmem:s22+$0x14190] =	vst v4;
	v59 =	vadd.f32 v54, v9;
	v7 =	vadd.f32 v7, v11  }
0x14a: {  	[tilespmem:s22+$0x141A0] =	vst v5;
	v60 =	vadd.f32 v55, v10;
	v0 =	vadd.f32 v0, v2  }
.Ltmp6:
0x14b: {  	[tilespmem:s22+$0x141B0] =	vst v6;
	v61 =	vadd.f32 v56, v59;
	v1 =	vadd.f32 v1, v7;
	(pc) =	sbr.rel @p0 .LBB2_12-.Ltmp6, $4  }
0x14c: {  	v62 =	vadd.f32 v57, v60;
	[tilespmem:s22+$0x141C0] =	vst v0  }
0x14d: {  	v63 =	vadd.f32 v58, v61;
	[tilespmem:s22+$0x141D0] =	vst v1  }
0x14e: {  	[tilespmem:s22+$0x141E0] =	vst v62  }
0x14f: {  	[tilespmem:s22+$0x141F0] =	vst v63  }
.Ltmp7:
0x150: {  	(pc) =	sbr.rel .LBB2_2-.Ltmp7, $3  }
0x151: {  	_ =	sdelay $0x1  }
0x152: {  	s22 =	sadd.s32 $0x380, s22;
	s21 =	sadd.s32 $0x1, s21  }
0x153: {  	[tilespmem:s14], [sflag:$0x4] =	stream.indirect.gather [hbm4b:s1+s8], $0x80, s22, s8, $0xb8;
	[tilespmem:$0x18000] =	vst v63  }
.LBB2_13:
0x154: {  	_ =	sfence.sel $0x180000  }
0x155: {  	[bflag:$0x0] =	sbarrier.arrive $0xFFFF  }
0x156: {  	p0 =	sne.s32 s2, $0x0;
	_ =	strace $0x90000047  }
0x157: {  	s0 =	sadd.s32 @!p0 $0x100000, s0;
	[bflag:$0x2] =	sbarrier.arrive $0xFFFF  }
0x158: {  	[sflag:s0] =	ssyncadd.tile.s32 @!p0 $0x1;
	_ =	shalt  }
.Lfunc_end2:
_tile_overlayer_lowered:
.L_overlay_start_2:
0x159: {  	(tag) =	ssettag $0x2  }
0x15a: {  	s0 =	rddreg [dreg:$0x0];
	s2 =	stileid.u32  }
0x15b: {  	s1 =	rddreg [dreg:$0x1];
	p0 =	sne.s32 s2, $0x0  }
0x15c: {  	s3 =	rddreg [dreg:$0x2];
	[bflag:$0x3] =	sbarrier.arrive $0xFFFF;
	s2 =	simm.s32 @!p0 $0x1C05  }
0x15d: {  	[timem:s3], [sflag:s2] =	dma.local @!p0 [hbm:s0], s1  }
0x15e: {  	s0 =	simm.s32 @!p0 $0x5  }
0x15f: {  	_ =	swait.ge @!p0 [sflag:s0], s1  }
0x160: {  	s1 =	ssub.s32 @!p0 $0x0, s1;
	[sflag:s0] =	ssyncset.done @!p0 $0x0  }
0x161: {  	[sflag:s0] =	ssyncadd.s32 @!p0 s1  }
0x162: {  	[bflag:$0x3] =	sbarrier.arrive $0xFFFF  }
0x163: {  	_ =	shalt  }

</sc_bundles>
